<compile_context>
chip_gen: v7x
topology: tpu7x:2x2x1
jax: 0.10.2.dev20260603
libtpu: 0.0.44.dev20260713+nightly
codegen_flags: <defaults>
</compile_context>

<pallas_src>
import functools

import jax
import jax.numpy as jnp
from jax import lax
from jax.experimental import pallas as pl
from jax.experimental.pallas import tpu as pltpu
from jax.experimental.pallas import tpu_sc as plsc

N = 10000
E = 160000
FIN = 256
HID = 512
NGRAPH = 64

NC, NS = 2, 16
NTILE = NC * NS

EHG = 40
EH = EHG * 128
HSIZE = 10240
HSLC = HSIZE // NS

EGRP = 128
NGRP = 80
HGRP = NGRP // 2
EPT = EGRP * NGRP
EPAD = NS * EPT
ACC_N = 10112
SLC = ACC_N // NS

RB = 400
GRID = N // RB

_f32 = jnp.float32


@functools.partial(
    pl.kernel,
    out_type=jax.ShapeDtypeStruct((NC * HSIZE,), _f32),
    mesh=plsc.VectorSubcoreMesh(core_axis_name="c", subcore_axis_name="s",
                                num_cores=NC, num_subcores=NS),
    scratch_types=[
        pltpu.VMEM((EHG, 128), jnp.int32),
        pltpu.VMEM((128,), _f32),
        pltpu.VMEM_SHARED((HSIZE,), _f32),
    ],
)
def _sc_hist(colh_hbm, ones_hbm, zeros_hbm, out_hbm, colv, onesv, hist):
    cid = lax.axis_index("c")
    sid = lax.axis_index("s")
    wid = cid * NS + sid
    pltpu.sync_copy(colh_hbm.at[wid], colv)
    pltpu.sync_copy(ones_hbm, onesv)
    pltpu.sync_copy(zeros_hbm.at[pl.ds(sid * HSLC, HSLC)],
                    hist.at[pl.ds(sid * HSLC, HSLC)])
    plsc.subcore_barrier()

    def hb(g, carry):
        pltpu.sync_copy(onesv, hist.at[colv.at[g]], add=True)
        return carry

    lax.fori_loop(0, EHG, hb, 0)
    plsc.subcore_barrier()
    pltpu.sync_copy(hist.at[pl.ds(sid * HSLC, HSLC)],
                    out_hbm.at[pl.ds(cid * HSIZE + sid * HSLC, HSLC)])


def _make_agg(nch):
    cpc = nch // NC

    @functools.partial(
        pl.kernel,
        out_type=jax.ShapeDtypeStruct((nch, ACC_N, 128), _f32),
        mesh=plsc.VectorSubcoreMesh(core_axis_name="c", subcore_axis_name="s",
                                    num_cores=NC, num_subcores=NS),
        scratch_types=[
            pltpu.VMEM((HGRP + 8, EGRP), jnp.int32),
            pltpu.VMEM((HGRP, EGRP), jnp.int32),
            pltpu.VMEM((EGRP, 128), _f32),
            pltpu.VMEM((EGRP, 128), _f32),
            pltpu.VMEM_SHARED((ACC_N, 128), _f32),
            pltpu.SemaphoreType.DMA,
            pltpu.SemaphoreType.DMA,
        ],
    )
    def agg(xs_hbm, rows_hbm, cols_hbm, zeros_hbm, out_hbm,
            rowv, colv, bufa, bufb, accum, sema, semb):
        cid = lax.axis_index("c")
        sid = lax.axis_index("s")
        for ch in range(cpc):
            chunk = cid * cpc + ch
            src = xs_hbm.at[chunk]
            pltpu.sync_copy(zeros_hbm, accum.at[pl.ds(sid * SLC, SLC)])
            plsc.subcore_barrier()
            for hoff in (0, HGRP):
                pltpu.sync_copy(rows_hbm.at[sid].at[pl.ds(hoff, HGRP + 8)],
                                rowv)
                pltpu.sync_copy(cols_hbm.at[sid].at[pl.ds(hoff, HGRP)],
                                colv)
                pltpu.async_copy(src.at[rowv.at[0]], bufa, sema)

                def gb(i, carry):
                    g = 2 * i
                    pltpu.async_copy(src.at[rowv.at[g + 1]], bufb, semb)
                    pltpu.make_async_copy(src.at[rowv.at[g]], bufa,
                                          sema).wait()
                    pltpu.sync_copy(bufa, accum.at[colv.at[g]], add=True)
                    pltpu.async_copy(src.at[rowv.at[g + 2]], bufa, sema)
                    pltpu.make_async_copy(src.at[rowv.at[g + 1]], bufb,
                                          semb).wait()
                    pltpu.sync_copy(bufb, accum.at[colv.at[g + 1]],
                                    add=True)
                    return carry

                lax.fori_loop(0, HGRP // 2, gb, 0)
                pltpu.make_async_copy(src.at[rowv.at[HGRP]], bufa,
                                      sema).wait()
            plsc.subcore_barrier()
            pltpu.sync_copy(accum.at[pl.ds(sid * SLC, SLC)],
                            out_hbm.at[chunk].at[pl.ds(sid * SLC, SLC)])

    return agg


_agg2 = _make_agg(2)
_agg4 = _make_agg(4)


def _dinv_body(p_ref, out_ref):
    deg = lax.dot_general(p_ref[...], jnp.ones((NC, 1), _f32),
                          (((0,), (0,)), ((), ())),
                          preferred_element_type=_f32,
                 precision=lax.Precision.HIGHEST) + 1.0
    out_ref[...] = jnp.broadcast_to(jax.lax.rsqrt(deg), (HSIZE, 8))


_dinv_call = pl.pallas_call(
    _dinv_body,
    out_shape=jax.ShapeDtypeStruct((HSIZE, 8), _f32),
)


def _r16(a):
    return a.astype(jnp.bfloat16).astype(_f32)


def _scale_x_body(x_ref, d_ref, out_ref):
    xs = _r16(x_ref[...]) * d_ref[:, :1]
    out_ref[...] = jnp.stack([xs[:, :128], xs[:, 128:]], axis=0)


_scale_x_call = pl.pallas_call(
    _scale_x_body,
    grid=(GRID,),
    in_specs=[
        pl.BlockSpec((RB, FIN), lambda i: (i, 0)),
        pl.BlockSpec((RB, 8), lambda i: (i, 0)),
    ],
    out_specs=pl.BlockSpec((2, RB, 128), lambda i: (0, i, 0)),
    out_shape=jax.ShapeDtypeStruct((2, N, 128), _f32),
)


def _l1_body(agg_ref, xs_ref, d_ref, w1_ref, b1_ref,
             pre_ref, mean_ref, var_ref, ssum, ssq):
    i = pl.program_id(0)
    a = jnp.concatenate([agg_ref[0], agg_ref[1]], axis=1)
    xsv = jnp.concatenate([xs_ref[0], xs_ref[1]], axis=1)
    n1 = d_ref[:, :1] * (a + xsv)
    pre = jnp.dot(n1, _r16(w1_ref[...]), preferred_element_type=_f32,
                 precision=lax.Precision.HIGHEST) + b1_ref[...]
    pre_ref[...] = pre
    part = jnp.sum(pre.reshape(RB // 8, 8, HID), axis=0)
    partsq = jnp.sum((pre * pre).reshape(RB // 8, 8, HID), axis=0)

    @pl.when(i == 0)
    def _():
        ssum[...] = part
        ssq[...] = partsq

    @pl.when(i > 0)
    def _():
        ssum[...] += part
        ssq[...] += partsq

    @pl.when(i == GRID - 1)
    def _():
        tot = jnp.sum(ssum[...], axis=0, keepdims=True) / N
        totsq = jnp.sum(ssq[...], axis=0, keepdims=True) / N
        mean_ref[...] = jnp.broadcast_to(tot, (8, HID))
        var_ref[...] = jnp.broadcast_to(totsq - tot * tot, (8, HID))


_l1_call = pl.pallas_call(
    _l1_body,
    grid=(GRID,),
    in_specs=[
        pl.BlockSpec((2, RB, 128), lambda i: (0, i, 0)),
        pl.BlockSpec((2, RB, 128), lambda i: (0, i, 0)),
        pl.BlockSpec((RB, 8), lambda i: (i, 0)),
        pl.BlockSpec((FIN, HID), lambda i: (0, 0)),
        pl.BlockSpec((1, HID), lambda i: (0, 0)),
    ],
    out_specs=[
        pl.BlockSpec((RB, HID), lambda i: (i, 0)),
        pl.BlockSpec((8, HID), lambda i: (0, 0)),
        pl.BlockSpec((8, HID), lambda i: (0, 0)),
    ],
    out_shape=[
        jax.ShapeDtypeStruct((N, HID), _f32),
        jax.ShapeDtypeStruct((8, HID), _f32),
        jax.ShapeDtypeStruct((8, HID), _f32),
    ],
    scratch_shapes=[pltpu.VMEM((8, HID), _f32), pltpu.VMEM((8, HID), _f32)],
)


def _l2in_body(pre_ref, mean_ref, var_ref, g_ref, be_ref, d_ref, w2_ref,
               out_ref):
    m = mean_ref[0:1, :]
    v = var_ref[0:1, :]
    h = (pre_ref[...] - m) * jax.lax.rsqrt(v + 1e-5) * g_ref[...] + be_ref[...]
    h = jnp.maximum(h, 0.0)
    h = _r16(h)
    xw2 = jnp.dot(h, _r16(w2_ref[...]), preferred_element_type=_f32,
                 precision=lax.Precision.HIGHEST)
    xs2 = d_ref[:, :1] * xw2
    out_ref[...] = jnp.stack(
        [xs2[:, 0:128], xs2[:, 128:256], xs2[:, 256:384], xs2[:, 384:512]],
        axis=0)


_l2in_call = pl.pallas_call(
    _l2in_body,
    grid=(GRID,),
    in_specs=[
        pl.BlockSpec((RB, HID), lambda i: (i, 0)),
        pl.BlockSpec((8, HID), lambda i: (0, 0)),
        pl.BlockSpec((8, HID), lambda i: (0, 0)),
        pl.BlockSpec((1, HID), lambda i: (0, 0)),
        pl.BlockSpec((1, HID), lambda i: (0, 0)),
        pl.BlockSpec((RB, 8), lambda i: (i, 0)),
        pl.BlockSpec((HID, HID), lambda i: (0, 0)),
    ],
    out_specs=pl.BlockSpec((4, RB, 128), lambda i: (0, i, 0)),
    out_shape=jax.ShapeDtypeStruct((4, N, 128), _f32),
)


def _l2out_body(agg_ref, xs_ref, d_ref, b2_ref,
                pre_ref, mean_ref, var_ref, ssum, ssq):
    i = pl.program_id(0)
    a = jnp.concatenate([agg_ref[0], agg_ref[1], agg_ref[2], agg_ref[3]],
                        axis=1)
    xsv = jnp.concatenate([xs_ref[0], xs_ref[1], xs_ref[2], xs_ref[3]],
                          axis=1)
    pre = d_ref[:, :1] * (a + xsv) + b2_ref[...]
    pre_ref[...] = pre
    part = jnp.sum(pre.reshape(RB // 8, 8, HID), axis=0)
    partsq = jnp.sum((pre * pre).reshape(RB // 8, 8, HID), axis=0)

    @pl.when(i == 0)
    def _():
        ssum[...] = part
        ssq[...] = partsq

    @pl.when(i > 0)
    def _():
        ssum[...] += part
        ssq[...] += partsq

    @pl.when(i == GRID - 1)
    def _():
        tot = jnp.sum(ssum[...], axis=0, keepdims=True) / N
        totsq = jnp.sum(ssq[...], axis=0, keepdims=True) / N
        mean_ref[...] = jnp.broadcast_to(tot, (8, HID))
        var_ref[...] = jnp.broadcast_to(totsq - tot * tot, (8, HID))


_l2out_call = pl.pallas_call(
    _l2out_body,
    grid=(GRID,),
    in_specs=[
        pl.BlockSpec((4, RB, 128), lambda i: (0, i, 0)),
        pl.BlockSpec((4, RB, 128), lambda i: (0, i, 0)),
        pl.BlockSpec((RB, 8), lambda i: (i, 0)),
        pl.BlockSpec((1, HID), lambda i: (0, 0)),
    ],
    out_specs=[
        pl.BlockSpec((RB, HID), lambda i: (i, 0)),
        pl.BlockSpec((8, HID), lambda i: (0, 0)),
        pl.BlockSpec((8, HID), lambda i: (0, 0)),
    ],
    out_shape=[
        jax.ShapeDtypeStruct((N, HID), _f32),
        jax.ShapeDtypeStruct((8, HID), _f32),
        jax.ShapeDtypeStruct((8, HID), _f32),
    ],
    scratch_shapes=[pltpu.VMEM((8, HID), _f32), pltpu.VMEM((8, HID), _f32)],
)


def _head_body(pre_ref, mean_ref, var_ref, g_ref, be_ref, batch_ref,
               wl1_ref, bl1_ref, wl2_ref, bl2_ref, out_ref, psum, pcnt):
    i = pl.program_id(0)
    m = mean_ref[0:1, :]
    v = var_ref[0:1, :]
    h = (pre_ref[...] - m) * jax.lax.rsqrt(v + 1e-5) * g_ref[...] + be_ref[...]
    h = jnp.maximum(h, 0.0)
    b = batch_ref[0, 0, :]
    gid = lax.broadcasted_iota(jnp.int32, (NGRAPH, RB), 0)
    sel = (b[None, :] == gid).astype(_f32)
    ps = jnp.dot(sel, h, preferred_element_type=_f32,
                 precision=lax.Precision.HIGHEST)
    cs = jnp.sum(sel, axis=1, keepdims=True)

    @pl.when(i == 0)
    def _():
        psum[...] = ps
        pcnt[...] = jnp.broadcast_to(cs, (NGRAPH, 128))

    @pl.when(i > 0)
    def _():
        psum[...] += ps
        pcnt[...] += jnp.broadcast_to(cs, (NGRAPH, 128))

    @pl.when(i == GRID - 1)
    def _():
        cnt = jnp.maximum(pcnt[:, :1], 1.0)
        pooled = psum[...] / cnt
        pooled = _r16(pooled)
        z = jnp.dot(pooled, _r16(wl1_ref[...]), preferred_element_type=_f32,
                 precision=lax.Precision.HIGHEST)
        z = jnp.maximum(z + bl1_ref[...], 0.0)
        z = _r16(z)
        o = jnp.dot(z, _r16(wl2_ref[...]), preferred_element_type=_f32,
                 precision=lax.Precision.HIGHEST) + bl2_ref[...]
        out_ref[...] = jnp.broadcast_to(o, (NGRAPH, 8))


_head_call = pl.pallas_call(
    _head_body,
    grid=(GRID,),
    in_specs=[
        pl.BlockSpec((RB, HID), lambda i: (i, 0)),
        pl.BlockSpec((8, HID), lambda i: (0, 0)),
        pl.BlockSpec((8, HID), lambda i: (0, 0)),
        pl.BlockSpec((1, HID), lambda i: (0, 0)),
        pl.BlockSpec((1, HID), lambda i: (0, 0)),
        pl.BlockSpec((1, 1, RB), lambda i: (i, 0, 0)),
        pl.BlockSpec((HID, HID // 2), lambda i: (0, 0)),
        pl.BlockSpec((1, HID // 2), lambda i: (0, 0)),
        pl.BlockSpec((HID // 2, 1), lambda i: (0, 0)),
        pl.BlockSpec((1, 1), lambda i: (0, 0)),
    ],
    out_specs=pl.BlockSpec((NGRAPH, 8), lambda i: (0, 0)),
    out_shape=jax.ShapeDtypeStruct((NGRAPH, 8), _f32),
    scratch_shapes=[pltpu.VMEM((NGRAPH, HID), _f32),
                    pltpu.VMEM((NGRAPH, 128), _f32)],
)


def kernel(x, edge_index, batch, W1, b1, g1, be1, W2, b2, g2, be2,
           Wl1, bl1, Wl2, bl2):
    ei = edge_index.astype(jnp.int32)
    row, col = ei[0], ei[1]


    colh = jnp.full((NTILE * EH,), N, jnp.int32).at[:E].set(col)
    colh = colh.reshape(NTILE, EHG, 128)
    rowp = jnp.zeros((EPAD,), jnp.int32).at[:E].set(row).reshape(
        NS, NGRP, EGRP)
    rowp = jnp.concatenate(
        [rowp, jnp.zeros((NS, 8, EGRP), jnp.int32)], axis=1)
    colp = jnp.full((EPAD,), N, jnp.int32).at[:E].set(col).reshape(
        NS, NGRP, EGRP)
    zrows = jnp.zeros((SLC, 128), _f32)
    batch3 = batch.astype(jnp.int32).reshape(GRID, 1, RB)

    partials = _sc_hist(colh, jnp.ones((128,), _f32),
                        jnp.zeros((HSIZE,), _f32))
    dinv = _dinv_call(partials.reshape(NC, HSIZE))

    xs1 = _scale_x_call(x, dinv)
    agg1 = _agg2(xs1, rowp, colp, zrows)
    pre1, mean1, var1 = _l1_call(agg1, xs1, dinv, W1, b1.reshape(1, HID))

    xs2 = _l2in_call(pre1, mean1, var1, g1.reshape(1, HID),
                     be1.reshape(1, HID), dinv, W2)
    agg2 = _agg4(xs2, rowp, colp, zrows)
    pre2, mean2, var2 = _l2out_call(agg2, xs2, dinv, b2.reshape(1, HID))

    out = _head_call(pre2, mean2, var2, g2.reshape(1, HID),
                     be2.reshape(1, HID), batch3,
                     Wl1, bl1.reshape(1, HID // 2),
                     Wl2, bl2.reshape(1, 1))
    return out[:, 0]

# --- scband reference (transcript-rebuilt; emitter-appended) ---
"""Pipeline reference for scband-gnnregressor-34119220199424 (READ-ONLY COPY).

The authoritative reference and input builder live on the scoring server;
editing this copy changes nothing except your own understanding.
"""

import jax, jax.numpy as jnp
import numpy as np

N_NODES = 10000
N_EDGES = 160000
IN_FEATS = 256
HIDDEN = 512
NUM_GRAPHS = 64


def setup_inputs(seed: int = 0) -> dict:
    key = jax.random.key(seed)
    ks = jax.random.split(key, 16)
    x = jax.random.normal(ks[0], (N_NODES, IN_FEATS), dtype=jnp.float32)
    edge_index = jax.random.randint(ks[1], (2, N_EDGES), 0, N_NODES, dtype=jnp.int64)
    batch = jnp.sort(jax.random.randint(ks[2], (N_NODES,), 0, NUM_GRAPHS, dtype=jnp.int64))
    s1 = 1.0 / np.sqrt(IN_FEATS)
    s2 = 1.0 / np.sqrt(HIDDEN)
    W1 = jax.random.uniform(ks[3], (IN_FEATS, HIDDEN), jnp.float32, -s1, s1)
    b1 = jnp.zeros((HIDDEN,), jnp.float32)
    g1 = jnp.ones((HIDDEN,), jnp.float32)
    be1 = jnp.zeros((HIDDEN,), jnp.float32)
    W2 = jax.random.uniform(ks[4], (HIDDEN, HIDDEN), jnp.float32, -s2, s2)
    b2 = jnp.zeros((HIDDEN,), jnp.float32)
    g2 = jnp.ones((HIDDEN,), jnp.float32)
    be2 = jnp.zeros((HIDDEN,), jnp.float32)
    Wl1 = jax.random.uniform(ks[5], (HIDDEN, HIDDEN // 2), jnp.float32, -s2, s2)
    bl1 = jax.random.uniform(ks[6], (HIDDEN // 2,), jnp.float32, -s2, s2)
    s3 = 1.0 / np.sqrt(HIDDEN // 2)
    Wl2 = jax.random.uniform(ks[7], (HIDDEN // 2, 1), jnp.float32, -s3, s3)
    bl2 = jax.random.uniform(ks[8], (1,), jnp.float32, -s3, s3)
    return {"x": x, "edge_index": edge_index, "batch": batch,
            "W1": W1, "b1": b1, "g1": g1, "be1": be1,
            "W2": W2, "b2": b2, "g2": g2, "be2": be2,
            "Wl1": Wl1, "bl1": bl1, "Wl2": Wl2, "bl2": bl2}


def gcn_conv(x, edge_index, W, b, num_nodes):
    # GCNConv: add self loops, symmetric normalization, then scatter-add aggregate
    xw = x @ W
    row = edge_index[0]
    col = edge_index[1]
    loop = jnp.arange(num_nodes, dtype=edge_index.dtype)
    row = jnp.concatenate([row, loop])
    col = jnp.concatenate([col, loop])
    ones = jnp.ones(row.shape[0], dtype=xw.dtype)
    deg = jnp.zeros((num_nodes,), xw.dtype).at[col].add(ones)
    dinv = jnp.where(deg > 0, 1.0 / jnp.sqrt(deg), 0.0)
    norm = dinv[row] * dinv[col]
    msg = xw[row] * norm[:, None]
    out = jnp.zeros((num_nodes, xw.shape[1]), xw.dtype).at[col].add(msg)
    return out + b


def batch_norm(x, gamma, beta, eps=1e-5):
    m = jnp.mean(x, axis=0)
    v = jnp.mean((x - m) ** 2, axis=0)
    return (x - m) / jnp.sqrt(v + eps) * gamma + beta


def reference(x, edge_index, batch, W1, b1, g1, be1, W2, b2, g2, be2, Wl1, bl1, Wl2, bl2):
    h = gcn_conv(x, edge_index, W1, b1, N_NODES)
    h = jax.nn.relu(batch_norm(h, g1, be1))
    # dropout is identity in eval mode
    h = gcn_conv(h, edge_index, W2, b2, N_NODES)
    h = jax.nn.relu(batch_norm(h, g2, be2))
    # global_mean_pool over graph ids
    sums = jax.ops.segment_sum(h, batch, num_segments=NUM_GRAPHS)
    cnts = jax.ops.segment_sum(jnp.ones((h.shape[0],), h.dtype), batch, num_segments=NUM_GRAPHS)
    pooled = sums / jnp.maximum(cnts, 1.0)[:, None]
    z = jax.nn.relu(pooled @ Wl1 + bl1)
    out = (z @ Wl2 + bl2).squeeze(-1)
    return out

if __name__ == "__main__":
    import jax
    _d = setup_inputs()
    print(jax.jit(kernel)(*tuple(_d.values())))

</pallas_src>

<mosaic_0001>
#map = affine_map<(d0, d1) -> (0, 0, 0)>
#map1 = affine_map<(d0, d1) -> (0)>
module attributes {stable_mosaic.version = 14 : i64} {
  func.func @_sc_hist(%arg0: i32, %arg1: i32, %arg2: memref<32x40x128xi32, #tpu.memory_space<hbm>>, %arg3: memref<128xf32, #tpu.memory_space<hbm>>, %arg4: memref<10240xf32, #tpu.memory_space<hbm>>, %arg5: memref<20480xf32, #tpu.memory_space<hbm>>, %arg6: memref<40x128xi32, #tpu.memory_space<vmem>>, %arg7: memref<128xf32, #tpu.memory_space<vmem>>, %arg8: memref<10240xf32, #tpu.memory_space<vmem_shared>>) attributes {dimension_semantics = [#tpu.dimension_semantics<core_parallel>, #tpu.dimension_semantics<subcore_parallel>], iteration_bounds = array<i64: 2, 16>, scalar_prefetch = 0 : i64, scratch_operands = 3 : i64, tpu.core_type = #tpu.core_type<sc_vector_subcore>, window_params = [{transform_indices = #map}, {transform_indices = #map1}, {transform_indices = #map1}, {transform_indices = #map1}]} {
    %mul3A = arith.constant 16 : i32
    %mul3A_0 = arith.muli %arg0, %mul3A : i32
    %add3A = arith.addi %mul3A_0, %arg1 : i32
    "tpu.region"() ({
      %run_scoped3A = tpu.sem_alloc : memref<!tpu.dma_semaphore, #tpu.memory_space<semaphore_mem>>
      %dma_start3A = arith.constant 0 : i32
      %dma_start3A_18 = arith.constant 0 : i32
      %dma_start3A_19 = tpu.memref_slice %arg2[%add3A, %dma_start3A, %dma_start3A_18] : memref<32x40x128xi32, #tpu.memory_space<hbm>> -> memref<1x40x128xi32, #tpu.memory_space<hbm>>
      %dma_start3A_20 = tpu.memref_squeeze %dma_start3A_19 : memref<1x40x128xi32, #tpu.memory_space<hbm>> -> memref<40x128xi32, #tpu.memory_space<hbm>>
      %dma_start3A_21 = arith.constant 0 : i32
      %dma_start3A_22 = arith.constant 0 : i32
      %dma_start3A_23 = tpu.memref_slice %arg2[%add3A, %dma_start3A_21, %dma_start3A_22] : memref<32x40x128xi32, #tpu.memory_space<hbm>> -> memref<1x40x128xi32, #tpu.memory_space<hbm>>
      %dma_start3A_24 = tpu.memref_squeeze %dma_start3A_23 : memref<1x40x128xi32, #tpu.memory_space<hbm>> -> memref<40x128xi32, #tpu.memory_space<hbm>>
      tpu.enqueue_dma source(%dma_start3A_24 : memref<40x128xi32, #tpu.memory_space<hbm>>) target(%arg6 : memref<40x128xi32, #tpu.memory_space<vmem>>) target_semaphore(%run_scoped3A : memref<!tpu.dma_semaphore, #tpu.memory_space<semaphore_mem>>)
      %dma_wait3A = arith.constant 0 : i32
      %dma_wait3A_25 = arith.constant 0 : i32
      %dma_wait3A_26 = tpu.memref_slice %arg2[%add3A, %dma_wait3A, %dma_wait3A_25] : memref<32x40x128xi32, #tpu.memory_space<hbm>> -> memref<1x40x128xi32, #tpu.memory_space<hbm>>
      %dma_wait3A_27 = tpu.memref_squeeze %dma_wait3A_26 : memref<1x40x128xi32, #tpu.memory_space<hbm>> -> memref<40x128xi32, #tpu.memory_space<hbm>>
      %dma_wait3A_28 = arith.constant 0 : i32
      %dma_wait3A_29 = arith.constant 0 : i32
      %dma_wait3A_30 = tpu.memref_slice %arg2[%add3A, %dma_wait3A_28, %dma_wait3A_29] : memref<32x40x128xi32, #tpu.memory_space<hbm>> -> memref<1x40x128xi32, #tpu.memory_space<hbm>>
      %dma_wait3A_31 = tpu.memref_squeeze %dma_wait3A_30 : memref<1x40x128xi32, #tpu.memory_space<hbm>> -> memref<40x128xi32, #tpu.memory_space<hbm>>
      tpu.wait_dma2 semaphore(%run_scoped3A : memref<!tpu.dma_semaphore, #tpu.memory_space<semaphore_mem>>) src(%dma_wait3A_31 : memref<40x128xi32, #tpu.memory_space<hbm>>) dst(%arg6 : memref<40x128xi32, #tpu.memory_space<vmem>>)
      tpu.yield
    }) : () -> ()
    "tpu.region"() ({
      %run_scoped3A = tpu.sem_alloc : memref<!tpu.dma_semaphore, #tpu.memory_space<semaphore_mem>>
      tpu.enqueue_dma source(%arg3 : memref<128xf32, #tpu.memory_space<hbm>>) target(%arg7 : memref<128xf32, #tpu.memory_space<vmem>>) target_semaphore(%run_scoped3A : memref<!tpu.dma_semaphore, #tpu.memory_space<semaphore_mem>>)
      tpu.wait_dma2 semaphore(%run_scoped3A : memref<!tpu.dma_semaphore, #tpu.memory_space<semaphore_mem>>) src(%arg3 : memref<128xf32, #tpu.memory_space<hbm>>) dst(%arg7 : memref<128xf32, #tpu.memory_space<vmem>>)
      tpu.yield
    }) : () -> ()
    %mul3A_1 = arith.constant 640 : i32
    %mul3A_2 = arith.muli %arg1, %mul3A_1 : i32
    %mul3A_3 = arith.constant 640 : i32
    %mul3A_4 = arith.muli %arg1, %mul3A_3 : i32
    "tpu.region"() ({
      %run_scoped3A = tpu.sem_alloc : memref<!tpu.dma_semaphore, #tpu.memory_space<semaphore_mem>>
      %dma_start3A = tpu.memref_slice %arg8[%mul3A_4] : memref<10240xf32, #tpu.memory_space<vmem_shared>> -> memref<640xf32, #tpu.memory_space<vmem_shared>>
      %dma_start3A_18 = tpu.memref_slice %arg4[%mul3A_2] : memref<10240xf32, #tpu.memory_space<hbm>> -> memref<640xf32, #tpu.memory_space<hbm>>
      tpu.enqueue_dma source(%dma_start3A_18 : memref<640xf32, #tpu.memory_space<hbm>>) target(%dma_start3A : memref<640xf32, #tpu.memory_space<vmem_shared>>) target_semaphore(%run_scoped3A : memref<!tpu.dma_semaphore, #tpu.memory_space<semaphore_mem>>)
      %dma_wait3A = tpu.memref_slice %arg8[%mul3A_4] : memref<10240xf32, #tpu.memory_space<vmem_shared>> -> memref<640xf32, #tpu.memory_space<vmem_shared>>
      %dma_wait3A_19 = tpu.memref_slice %arg4[%mul3A_2] : memref<10240xf32, #tpu.memory_space<hbm>> -> memref<640xf32, #tpu.memory_space<hbm>>
      tpu.wait_dma2 semaphore(%run_scoped3A : memref<!tpu.dma_semaphore, #tpu.memory_space<semaphore_mem>>) src(%dma_wait3A_19 : memref<640xf32, #tpu.memory_space<hbm>>) dst(%dma_wait3A : memref<640xf32, #tpu.memory_space<vmem_shared>>)
      tpu.yield
    }) : () -> ()
    %barrier3A = arith.constant 0 : index
    tpu.barrier barrier_id(%barrier3A)
    %scan3A = arith.constant 0 : i32
    %scan3A_5 = arith.constant 0 : i32
    %scan3A_6 = arith.constant 40 : i32
    %scan3A_7 = arith.addi %scan3A_5, %scan3A_6 : i32
    %scan3A_8 = arith.constant 1 : i32
    scf.for %scan3A_18 = %scan3A_5 to %scan3A_7 step %scan3A_8  : i32 {
      "tpu.region"() ({
        %run_scoped3A = tpu.sem_alloc : memref<!tpu.dma_semaphore, #tpu.memory_space<semaphore_mem>>
        %dma_start3A = arith.constant 0 : i32
        %dma_start3A_19 = tpu.memref_slice %arg6[%scan3A_18, %dma_start3A] : memref<40x128xi32, #tpu.memory_space<vmem>> -> memref<1x128xi32, #tpu.memory_space<vmem>>
        %dma_start3A_20 = tpu.memref_squeeze %dma_start3A_19 : memref<1x128xi32, #tpu.memory_space<vmem>> -> memref<128xi32, #tpu.memory_space<vmem>>
        %dma_start3A_21 = arith.constant 0 : i32
        %dma_start3A_22 = tpu.memref_slice %arg8[%dma_start3A_21] : memref<10240xf32, #tpu.memory_space<vmem_shared>> -> memref<10240xf32, #tpu.memory_space<vmem_shared>>
        tpu.enqueue_indirect_dma source(%arg7 : memref<128xf32, #tpu.memory_space<vmem>>) target(%dma_start3A_22 : memref<10240xf32, #tpu.memory_space<vmem_shared>>) offsets(%dma_start3A_20 : memref<128xi32, #tpu.memory_space<vmem>>) semaphore(%run_scoped3A : memref<!tpu.dma_semaphore, #tpu.memory_space<semaphore_mem>>) {add = true}
        %dma_wait3A = arith.constant 0 : i32
        %dma_wait3A_23 = tpu.memref_slice %arg6[%scan3A_18, %dma_wait3A] : memref<40x128xi32, #tpu.memory_space<vmem>> -> memref<1x128xi32, #tpu.memory_space<vmem>>
        %dma_wait3A_24 = tpu.memref_squeeze %dma_wait3A_23 : memref<1x128xi32, #tpu.memory_space<vmem>> -> memref<128xi32, #tpu.memory_space<vmem>>
        %dma_wait3A_25 = arith.constant 0 : i32
        %dma_wait3A_26 = tpu.memref_slice %arg8[%dma_wait3A_25] : memref<10240xf32, #tpu.memory_space<vmem_shared>> -> memref<10240xf32, #tpu.memory_space<vmem_shared>>
        tpu.wait_indirect_dma semaphore(%run_scoped3A : memref<!tpu.dma_semaphore, #tpu.memory_space<semaphore_mem>>) src(%arg7 : memref<128xf32, #tpu.memory_space<vmem>>) dst(%dma_wait3A_26 : memref<10240xf32, #tpu.memory_space<vmem_shared>>)
        tpu.yield
      }) : () -> ()
    }
    %scan3A_9 = arith.constant 40 : i32
    %barrier3A_10 = arith.constant 0 : index
    tpu.barrier barrier_id(%barrier3A_10)
    %mul3A_11 = arith.constant 640 : i32
    %mul3A_12 = arith.muli %arg1, %mul3A_11 : i32
    %mul3A_13 = arith.constant 10240 : i32
    %mul3A_14 = arith.muli %arg0, %mul3A_13 : i32
    %mul3A_15 = arith.constant 640 : i32
    %mul3A_16 = arith.muli %arg1, %mul3A_15 : i32
    %add3A_17 = arith.addi %mul3A_14, %mul3A_16 : i32
    "tpu.region"() ({
      %run_scoped3A = tpu.sem_alloc : memref<!tpu.dma_semaphore, #tpu.memory_space<semaphore_mem>>
      %dma_start3A = tpu.memref_slice %arg5[%add3A_17] : memref<20480xf32, #tpu.memory_space<hbm>> -> memref<640xf32, #tpu.memory_space<hbm>>
      %dma_start3A_18 = tpu.memref_slice %arg8[%mul3A_12] : memref<10240xf32, #tpu.memory_space<vmem_shared>> -> memref<640xf32, #tpu.memory_space<vmem_shared>>
      tpu.enqueue_dma source(%dma_start3A_18 : memref<640xf32, #tpu.memory_space<vmem_shared>>) target(%dma_start3A : memref<640xf32, #tpu.memory_space<hbm>>) target_semaphore(%run_scoped3A : memref<!tpu.dma_semaphore, #tpu.memory_space<semaphore_mem>>)
      %dma_wait3A = tpu.memref_slice %arg5[%add3A_17] : memref<20480xf32, #tpu.memory_space<hbm>> -> memref<640xf32, #tpu.memory_space<hbm>>
      %dma_wait3A_19 = tpu.memref_slice %arg8[%mul3A_12] : memref<10240xf32, #tpu.memory_space<vmem_shared>> -> memref<640xf32, #tpu.memory_space<vmem_shared>>
      tpu.wait_dma2 semaphore(%run_scoped3A : memref<!tpu.dma_semaphore, #tpu.memory_space<semaphore_mem>>) src(%dma_wait3A_19 : memref<640xf32, #tpu.memory_space<vmem_shared>>) dst(%dma_wait3A : memref<640xf32, #tpu.memory_space<hbm>>)
      tpu.yield
    }) : () -> ()
    return
  }
}

#map = affine_map<(d0, d1) -> (0, 0, 0)>
#map1 = affine_map<(d0, d1) -> (0, 0)>
module attributes {stable_mosaic.version = 14 : i64} {
  func.func @agg(%arg0: i32, %arg1: i32, %arg2: memref<4x10000x128xf32, #tpu.memory_space<hbm>>, %arg3: memref<16x88x128xi32, #tpu.memory_space<hbm>>, %arg4: memref<16x80x128xi32, #tpu.memory_space<hbm>>, %arg5: memref<632x128xf32, #tpu.memory_space<hbm>>, %arg6: memref<4x10112x128xf32, #tpu.memory_space<hbm>>, %arg7: memref<48x128xi32, #tpu.memory_space<vmem>>, %arg8: memref<40x128xi32, #tpu.memory_space<vmem>>, %arg9: memref<128x128xf32, #tpu.memory_space<vmem>>, %arg10: memref<128x128xf32, #tpu.memory_space<vmem>>, %arg11: memref<10112x128xf32, #tpu.memory_space<vmem_shared>>, %arg12: memref<!tpu.dma_semaphore, #tpu.memory_space<semaphore_mem>>, %arg13: memref<!tpu.dma_semaphore, #tpu.memory_space<semaphore_mem>>) attributes {dimension_semantics = [#tpu.dimension_semantics<core_parallel>, #tpu.dimension_semantics<subcore_parallel>], iteration_bounds = array<i64: 2, 16>, scalar_prefetch = 0 : i64, scratch_operands = 7 : i64, tpu.core_type = #tpu.core_type<sc_vector_subcore>, window_params = [{transform_indices = #map}, {transform_indices = #map}, {transform_indices = #map}, {transform_indices = #map1}, {transform_indices = #map}]} {
    %mul3A = arith.constant 2 : i32
    %mul3A_0 = arith.muli %arg0, %mul3A : i32
    %add3A = arith.constant 0 : i32
    %add3A_1 = arith.addi %mul3A_0, %add3A : i32
    %mul3A_2 = arith.constant 632 : i32
    %mul3A_3 = arith.muli %arg1, %mul3A_2 : i32
    "tpu.region"() ({
      %run_scoped3A = tpu.sem_alloc : memref<!tpu.dma_semaphore, #tpu.memory_space<semaphore_mem>>
      %dma_start3A_130 = arith.constant 0 : i32
      %dma_start3A_131 = tpu.memref_slice %arg11[%mul3A_3, %dma_start3A_130] : memref<10112x128xf32, #tpu.memory_space<vmem_shared>> -> memref<632x128xf32, #tpu.memory_space<vmem_shared>>
      tpu.enqueue_dma source(%arg5 : memref<632x128xf32, #tpu.memory_space<hbm>>) target(%dma_start3A_131 : memref<632x128xf32, #tpu.memory_space<vmem_shared>>) target_semaphore(%run_scoped3A : memref<!tpu.dma_semaphore, #tpu.memory_space<semaphore_mem>>)
      %dma_wait3A_132 = arith.constant 0 : i32
      %dma_wait3A_133 = tpu.memref_slice %arg11[%mul3A_3, %dma_wait3A_132] : memref<10112x128xf32, #tpu.memory_space<vmem_shared>> -> memref<632x128xf32, #tpu.memory_space<vmem_shared>>
      tpu.wait_dma2 semaphore(%run_scoped3A : memref<!tpu.dma_semaphore, #tpu.memory_space<semaphore_mem>>) src(%arg5 : memref<632x128xf32, #tpu.memory_space<hbm>>) dst(%dma_wait3A_133 : memref<632x128xf32, #tpu.memory_space<vmem_shared>>)
      tpu.yield
    }) : () -> ()
    %barrier3A = arith.constant 0 : index
    tpu.barrier barrier_id(%barrier3A)
    "tpu.region"() ({
      %run_scoped3A = tpu.sem_alloc : memref<!tpu.dma_semaphore, #tpu.memory_space<semaphore_mem>>
      %dma_start3A_130 = arith.constant 0 : i32
      %dma_start3A_131 = arith.constant 0 : i32
      %dma_start3A_132 = tpu.memref_slice %arg3[%arg1, %dma_start3A_130, %dma_start3A_131] : memref<16x88x128xi32, #tpu.memory_space<hbm>> -> memref<1x88x128xi32, #tpu.memory_space<hbm>>
      %dma_start3A_133 = tpu.memref_squeeze %dma_start3A_132 : memref<1x88x128xi32, #tpu.memory_space<hbm>> -> memref<88x128xi32, #tpu.memory_space<hbm>>
      %dma_start3A_134 = arith.constant 0 : i32
      %dma_start3A_135 = arith.constant 0 : i32
      %dma_start3A_136 = tpu.memref_slice %dma_start3A_133[%dma_start3A_134, %dma_start3A_135] : memref<88x128xi32, #tpu.memory_space<hbm>> -> memref<48x128xi32, #tpu.memory_space<hbm>>
      %dma_start3A_137 = arith.constant 0 : i32
      %dma_start3A_138 = arith.constant 0 : i32
      %dma_start3A_139 = tpu.memref_slice %arg3[%arg1, %dma_start3A_137, %dma_start3A_138] : memref<16x88x128xi32, #tpu.memory_space<hbm>> -> memref<1x88x128xi32, #tpu.memory_space<hbm>>
      %dma_start3A_140 = tpu.memref_squeeze %dma_start3A_139 : memref<1x88x128xi32, #tpu.memory_space<hbm>> -> memref<88x128xi32, #tpu.memory_space<hbm>>
      %dma_start3A_141 = arith.constant 0 : i32
      %dma_start3A_142 = arith.constant 0 : i32
      %dma_start3A_143 = tpu.memref_slice %dma_start3A_140[%dma_start3A_141, %dma_start3A_142] : memref<88x128xi32, #tpu.memory_space<hbm>> -> memref<48x128xi32, #tpu.memory_space<hbm>>
      tpu.enqueue_dma source(%dma_start3A_143 : memref<48x128xi32, #tpu.memory_space<hbm>>) target(%arg7 : memref<48x128xi32, #tpu.memory_space<vmem>>) target_semaphore(%run_scoped3A : memref<!tpu.dma_semaphore, #tpu.memory_space<semaphore_mem>>)
      %dma_wait3A_144 = arith.constant 0 : i32
      %dma_wait3A_145 = arith.constant 0 : i32
      %dma_wait3A_146 = tpu.memref_slice %arg3[%arg1, %dma_wait3A_144, %dma_wait3A_145] : memref<16x88x128xi32, #tpu.memory_space<hbm>> -> memref<1x88x128xi32, #tpu.memory_space<hbm>>
      %dma_wait3A_147 = tpu.memref_squeeze %dma_wait3A_146 : memref<1x88x128xi32, #tpu.memory_space<hbm>> -> memref<88x128xi32, #tpu.memory_space<hbm>>
      %dma_wait3A_148 = arith.constant 0 : i32
      %dma_wait3A_149 = arith.constant 0 : i32
      %dma_wait3A_150 = tpu.memref_slice %dma_wait3A_147[%dma_wait3A_148, %dma_wait3A_149] : memref<88x128xi32, #tpu.memory_space<hbm>> -> memref<48x128xi32, #tpu.memory_space<hbm>>
      %dma_wait3A_151 = arith.constant 0 : i32
      %dma_wait3A_152 = arith.constant 0 : i32
      %dma_wait3A_153 = tpu.memref_slice %arg3[%arg1, %dma_wait3A_151, %dma_wait3A_152] : memref<16x88x128xi32, #tpu.memory_space<hbm>> -> memref<1x88x128xi32, #tpu.memory_space<hbm>>
      %dma_wait3A_154 = tpu.memref_squeeze %dma_wait3A_153 : memref<1x88x128xi32, #tpu.memory_space<hbm>> -> memref<88x128xi32, #tpu.memory_space<hbm>>
      %dma_wait3A_155 = arith.constant 0 : i32
      %dma_wait3A_156 = arith.constant 0 : i32
      %dma_wait3A_157 = tpu.memref_slice %dma_wait3A_154[%dma_wait3A_155, %dma_wait3A_156] : memref<88x128xi32, #tpu.memory_space<hbm>> -> memref<48x128xi32, #tpu.memory_space<hbm>>
      tpu.wait_dma2 semaphore(%run_scoped3A : memref<!tpu.dma_semaphore, #tpu.memory_space<semaphore_mem>>) src(%dma_wait3A_157 : memref<48x128xi32, #tpu.memory_space<hbm>>) dst(%arg7 : memref<48x128xi32, #tpu.memory_space<vmem>>)
      tpu.yield
    }) : () -> ()
    "tpu.region"() ({
      %run_scoped3A = tpu.sem_alloc : memref<!tpu.dma_semaphore, #tpu.memory_space<semaphore_mem>>
      %dma_start3A_130 = arith.constant 0 : i32
      %dma_start3A_131 = arith.constant 0 : i32
      %dma_start3A_132 = tpu.memref_slice %arg4[%arg1, %dma_start3A_130, %dma_start3A_131] : memref<16x80x128xi32, #tpu.memory_space<hbm>> -> memref<1x80x128xi32, #tpu.memory_space<hbm>>
      %dma_start3A_133 = tpu.memref_squeeze %dma_start3A_132 : memref<1x80x128xi32, #tpu.memory_space<hbm>> -> memref<80x128xi32, #tpu.memory_space<hbm>>
      %dma_start3A_134 = arith.constant 0 : i32
      %dma_start3A_135 = arith.constant 0 : i32
      %dma_start3A_136 = tpu.memref_slice %dma_start3A_133[%dma_start3A_134, %dma_start3A_135] : memref<80x128xi32, #tpu.memory_space<hbm>> -> memref<40x128xi32, #tpu.memory_space<hbm>>
      %dma_start3A_137 = arith.constant 0 : i32
      %dma_start3A_138 = arith.constant 0 : i32
      %dma_start3A_139 = tpu.memref_slice %arg4[%arg1, %dma_start3A_137, %dma_start3A_138] : memref<16x80x128xi32, #tpu.memory_space<hbm>> -> memref<1x80x128xi32, #tpu.memory_space<hbm>>
      %dma_start3A_140 = tpu.memref_squeeze %dma_start3A_139 : memref<1x80x128xi32, #tpu.memory_space<hbm>> -> memref<80x128xi32, #tpu.memory_space<hbm>>
      %dma_start3A_141 = arith.constant 0 : i32
      %dma_start3A_142 = arith.constant 0 : i32
      %dma_start3A_143 = tpu.memref_slice %dma_start3A_140[%dma_start3A_141, %dma_start3A_142] : memref<80x128xi32, #tpu.memory_space<hbm>> -> memref<40x128xi32, #tpu.memory_space<hbm>>
      tpu.enqueue_dma source(%dma_start3A_143 : memref<40x128xi32, #tpu.memory_space<hbm>>) target(%arg8 : memref<40x128xi32, #tpu.memory_space<vmem>>) target_semaphore(%run_scoped3A : memref<!tpu.dma_semaphore, #tpu.memory_space<semaphore_mem>>)
      %dma_wait3A_144 = arith.constant 0 : i32
      %dma_wait3A_145 = arith.constant 0 : i32
      %dma_wait3A_146 = tpu.memref_slice %arg4[%arg1, %dma_wait3A_144, %dma_wait3A_145] : memref<16x80x128xi32, #tpu.memory_space<hbm>> -> memref<1x80x128xi32, #tpu.memory_space<hbm>>
      %dma_wait3A_147 = tpu.memref_squeeze %dma_wait3A_146 : memref<1x80x128xi32, #tpu.memory_space<hbm>> -> memref<80x128xi32, #tpu.memory_space<hbm>>
      %dma_wait3A_148 = arith.constant 0 : i32
      %dma_wait3A_149 = arith.constant 0 : i32
      %dma_wait3A_150 = tpu.memref_slice %dma_wait3A_147[%dma_wait3A_148, %dma_wait3A_149] : memref<80x128xi32, #tpu.memory_space<hbm>> -> memref<40x128xi32, #tpu.memory_space<hbm>>
      %dma_wait3A_151 = arith.constant 0 : i32
      %dma_wait3A_152 = arith.constant 0 : i32
      %dma_wait3A_153 = tpu.memref_slice %arg4[%arg1, %dma_wait3A_151, %dma_wait3A_152] : memref<16x80x128xi32, #tpu.memory_space<hbm>> -> memref<1x80x128xi32, #tpu.memory_space<hbm>>
      %dma_wait3A_154 = tpu.memref_squeeze %dma_wait3A_153 : memref<1x80x128xi32, #tpu.memory_space<hbm>> -> memref<80x128xi32, #tpu.memory_space<hbm>>
      %dma_wait3A_155 = arith.constant 0 : i32
      %dma_wait3A_156 = arith.constant 0 : i32
      %dma_wait3A_157 = tpu.memref_slice %dma_wait3A_154[%dma_wait3A_155, %dma_wait3A_156] : memref<80x128xi32, #tpu.memory_space<hbm>> -> memref<40x128xi32, #tpu.memory_space<hbm>>
      tpu.wait_dma2 semaphore(%run_scoped3A : memref<!tpu.dma_semaphore, #tpu.memory_space<semaphore_mem>>) src(%dma_wait3A_157 : memref<40x128xi32, #tpu.memory_space<hbm>>) dst(%arg8 : memref<40x128xi32, #tpu.memory_space<vmem>>)
      tpu.yield
    }) : () -> ()
    %dma_start3A = arith.constant 0 : i32
    %dma_start3A_4 = arith.constant 0 : i32
    %dma_start3A_5 = tpu.memref_slice %arg7[%dma_start3A, %dma_start3A_4] : memref<48x128xi32, #tpu.memory_space<vmem>> -> memref<1x128xi32, #tpu.memory_space<vmem>>
    %dma_start3A_6 = tpu.memref_squeeze %dma_start3A_5 : memref<1x128xi32, #tpu.memory_space<vmem>> -> memref<128xi32, #tpu.memory_space<vmem>>
    %dma_start3A_7 = arith.constant 0 : i32
    %dma_start3A_8 = arith.constant 0 : i32
    %dma_start3A_9 = tpu.memref_slice %arg2[%add3A_1, %dma_start3A_7, %dma_start3A_8] : memref<4x10000x128xf32, #tpu.memory_space<hbm>> -> memref<1x10000x128xf32, #tpu.memory_space<hbm>>
    %dma_start3A_10 = tpu.memref_squeeze %dma_start3A_9 : memref<1x10000x128xf32, #tpu.memory_space<hbm>> -> memref<10000x128xf32, #tpu.memory_space<hbm>>
    %dma_start3A_11 = arith.constant 0 : i32
    %dma_start3A_12 = arith.constant 0 : i32
    %dma_start3A_13 = tpu.memref_slice %dma_start3A_10[%dma_start3A_11, %dma_start3A_12] : memref<10000x128xf32, #tpu.memory_space<hbm>> -> memref<10000x128xf32, #tpu.memory_space<hbm>>
    tpu.enqueue_indirect_dma source(%dma_start3A_13 : memref<10000x128xf32, #tpu.memory_space<hbm>>) target(%arg9 : memref<128x128xf32, #tpu.memory_space<vmem>>) offsets(%dma_start3A_6 : memref<128xi32, #tpu.memory_space<vmem>>) semaphore(%arg12 : memref<!tpu.dma_semaphore, #tpu.memory_space<semaphore_mem>>)
    %scan3A = arith.constant 0 : i32
    %scan3A_14 = arith.constant 0 : i32
    %scan3A_15 = arith.constant 20 : i32
    %scan3A_16 = arith.addi %scan3A_14, %scan3A_15 : i32
    %scan3A_17 = arith.constant 1 : i32
    scf.for %scan3A_130 = %scan3A_14 to %scan3A_16 step %scan3A_17  : i32 {
      %mul3A_131 = arith.constant 2 : i32
      %mul3A_132 = arith.muli %mul3A_131, %scan3A_130 : i32
      %add3A_133 = arith.constant 1 : i32
      %add3A_134 = arith.addi %mul3A_132, %add3A_133 : i32
      %dma_start3A_135 = arith.constant 0 : i32
      %dma_start3A_136 = tpu.memref_slice %arg7[%add3A_134, %dma_start3A_135] : memref<48x128xi32, #tpu.memory_space<vmem>> -> memref<1x128xi32, #tpu.memory_space<vmem>>
      %dma_start3A_137 = tpu.memref_squeeze %dma_start3A_136 : memref<1x128xi32, #tpu.memory_space<vmem>> -> memref<128xi32, #tpu.memory_space<vmem>>
      %dma_start3A_138 = arith.constant 0 : i32
      %dma_start3A_139 = arith.constant 0 : i32
      %dma_start3A_140 = tpu.memref_slice %arg2[%add3A_1, %dma_start3A_138, %dma_start3A_139] : memref<4x10000x128xf32, #tpu.memory_space<hbm>> -> memref<1x10000x128xf32, #tpu.memory_space<hbm>>
      %dma_start3A_141 = tpu.memref_squeeze %dma_start3A_140 : memref<1x10000x128xf32, #tpu.memory_space<hbm>> -> memref<10000x128xf32, #tpu.memory_space<hbm>>
      %dma_start3A_142 = arith.constant 0 : i32
      %dma_start3A_143 = arith.constant 0 : i32
      %dma_start3A_144 = tpu.memref_slice %dma_start3A_141[%dma_start3A_142, %dma_start3A_143] : memref<10000x128xf32, #tpu.memory_space<hbm>> -> memref<10000x128xf32, #tpu.memory_space<hbm>>
      tpu.enqueue_indirect_dma source(%dma_start3A_144 : memref<10000x128xf32, #tpu.memory_space<hbm>>) target(%arg10 : memref<128x128xf32, #tpu.memory_space<vmem>>) offsets(%dma_start3A_137 : memref<128xi32, #tpu.memory_space<vmem>>) semaphore(%arg13 : memref<!tpu.dma_semaphore, #tpu.memory_space<semaphore_mem>>)
      %dma_wait3A_145 = arith.constant 0 : i32
      %dma_wait3A_146 = tpu.memref_slice %arg7[%mul3A_132, %dma_wait3A_145] : memref<48x128xi32, #tpu.memory_space<vmem>> -> memref<1x128xi32, #tpu.memory_space<vmem>>
      %dma_wait3A_147 = tpu.memref_squeeze %dma_wait3A_146 : memref<1x128xi32, #tpu.memory_space<vmem>> -> memref<128xi32, #tpu.memory_space<vmem>>
      %dma_wait3A_148 = arith.constant 0 : i32
      %dma_wait3A_149 = arith.constant 0 : i32
      %dma_wait3A_150 = tpu.memref_slice %arg2[%add3A_1, %dma_wait3A_148, %dma_wait3A_149] : memref<4x10000x128xf32, #tpu.memory_space<hbm>> -> memref<1x10000x128xf32, #tpu.memory_space<hbm>>
      %dma_wait3A_151 = tpu.memref_squeeze %dma_wait3A_150 : memref<1x10000x128xf32, #tpu.memory_space<hbm>> -> memref<10000x128xf32, #tpu.memory_space<hbm>>
      %dma_wait3A_152 = arith.constant 0 : i32
      %dma_wait3A_153 = arith.constant 0 : i32
      %dma_wait3A_154 = tpu.memref_slice %dma_wait3A_151[%dma_wait3A_152, %dma_wait3A_153] : memref<10000x128xf32, #tpu.memory_space<hbm>> -> memref<10000x128xf32, #tpu.memory_space<hbm>>
      tpu.wait_indirect_dma semaphore(%arg12 : memref<!tpu.dma_semaphore, #tpu.memory_space<semaphore_mem>>) src(%dma_wait3A_154 : memref<10000x128xf32, #tpu.memory_space<hbm>>) dst(%arg9 : memref<128x128xf32, #tpu.memory_space<vmem>>)
      "tpu.region"() ({
        %run_scoped3A = tpu.sem_alloc : memref<!tpu.dma_semaphore, #tpu.memory_space<semaphore_mem>>
        %dma_start3A_181 = arith.constant 0 : i32
        %dma_start3A_182 = tpu.memref_slice %arg8[%mul3A_132, %dma_start3A_181] : memref<40x128xi32, #tpu.memory_space<vmem>> -> memref<1x128xi32, #tpu.memory_space<vmem>>
        %dma_start3A_183 = tpu.memref_squeeze %dma_start3A_182 : memref<1x128xi32, #tpu.memory_space<vmem>> -> memref<128xi32, #tpu.memory_space<vmem>>
        %dma_start3A_184 = arith.constant 0 : i32
        %dma_start3A_185 = arith.constant 0 : i32
        %dma_start3A_186 = tpu.memref_slice %arg11[%dma_start3A_184, %dma_start3A_185] : memref<10112x128xf32, #tpu.memory_space<vmem_shared>> -> memref<10112x128xf32, #tpu.memory_space<vmem_shared>>
        tpu.enqueue_indirect_dma source(%arg9 : memref<128x128xf32, #tpu.memory_space<vmem>>) target(%dma_start3A_186 : memref<10112x128xf32, #tpu.memory_space<vmem_shared>>) offsets(%dma_start3A_183 : memref<128xi32, #tpu.memory_space<vmem>>) semaphore(%run_scoped3A : memref<!tpu.dma_semaphore, #tpu.memory_space<semaphore_mem>>) {add = true}
        %dma_wait3A_187 = arith.constant 0 : i32
        %dma_wait3A_188 = tpu.memref_slice %arg8[%mul3A_132, %dma_wait3A_187] : memref<40x128xi32, #tpu.memory_space<vmem>> -> memref<1x128xi32, #tpu.memory_space<vmem>>
        %dma_wait3A_189 = tpu.memref_squeeze %dma_wait3A_188 : memref<1x128xi32, #tpu.memory_space<vmem>> -> memref<128xi32, #tpu.memory_space<vmem>>
        %dma_wait3A_190 = arith.constant 0 : i32
        %dma_wait3A_191 = arith.constant 0 : i32
        %dma_wait3A_192 = tpu.memref_slice %arg11[%dma_wait3A_190, %dma_wait3A_191] : memref<10112x128xf32, #tpu.memory_space<vmem_shared>> -> memref<10112x128xf32, #tpu.memory_space<vmem_shared>>
        tpu.wait_indirect_dma semaphore(%run_scoped3A : memref<!tpu.dma_semaphore, #tpu.memory_space<semaphore_mem>>) src(%arg9 : memref<128x128xf32, #tpu.memory_space<vmem>>) dst(%dma_wait3A_192 : memref<10112x128xf32, #tpu.memory_space<vmem_shared>>)
        tpu.yield
      }) : () -> ()
      %add3A_155 = arith.constant 2 : i32
      %add3A_156 = arith.addi %mul3A_132, %add3A_155 : i32
      %dma_start3A_157 = arith.constant 0 : i32
      %dma_start3A_158 = tpu.memref_slice %arg7[%add3A_156, %dma_start3A_157] : memref<48x128xi32, #tpu.memory_space<vmem>> -> memref<1x128xi32, #tpu.memory_space<vmem>>
      %dma_start3A_159 = tpu.memref_squeeze %dma_start3A_158 : memref<1x128xi32, #tpu.memory_space<vmem>> -> memref<128xi32, #tpu.memory_space<vmem>>
      %dma_start3A_160 = arith.constant 0 : i32
      %dma_start3A_161 = arith.constant 0 : i32
      %dma_start3A_162 = tpu.memref_slice %arg2[%add3A_1, %dma_start3A_160, %dma_start3A_161] : memref<4x10000x128xf32, #tpu.memory_space<hbm>> -> memref<1x10000x128xf32, #tpu.memory_space<hbm>>
      %dma_start3A_163 = tpu.memref_squeeze %dma_start3A_162 : memref<1x10000x128xf32, #tpu.memory_space<hbm>> -> memref<10000x128xf32, #tpu.memory_space<hbm>>
      %dma_start3A_164 = arith.constant 0 : i32
      %dma_start3A_165 = arith.constant 0 : i32
      %dma_start3A_166 = tpu.memref_slice %dma_start3A_163[%dma_start3A_164, %dma_start3A_165] : memref<10000x128xf32, #tpu.memory_space<hbm>> -> memref<10000x128xf32, #tpu.memory_space<hbm>>
      tpu.enqueue_indirect_dma source(%dma_start3A_166 : memref<10000x128xf32, #tpu.memory_space<hbm>>) target(%arg9 : memref<128x128xf32, #tpu.memory_space<vmem>>) offsets(%dma_start3A_159 : memref<128xi32, #tpu.memory_space<vmem>>) semaphore(%arg12 : memref<!tpu.dma_semaphore, #tpu.memory_space<semaphore_mem>>)
      %add3A_167 = arith.constant 1 : i32
      %add3A_168 = arith.addi %mul3A_132, %add3A_167 : i32
      %dma_wait3A_169 = arith.constant 0 : i32
      %dma_wait3A_170 = tpu.memref_slice %arg7[%add3A_168, %dma_wait3A_169] : memref<48x128xi32, #tpu.memory_space<vmem>> -> memref<1x128xi32, #tpu.memory_space<vmem>>
      %dma_wait3A_171 = tpu.memref_squeeze %dma_wait3A_170 : memref<1x128xi32, #tpu.memory_space<vmem>> -> memref<128xi32, #tpu.memory_space<vmem>>
      %dma_wait3A_172 = arith.constant 0 : i32
      %dma_wait3A_173 = arith.constant 0 : i32
      %dma_wait3A_174 = tpu.memref_slice %arg2[%add3A_1, %dma_wait3A_172, %dma_wait3A_173] : memref<4x10000x128xf32, #tpu.memory_space<hbm>> -> memref<1x10000x128xf32, #tpu.memory_space<hbm>>
      %dma_wait3A_175 = tpu.memref_squeeze %dma_wait3A_174 : memref<1x10000x128xf32, #tpu.memory_space<hbm>> -> memref<10000x128xf32, #tpu.memory_space<hbm>>
      %dma_wait3A_176 = arith.constant 0 : i32
      %dma_wait3A_177 = arith.constant 0 : i32
      %dma_wait3A_178 = tpu.memref_slice %dma_wait3A_175[%dma_wait3A_176, %dma_wait3A_177] : memref<10000x128xf32, #tpu.memory_space<hbm>> -> memref<10000x128xf32, #tpu.memory_space<hbm>>
      tpu.wait_indirect_dma semaphore(%arg13 : memref<!tpu.dma_semaphore, #tpu.memory_space<semaphore_mem>>) src(%dma_wait3A_178 : memref<10000x128xf32, #tpu.memory_space<hbm>>) dst(%arg10 : memref<128x128xf32, #tpu.memory_space<vmem>>)
      %add3A_179 = arith.constant 1 : i32
      %add3A_180 = arith.addi %mul3A_132, %add3A_179 : i32
      "tpu.region"() ({
        %run_scoped3A = tpu.sem_alloc : memref<!tpu.dma_semaphore, #tpu.memory_space<semaphore_mem>>
        %dma_start3A_181 = arith.constant 0 : i32
        %dma_start3A_182 = tpu.memref_slice %arg8[%add3A_180, %dma_start3A_181] : memref<40x128xi32, #tpu.memory_space<vmem>> -> memref<1x128xi32, #tpu.memory_space<vmem>>
        %dma_start3A_183 = tpu.memref_squeeze %dma_start3A_182 : memref<1x128xi32, #tpu.memory_space<vmem>> -> memref<128xi32, #tpu.memory_space<vmem>>
        %dma_start3A_184 = arith.constant 0 : i32
        %dma_start3A_185 = arith.constant 0 : i32
        %dma_start3A_186 = tpu.memref_slice %arg11[%dma_start3A_184, %dma_start3A_185] : memref<10112x128xf32, #tpu.memory_space<vmem_shared>> -> memref<10112x128xf32, #tpu.memory_space<vmem_shared>>
        tpu.enqueue_indirect_dma source(%arg10 : memref<128x128xf32, #tpu.memory_space<vmem>>) target(%dma_start3A_186 : memref<10112x128xf32, #tpu.memory_space<vmem_shared>>) offsets(%dma_start3A_183 : memref<128xi32, #tpu.memory_space<vmem>>) semaphore(%run_scoped3A : memref<!tpu.dma_semaphore, #tpu.memory_space<semaphore_mem>>) {add = true}
        %dma_wait3A_187 = arith.constant 0 : i32
        %dma_wait3A_188 = tpu.memref_slice %arg8[%add3A_180, %dma_wait3A_187] : memref<40x128xi32, #tpu.memory_space<vmem>> -> memref<1x128xi32, #tpu.memory_space<vmem>>
        %dma_wait3A_189 = tpu.memref_squeeze %dma_wait3A_188 : memref<1x128xi32, #tpu.memory_space<vmem>> -> memref<128xi32, #tpu.memory_space<vmem>>
        %dma_wait3A_190 = arith.constant 0 : i32
        %dma_wait3A_191 = arith.constant 0 : i32
        %dma_wait3A_192 = tpu.memref_slice %arg11[%dma_wait3A_190, %dma_wait3A_191] : memref<10112x128xf32, #tpu.memory_space<vmem_shared>> -> memref<10112x128xf32, #tpu.memory_space<vmem_shared>>
        tpu.wait_indirect_dma semaphore(%run_scoped3A : memref<!tpu.dma_semaphore, #tpu.memory_space<semaphore_mem>>) src(%arg10 : memref<128x128xf32, #tpu.memory_space<vmem>>) dst(%dma_wait3A_192 : memref<10112x128xf32, #tpu.memory_space<vmem_shared>>)
        tpu.yield
      }) : () -> ()
    }
    %scan3A_18 = arith.constant 20 : i32
    %dma_wait3A = arith.constant 40 : i32
    %dma_wait3A_19 = arith.constant 0 : i32
    %dma_wait3A_20 = tpu.memref_slice %arg7[%dma_wait3A, %dma_wait3A_19] : memref<48x128xi32, #tpu.memory_space<vmem>> -> memref<1x128xi32, #tpu.memory_space<vmem>>
    %dma_wait3A_21 = tpu.memref_squeeze %dma_wait3A_20 : memref<1x128xi32, #tpu.memory_space<vmem>> -> memref<128xi32, #tpu.memory_space<vmem>>
    %dma_wait3A_22 = arith.constant 0 : i32
    %dma_wait3A_23 = arith.constant 0 : i32
    %dma_wait3A_24 = tpu.memref_slice %arg2[%add3A_1, %dma_wait3A_22, %dma_wait3A_23] : memref<4x10000x128xf32, #tpu.memory_space<hbm>> -> memref<1x10000x128xf32, #tpu.memory_space<hbm>>
    %dma_wait3A_25 = tpu.memref_squeeze %dma_wait3A_24 : memref<1x10000x128xf32, #tpu.memory_space<hbm>> -> memref<10000x128xf32, #tpu.memory_space<hbm>>
    %dma_wait3A_26 = arith.constant 0 : i32
    %dma_wait3A_27 = arith.constant 0 : i32
    %dma_wait3A_28 = tpu.memref_slice %dma_wait3A_25[%dma_wait3A_26, %dma_wait3A_27] : memref<10000x128xf32, #tpu.memory_space<hbm>> -> memref<10000x128xf32, #tpu.memory_space<hbm>>
    tpu.wait_indirect_dma semaphore(%arg12 : memref<!tpu.dma_semaphore, #tpu.memory_space<semaphore_mem>>) src(%dma_wait3A_28 : memref<10000x128xf32, #tpu.memory_space<hbm>>) dst(%arg9 : memref<128x128xf32, #tpu.memory_space<vmem>>)
    "tpu.region"() ({
      %run_scoped3A = tpu.sem_alloc : memref<!tpu.dma_semaphore, #tpu.memory_space<semaphore_mem>>
      %dma_start3A_130 = arith.constant 0 : i32
      %dma_start3A_131 = arith.constant 0 : i32
      %dma_start3A_132 = tpu.memref_slice %arg3[%arg1, %dma_start3A_130, %dma_start3A_131] : memref<16x88x128xi32, #tpu.memory_space<hbm>> -> memref<1x88x128xi32, #tpu.memory_space<hbm>>
      %dma_start3A_133 = tpu.memref_squeeze %dma_start3A_132 : memref<1x88x128xi32, #tpu.memory_space<hbm>> -> memref<88x128xi32, #tpu.memory_space<hbm>>
      %dma_start3A_134 = arith.constant 40 : i32
      %dma_start3A_135 = arith.constant 0 : i32
      %dma_start3A_136 = tpu.memref_slice %dma_start3A_133[%dma_start3A_134, %dma_start3A_135] : memref<88x128xi32, #tpu.memory_space<hbm>> -> memref<48x128xi32, #tpu.memory_space<hbm>>
      %dma_start3A_137 = arith.constant 0 : i32
      %dma_start3A_138 = arith.constant 0 : i32
      %dma_start3A_139 = tpu.memref_slice %arg3[%arg1, %dma_start3A_137, %dma_start3A_138] : memref<16x88x128xi32, #tpu.memory_space<hbm>> -> memref<1x88x128xi32, #tpu.memory_space<hbm>>
      %dma_start3A_140 = tpu.memref_squeeze %dma_start3A_139 : memref<1x88x128xi32, #tpu.memory_space<hbm>> -> memref<88x128xi32, #tpu.memory_space<hbm>>
      %dma_start3A_141 = arith.constant 40 : i32
      %dma_start3A_142 = arith.constant 0 : i32
      %dma_start3A_143 = tpu.memref_slice %dma_start3A_140[%dma_start3A_141, %dma_start3A_142] : memref<88x128xi32, #tpu.memory_space<hbm>> -> memref<48x128xi32, #tpu.memory_space<hbm>>
      tpu.enqueue_dma source(%dma_start3A_143 : memref<48x128xi32, #tpu.memory_space<hbm>>) target(%arg7 : memref<48x128xi32, #tpu.memory_space<vmem>>) target_semaphore(%run_scoped3A : memref<!tpu.dma_semaphore, #tpu.memory_space<semaphore_mem>>)
      %dma_wait3A_144 = arith.constant 0 : i32
      %dma_wait3A_145 = arith.constant 0 : i32
      %dma_wait3A_146 = tpu.memref_slice %arg3[%arg1, %dma_wait3A_144, %dma_wait3A_145] : memref<16x88x128xi32, #tpu.memory_space<hbm>> -> memref<1x88x128xi32, #tpu.memory_space<hbm>>
      %dma_wait3A_147 = tpu.memref_squeeze %dma_wait3A_146 : memref<1x88x128xi32, #tpu.memory_space<hbm>> -> memref<88x128xi32, #tpu.memory_space<hbm>>
      %dma_wait3A_148 = arith.constant 40 : i32
      %dma_wait3A_149 = arith.constant 0 : i32
      %dma_wait3A_150 = tpu.memref_slice %dma_wait3A_147[%dma_wait3A_148, %dma_wait3A_149] : memref<88x128xi32, #tpu.memory_space<hbm>> -> memref<48x128xi32, #tpu.memory_space<hbm>>
      %dma_wait3A_151 = arith.constant 0 : i32
      %dma_wait3A_152 = arith.constant 0 : i32
      %dma_wait3A_153 = tpu.memref_slice %arg3[%arg1, %dma_wait3A_151, %dma_wait3A_152] : memref<16x88x128xi32, #tpu.memory_space<hbm>> -> memref<1x88x128xi32, #tpu.memory_space<hbm>>
      %dma_wait3A_154 = tpu.memref_squeeze %dma_wait3A_153 : memref<1x88x128xi32, #tpu.memory_space<hbm>> -> memref<88x128xi32, #tpu.memory_space<hbm>>
      %dma_wait3A_155 = arith.constant 40 : i32
      %dma_wait3A_156 = arith.constant 0 : i32
      %dma_wait3A_157 = tpu.memref_slice %dma_wait3A_154[%dma_wait3A_155, %dma_wait3A_156] : memref<88x128xi32, #tpu.memory_space<hbm>> -> memref<48x128xi32, #tpu.memory_space<hbm>>
      tpu.wait_dma2 semaphore(%run_scoped3A : memref<!tpu.dma_semaphore, #tpu.memory_space<semaphore_mem>>) src(%dma_wait3A_157 : memref<48x128xi32, #tpu.memory_space<hbm>>) dst(%arg7 : memref<48x128xi32, #tpu.memory_space<vmem>>)
      tpu.yield
    }) : () -> ()
    "tpu.region"() ({
      %run_scoped3A = tpu.sem_alloc : memref<!tpu.dma_semaphore, #tpu.memory_space<semaphore_mem>>
      %dma_start3A_130 = arith.constant 0 : i32
      %dma_start3A_131 = arith.constant 0 : i32
      %dma_start3A_132 = tpu.memref_slice %arg4[%arg1, %dma_start3A_130, %dma_start3A_131] : memref<16x80x128xi32, #tpu.memory_space<hbm>> -> memref<1x80x128xi32, #tpu.memory_space<hbm>>
      %dma_start3A_133 = tpu.memref_squeeze %dma_start3A_132 : memref<1x80x128xi32, #tpu.memory_space<hbm>> -> memref<80x128xi32, #tpu.memory_space<hbm>>
      %dma_start3A_134 = arith.constant 40 : i32
      %dma_start3A_135 = arith.constant 0 : i32
      %dma_start3A_136 = tpu.memref_slice %dma_start3A_133[%dma_start3A_134, %dma_start3A_135] : memref<80x128xi32, #tpu.memory_space<hbm>> -> memref<40x128xi32, #tpu.memory_space<hbm>>
      %dma_start3A_137 = arith.constant 0 : i32
      %dma_start3A_138 = arith.constant 0 : i32
      %dma_start3A_139 = tpu.memref_slice %arg4[%arg1, %dma_start3A_137, %dma_start3A_138] : memref<16x80x128xi32, #tpu.memory_space<hbm>> -> memref<1x80x128xi32, #tpu.memory_space<hbm>>
      %dma_start3A_140 = tpu.memref_squeeze %dma_start3A_139 : memref<1x80x128xi32, #tpu.memory_space<hbm>> -> memref<80x128xi32, #tpu.memory_space<hbm>>
      %dma_start3A_141 = arith.constant 40 : i32
      %dma_start3A_142 = arith.constant 0 : i32
      %dma_start3A_143 = tpu.memref_slice %dma_start3A_140[%dma_start3A_141, %dma_start3A_142] : memref<80x128xi32, #tpu.memory_space<hbm>> -> memref<40x128xi32, #tpu.memory_space<hbm>>
      tpu.enqueue_dma source(%dma_start3A_143 : memref<40x128xi32, #tpu.memory_space<hbm>>) target(%arg8 : memref<40x128xi32, #tpu.memory_space<vmem>>) target_semaphore(%run_scoped3A : memref<!tpu.dma_semaphore, #tpu.memory_space<semaphore_mem>>)
      %dma_wait3A_144 = arith.constant 0 : i32
      %dma_wait3A_145 = arith.constant 0 : i32
      %dma_wait3A_146 = tpu.memref_slice %arg4[%arg1, %dma_wait3A_144, %dma_wait3A_145] : memref<16x80x128xi32, #tpu.memory_space<hbm>> -> memref<1x80x128xi32, #tpu.memory_space<hbm>>
      %dma_wait3A_147 = tpu.memref_squeeze %dma_wait3A_146 : memref<1x80x128xi32, #tpu.memory_space<hbm>> -> memref<80x128xi32, #tpu.memory_space<hbm>>
      %dma_wait3A_148 = arith.constant 40 : i32
      %dma_wait3A_149 = arith.constant 0 : i32
      %dma_wait3A_150 = tpu.memref_slice %dma_wait3A_147[%dma_wait3A_148, %dma_wait3A_149] : memref<80x128xi32, #tpu.memory_space<hbm>> -> memref<40x128xi32, #tpu.memory_space<hbm>>
      %dma_wait3A_151 = arith.constant 0 : i32
      %dma_wait3A_152 = arith.constant 0 : i32
      %dma_wait3A_153 = tpu.memref_slice %arg4[%arg1, %dma_wait3A_151, %dma_wait3A_152] : memref<16x80x128xi32, #tpu.memory_space<hbm>> -> memref<1x80x128xi32, #tpu.memory_space<hbm>>
      %dma_wait3A_154 = tpu.memref_squeeze %dma_wait3A_153 : memref<1x80x128xi32, #tpu.memory_space<hbm>> -> memref<80x128xi32, #tpu.memory_space<hbm>>
      %dma_wait3A_155 = arith.constant 40 : i32
      %dma_wait3A_156 = arith.constant 0 : i32
      %dma_wait3A_157 = tpu.memref_slice %dma_wait3A_154[%dma_wait3A_155, %dma_wait3A_156] : memref<80x128xi32, #tpu.memory_space<hbm>> -> memref<40x128xi32, #tpu.memory_space<hbm>>
      tpu.wait_dma2 semaphore(%run_scoped3A : memref<!tpu.dma_semaphore, #tpu.memory_space<semaphore_mem>>) src(%dma_wait3A_157 : memref<40x128xi32, #tpu.memory_space<hbm>>) dst(%arg8 : memref<40x128xi32, #tpu.memory_space<vmem>>)
      tpu.yield
    }) : () -> ()
    %dma_start3A_29 = arith.constant 0 : i32
    %dma_start3A_30 = arith.constant 0 : i32
    %dma_start3A_31 = tpu.memref_slice %arg7[%dma_start3A_29, %dma_start3A_30] : memref<48x128xi32, #tpu.memory_space<vmem>> -> memref<1x128xi32, #tpu.memory_space<vmem>>
    %dma_start3A_32 = tpu.memref_squeeze %dma_start3A_31 : memref<1x128xi32, #tpu.memory_space<vmem>> -> memref<128xi32, #tpu.memory_space<vmem>>
    %dma_start3A_33 = arith.constant 0 : i32
    %dma_start3A_34 = arith.constant 0 : i32
    %dma_start3A_35 = tpu.memref_slice %arg2[%add3A_1, %dma_start3A_33, %dma_start3A_34] : memref<4x10000x128xf32, #tpu.memory_space<hbm>> -> memref<1x10000x128xf32, #tpu.memory_space<hbm>>
    %dma_start3A_36 = tpu.memref_squeeze %dma_start3A_35 : memref<1x10000x128xf32, #tpu.memory_space<hbm>> -> memref<10000x128xf32, #tpu.memory_space<hbm>>
    %dma_start3A_37 = arith.constant 0 : i32
    %dma_start3A_38 = arith.constant 0 : i32
    %dma_start3A_39 = tpu.memref_slice %dma_start3A_36[%dma_start3A_37, %dma_start3A_38] : memref<10000x128xf32, #tpu.memory_space<hbm>> -> memref<10000x128xf32, #tpu.memory_space<hbm>>
    tpu.enqueue_indirect_dma source(%dma_start3A_39 : memref<10000x128xf32, #tpu.memory_space<hbm>>) target(%arg9 : memref<128x128xf32, #tpu.memory_space<vmem>>) offsets(%dma_start3A_32 : memref<128xi32, #tpu.memory_space<vmem>>) semaphore(%arg12 : memref<!tpu.dma_semaphore, #tpu.memory_space<semaphore_mem>>)
    %scan3A_40 = arith.constant 0 : i32
    %scan3A_41 = arith.constant 0 : i32
    %scan3A_42 = arith.constant 20 : i32
    %scan3A_43 = arith.addi %scan3A_41, %scan3A_42 : i32
    %scan3A_44 = arith.constant 1 : i32
    scf.for %scan3A_130 = %scan3A_41 to %scan3A_43 step %scan3A_44  : i32 {
      %mul3A_131 = arith.constant 2 : i32
      %mul3A_132 = arith.muli %mul3A_131, %scan3A_130 : i32
      %add3A_133 = arith.constant 1 : i32
      %add3A_134 = arith.addi %mul3A_132, %add3A_133 : i32
      %dma_start3A_135 = arith.constant 0 : i32
      %dma_start3A_136 = tpu.memref_slice %arg7[%add3A_134, %dma_start3A_135] : memref<48x128xi32, #tpu.memory_space<vmem>> -> memref<1x128xi32, #tpu.memory_space<vmem>>
      %dma_start3A_137 = tpu.memref_squeeze %dma_start3A_136 : memref<1x128xi32, #tpu.memory_space<vmem>> -> memref<128xi32, #tpu.memory_space<vmem>>
      %dma_start3A_138 = arith.constant 0 : i32
      %dma_start3A_139 = arith.constant 0 : i32
      %dma_start3A_140 = tpu.memref_slice %arg2[%add3A_1, %dma_start3A_138, %dma_start3A_139] : memref<4x10000x128xf32, #tpu.memory_space<hbm>> -> memref<1x10000x128xf32, #tpu.memory_space<hbm>>
      %dma_start3A_141 = tpu.memref_squeeze %dma_start3A_140 : memref<1x10000x128xf32, #tpu.memory_space<hbm>> -> memref<10000x128xf32, #tpu.memory_space<hbm>>
      %dma_start3A_142 = arith.constant 0 : i32
      %dma_start3A_143 = arith.constant 0 : i32
      %dma_start3A_144 = tpu.memref_slice %dma_start3A_141[%dma_start3A_142, %dma_start3A_143] : memref<10000x128xf32, #tpu.memory_space<hbm>> -> memref<10000x128xf32, #tpu.memory_space<hbm>>
      tpu.enqueue_indirect_dma source(%dma_start3A_144 : memref<10000x128xf32, #tpu.memory_space<hbm>>) target(%arg10 : memref<128x128xf32, #tpu.memory_space<vmem>>) offsets(%dma_start3A_137 : memref<128xi32, #tpu.memory_space<vmem>>) semaphore(%arg13 : memref<!tpu.dma_semaphore, #tpu.memory_space<semaphore_mem>>)
      %dma_wait3A_145 = arith.constant 0 : i32
      %dma_wait3A_146 = tpu.memref_slice %arg7[%mul3A_132, %dma_wait3A_145] : memref<48x128xi32, #tpu.memory_space<vmem>> -> memref<1x128xi32, #tpu.memory_space<vmem>>
      %dma_wait3A_147 = tpu.memref_squeeze %dma_wait3A_146 : memref<1x128xi32, #tpu.memory_space<vmem>> -> memref<128xi32, #tpu.memory_space<vmem>>
      %dma_wait3A_148 = arith.constant 0 : i32
      %dma_wait3A_149 = arith.constant 0 : i32
      %dma_wait3A_150 = tpu.memref_slice %arg2[%add3A_1, %dma_wait3A_148, %dma_wait3A_149] : memref<4x10000x128xf32, #tpu.memory_space<hbm>> -> memref<1x10000x128xf32, #tpu.memory_space<hbm>>
      %dma_wait3A_151 = tpu.memref_squeeze %dma_wait3A_150 : memref<1x10000x128xf32, #tpu.memory_space<hbm>> -> memref<10000x128xf32, #tpu.memory_space<hbm>>
      %dma_wait3A_152 = arith.constant 0 : i32
      %dma_wait3A_153 = arith.constant 0 : i32
      %dma_wait3A_154 = tpu.memref_slice %dma_wait3A_151[%dma_wait3A_152, %dma_wait3A_153] : memref<10000x128xf32, #tpu.memory_space<hbm>> -> memref<10000x128xf32, #tpu.memory_space<hbm>>
      tpu.wait_indirect_dma semaphore(%arg12 : memref<!tpu.dma_semaphore, #tpu.memory_space<semaphore_mem>>) src(%dma_wait3A_154 : memref<10000x128xf32, #tpu.memory_space<hbm>>) dst(%arg9 : memref<128x128xf32, #tpu.memory_space<vmem>>)
      "tpu.region"() ({
        %run_scoped3A = tpu.sem_alloc : memref<!tpu.dma_semaphore, #tpu.memory_space<semaphore_mem>>
        %dma_start3A_181 = arith.constant 0 : i32
        %dma_start3A_182 = tpu.memref_slice %arg8[%mul3A_132, %dma_start3A_181] : memref<40x128xi32, #tpu.memory_space<vmem>> -> memref<1x128xi32, #tpu.memory_space<vmem>>
        %dma_start3A_183 = tpu.memref_squeeze %dma_start3A_182 : memref<1x128xi32, #tpu.memory_space<vmem>> -> memref<128xi32, #tpu.memory_space<vmem>>
        %dma_start3A_184 = arith.constant 0 : i32
        %dma_start3A_185 = arith.constant 0 : i32
        %dma_start3A_186 = tpu.memref_slice %arg11[%dma_start3A_184, %dma_start3A_185] : memref<10112x128xf32, #tpu.memory_space<vmem_shared>> -> memref<10112x128xf32, #tpu.memory_space<vmem_shared>>
        tpu.enqueue_indirect_dma source(%arg9 : memref<128x128xf32, #tpu.memory_space<vmem>>) target(%dma_start3A_186 : memref<10112x128xf32, #tpu.memory_space<vmem_shared>>) offsets(%dma_start3A_183 : memref<128xi32, #tpu.memory_space<vmem>>) semaphore(%run_scoped3A : memref<!tpu.dma_semaphore, #tpu.memory_space<semaphore_mem>>) {add = true}
        %dma_wait3A_187 = arith.constant 0 : i32
        %dma_wait3A_188 = tpu.memref_slice %arg8[%mul3A_132, %dma_wait3A_187] : memref<40x128xi32, #tpu.memory_space<vmem>> -> memref<1x128xi32, #tpu.memory_space<vmem>>
        %dma_wait3A_189 = tpu.memref_squeeze %dma_wait3A_188 : memref<1x128xi32, #tpu.memory_space<vmem>> -> memref<128xi32, #tpu.memory_space<vmem>>
        %dma_wait3A_190 = arith.constant 0 : i32
        %dma_wait3A_191 = arith.constant 0 : i32
        %dma_wait3A_192 = tpu.memref_slice %arg11[%dma_wait3A_190, %dma_wait3A_191] : memref<10112x128xf32, #tpu.memory_space<vmem_shared>> -> memref<10112x128xf32, #tpu.memory_space<vmem_shared>>
        tpu.wait_indirect_dma semaphore(%run_scoped3A : memref<!tpu.dma_semaphore, #tpu.memory_space<semaphore_mem>>) src(%arg9 : memref<128x128xf32, #tpu.memory_space<vmem>>) dst(%dma_wait3A_192 : memref<10112x128xf32, #tpu.memory_space<vmem_shared>>)
        tpu.yield
      }) : () -> ()
      %add3A_155 = arith.constant 2 : i32
      %add3A_156 = arith.addi %mul3A_132, %add3A_155 : i32
      %dma_start3A_157 = arith.constant 0 : i32
      %dma_start3A_158 = tpu.memref_slice %arg7[%add3A_156, %dma_start3A_157] : memref<48x128xi32, #tpu.memory_space<vmem>> -> memref<1x128xi32, #tpu.memory_space<vmem>>
      %dma_start3A_159 = tpu.memref_squeeze %dma_start3A_158 : memref<1x128xi32, #tpu.memory_space<vmem>> -> memref<128xi32, #tpu.memory_space<vmem>>
      %dma_start3A_160 = arith.constant 0 : i32
      %dma_start3A_161 = arith.constant 0 : i32
      %dma_start3A_162 = tpu.memref_slice %arg2[%add3A_1, %dma_start3A_160, %dma_start3A_161] : memref<4x10000x128xf32, #tpu.memory_space<hbm>> -> memref<1x10000x128xf32, #tpu.memory_space<hbm>>
      %dma_start3A_163 = tpu.memref_squeeze %dma_start3A_162 : memref<1x10000x128xf32, #tpu.memory_space<hbm>> -> memref<10000x128xf32, #tpu.memory_space<hbm>>
      %dma_start3A_164 = arith.constant 0 : i32
      %dma_start3A_165 = arith.constant 0 : i32
      %dma_start3A_166 = tpu.memref_slice %dma_start3A_163[%dma_start3A_164, %dma_start3A_165] : memref<10000x128xf32, #tpu.memory_space<hbm>> -> memref<10000x128xf32, #tpu.memory_space<hbm>>
      tpu.enqueue_indirect_dma source(%dma_start3A_166 : memref<10000x128xf32, #tpu.memory_space<hbm>>) target(%arg9 : memref<128x128xf32, #tpu.memory_space<vmem>>) offsets(%dma_start3A_159 : memref<128xi32, #tpu.memory_space<vmem>>) semaphore(%arg12 : memref<!tpu.dma_semaphore, #tpu.memory_space<semaphore_mem>>)
      %add3A_167 = arith.constant 1 : i32
      %add3A_168 = arith.addi %mul3A_132, %add3A_167 : i32
      %dma_wait3A_169 = arith.constant 0 : i32
      %dma_wait3A_170 = tpu.memref_slice %arg7[%add3A_168, %dma_wait3A_169] : memref<48x128xi32, #tpu.memory_space<vmem>> -> memref<1x128xi32, #tpu.memory_space<vmem>>
      %dma_wait3A_171 = tpu.memref_squeeze %dma_wait3A_170 : memref<1x128xi32, #tpu.memory_space<vmem>> -> memref<128xi32, #tpu.memory_space<vmem>>
      %dma_wait3A_172 = arith.constant 0 : i32
      %dma_wait3A_173 = arith.constant 0 : i32
      %dma_wait3A_174 = tpu.memref_slice %arg2[%add3A_1, %dma_wait3A_172, %dma_wait3A_173] : memref<4x10000x128xf32, #tpu.memory_space<hbm>> -> memref<1x10000x128xf32, #tpu.memory_space<hbm>>
      %dma_wait3A_175 = tpu.memref_squeeze %dma_wait3A_174 : memref<1x10000x128xf32, #tpu.memory_space<hbm>> -> memref<10000x128xf32, #tpu.memory_space<hbm>>
      %dma_wait3A_176 = arith.constant 0 : i32
      %dma_wait3A_177 = arith.constant 0 : i32
      %dma_wait3A_178 = tpu.memref_slice %dma_wait3A_175[%dma_wait3A_176, %dma_wait3A_177] : memref<10000x128xf32, #tpu.memory_space<hbm>> -> memref<10000x128xf32, #tpu.memory_space<hbm>>
      tpu.wait_indirect_dma semaphore(%arg13 : memref<!tpu.dma_semaphore, #tpu.memory_space<semaphore_mem>>) src(%dma_wait3A_178 : memref<10000x128xf32, #tpu.memory_space<hbm>>) dst(%arg10 : memref<128x128xf32, #tpu.memory_space<vmem>>)
      %add3A_179 = arith.constant 1 : i32
      %add3A_180 = arith.addi %mul3A_132, %add3A_179 : i32
      "tpu.region"() ({
        %run_scoped3A = tpu.sem_alloc : memref<!tpu.dma_semaphore, #tpu.memory_space<semaphore_mem>>
        %dma_start3A_181 = arith.constant 0 : i32
        %dma_start3A_182 = tpu.memref_slice %arg8[%add3A_180, %dma_start3A_181] : memref<40x128xi32, #tpu.memory_space<vmem>> -> memref<1x128xi32, #tpu.memory_space<vmem>>
        %dma_start3A_183 = tpu.memref_squeeze %dma_start3A_182 : memref<1x128xi32, #tpu.memory_space<vmem>> -> memref<128xi32, #tpu.memory_space<vmem>>
        %dma_start3A_184 = arith.constant 0 : i32
        %dma_start3A_185 = arith.constant 0 : i32
        %dma_start3A_186 = tpu.memref_slice %arg11[%dma_start3A_184, %dma_start3A_185] : memref<10112x128xf32, #tpu.memory_space<vmem_shared>> -> memref<10112x128xf32, #tpu.memory_space<vmem_shared>>
        tpu.enqueue_indirect_dma source(%arg10 : memref<128x128xf32, #tpu.memory_space<vmem>>) target(%dma_start3A_186 : memref<10112x128xf32, #tpu.memory_space<vmem_shared>>) offsets(%dma_start3A_183 : memref<128xi32, #tpu.memory_space<vmem>>) semaphore(%run_scoped3A : memref<!tpu.dma_semaphore, #tpu.memory_space<semaphore_mem>>) {add = true}
        %dma_wait3A_187 = arith.constant 0 : i32
        %dma_wait3A_188 = tpu.memref_slice %arg8[%add3A_180, %dma_wait3A_187] : memref<40x128xi32, #tpu.memory_space<vmem>> -> memref<1x128xi32, #tpu.memory_space<vmem>>
        %dma_wait3A_189 = tpu.memref_squeeze %dma_wait3A_188 : memref<1x128xi32, #tpu.memory_space<vmem>> -> memref<128xi32, #tpu.memory_space<vmem>>
        %dma_wait3A_190 = arith.constant 0 : i32
        %dma_wait3A_191 = arith.constant 0 : i32
        %dma_wait3A_192 = tpu.memref_slice %arg11[%dma_wait3A_190, %dma_wait3A_191] : memref<10112x128xf32, #tpu.memory_space<vmem_shared>> -> memref<10112x128xf32, #tpu.memory_space<vmem_shared>>
        tpu.wait_indirect_dma semaphore(%run_scoped3A : memref<!tpu.dma_semaphore, #tpu.memory_space<semaphore_mem>>) src(%arg10 : memref<128x128xf32, #tpu.memory_space<vmem>>) dst(%dma_wait3A_192 : memref<10112x128xf32, #tpu.memory_space<vmem_shared>>)
        tpu.yield
      }) : () -> ()
    }
    %scan3A_45 = arith.constant 20 : i32
    %dma_wait3A_46 = arith.constant 40 : i32
    %dma_wait3A_47 = arith.constant 0 : i32
    %dma_wait3A_48 = tpu.memref_slice %arg7[%dma_wait3A_46, %dma_wait3A_47] : memref<48x128xi32, #tpu.memory_space<vmem>> -> memref<1x128xi32, #tpu.memory_space<vmem>>
    %dma_wait3A_49 = tpu.memref_squeeze %dma_wait3A_48 : memref<1x128xi32, #tpu.memory_space<vmem>> -> memref<128xi32, #tpu.memory_space<vmem>>
    %dma_wait3A_50 = arith.constant 0 : i32
    %dma_wait3A_51 = arith.constant 0 : i32
    %dma_wait3A_52 = tpu.memref_slice %arg2[%add3A_1, %dma_wait3A_50, %dma_wait3A_51] : memref<4x10000x128xf32, #tpu.memory_space<hbm>> -> memref<1x10000x128xf32, #tpu.memory_space<hbm>>
    %dma_wait3A_53 = tpu.memref_squeeze %dma_wait3A_52 : memref<1x10000x128xf32, #tpu.memory_space<hbm>> -> memref<10000x128xf32, #tpu.memory_space<hbm>>
    %dma_wait3A_54 = arith.constant 0 : i32
    %dma_wait3A_55 = arith.constant 0 : i32
    %dma_wait3A_56 = tpu.memref_slice %dma_wait3A_53[%dma_wait3A_54, %dma_wait3A_55] : memref<10000x128xf32, #tpu.memory_space<hbm>> -> memref<10000x128xf32, #tpu.memory_space<hbm>>
    tpu.wait_indirect_dma semaphore(%arg12 : memref<!tpu.dma_semaphore, #tpu.memory_space<semaphore_mem>>) src(%dma_wait3A_56 : memref<10000x128xf32, #tpu.memory_space<hbm>>) dst(%arg9 : memref<128x128xf32, #tpu.memory_space<vmem>>)
    %barrier3A_57 = arith.constant 0 : index
    tpu.barrier barrier_id(%barrier3A_57)
    %mul3A_58 = arith.constant 632 : i32
    %mul3A_59 = arith.muli %arg1, %mul3A_58 : i32
    %mul3A_60 = arith.constant 632 : i32
    %mul3A_61 = arith.muli %arg1, %mul3A_60 : i32
    "tpu.region"() ({
      %run_scoped3A = tpu.sem_alloc : memref<!tpu.dma_semaphore, #tpu.memory_space<semaphore_mem>>
      %dma_start3A_130 = arith.constant 0 : i32
      %dma_start3A_131 = arith.constant 0 : i32
      %dma_start3A_132 = tpu.memref_slice %arg6[%add3A_1, %dma_start3A_130, %dma_start3A_131] : memref<4x10112x128xf32, #tpu.memory_space<hbm>> -> memref<1x10112x128xf32, #tpu.memory_space<hbm>>
      %dma_start3A_133 = tpu.memref_squeeze %dma_start3A_132 : memref<1x10112x128xf32, #tpu.memory_space<hbm>> -> memref<10112x128xf32, #tpu.memory_space<hbm>>
      %dma_start3A_134 = arith.constant 0 : i32
      %dma_start3A_135 = tpu.memref_slice %dma_start3A_133[%mul3A_61, %dma_start3A_134] : memref<10112x128xf32, #tpu.memory_space<hbm>> -> memref<632x128xf32, #tpu.memory_space<hbm>>
      %dma_start3A_136 = arith.constant 0 : i32
      %dma_start3A_137 = tpu.memref_slice %arg11[%mul3A_59, %dma_start3A_136] : memref<10112x128xf32, #tpu.memory_space<vmem_shared>> -> memref<632x128xf32, #tpu.memory_space<vmem_shared>>
      tpu.enqueue_dma source(%dma_start3A_137 : memref<632x128xf32, #tpu.memory_space<vmem_shared>>) target(%dma_start3A_135 : memref<632x128xf32, #tpu.memory_space<hbm>>) target_semaphore(%run_scoped3A : memref<!tpu.dma_semaphore, #tpu.memory_space<semaphore_mem>>)
      %dma_wait3A_138 = arith.constant 0 : i32
      %dma_wait3A_139 = arith.constant 0 : i32
      %dma_wait3A_140 = tpu.memref_slice %arg6[%add3A_1, %dma_wait3A_138, %dma_wait3A_139] : memref<4x10112x128xf32, #tpu.memory_space<hbm>> -> memref<1x10112x128xf32, #tpu.memory_space<hbm>>
      %dma_wait3A_141 = tpu.memref_squeeze %dma_wait3A_140 : memref<1x10112x128xf32, #tpu.memory_space<hbm>> -> memref<10112x128xf32, #tpu.memory_space<hbm>>
      %dma_wait3A_142 = arith.constant 0 : i32
      %dma_wait3A_143 = tpu.memref_slice %dma_wait3A_141[%mul3A_61, %dma_wait3A_142] : memref<10112x128xf32, #tpu.memory_space<hbm>> -> memref<632x128xf32, #tpu.memory_space<hbm>>
      %dma_wait3A_144 = arith.constant 0 : i32
      %dma_wait3A_145 = tpu.memref_slice %arg11[%mul3A_59, %dma_wait3A_144] : memref<10112x128xf32, #tpu.memory_space<vmem_shared>> -> memref<632x128xf32, #tpu.memory_space<vmem_shared>>
      tpu.wait_dma2 semaphore(%run_scoped3A : memref<!tpu.dma_semaphore, #tpu.memory_space<semaphore_mem>>) src(%dma_wait3A_145 : memref<632x128xf32, #tpu.memory_space<vmem_shared>>) dst(%dma_wait3A_143 : memref<632x128xf32, #tpu.memory_space<hbm>>)
      tpu.yield
    }) : () -> ()
    %mul3A_62 = arith.constant 2 : i32
    %mul3A_63 = arith.muli %arg0, %mul3A_62 : i32
    %add3A_64 = arith.constant 1 : i32
    %add3A_65 = arith.addi %mul3A_63, %add3A_64 : i32
    %mul3A_66 = arith.constant 632 : i32
    %mul3A_67 = arith.muli %arg1, %mul3A_66 : i32
    "tpu.region"() ({
      %run_scoped3A = tpu.sem_alloc : memref<!tpu.dma_semaphore, #tpu.memory_space<semaphore_mem>>
      %dma_start3A_130 = arith.constant 0 : i32
      %dma_start3A_131 = tpu.memref_slice %arg11[%mul3A_67, %dma_start3A_130] : memref<10112x128xf32, #tpu.memory_space<vmem_shared>> -> memref<632x128xf32, #tpu.memory_space<vmem_shared>>
      tpu.enqueue_dma source(%arg5 : memref<632x128xf32, #tpu.memory_space<hbm>>) target(%dma_start3A_131 : memref<632x128xf32, #tpu.memory_space<vmem_shared>>) target_semaphore(%run_scoped3A : memref<!tpu.dma_semaphore, #tpu.memory_space<semaphore_mem>>)
      %dma_wait3A_132 = arith.constant 0 : i32
      %dma_wait3A_133 = tpu.memref_slice %arg11[%mul3A_67, %dma_wait3A_132] : memref<10112x128xf32, #tpu.memory_space<vmem_shared>> -> memref<632x128xf32, #tpu.memory_space<vmem_shared>>
      tpu.wait_dma2 semaphore(%run_scoped3A : memref<!tpu.dma_semaphore, #tpu.memory_space<semaphore_mem>>) src(%arg5 : memref<632x128xf32, #tpu.memory_space<hbm>>) dst(%dma_wait3A_133 : memref<632x128xf32, #tpu.memory_space<vmem_shared>>)
      tpu.yield
    }) : () -> ()
    %barrier3A_68 = arith.constant 0 : index
    tpu.barrier barrier_id(%barrier3A_68)
    "tpu.region"() ({
      %run_scoped3A = tpu.sem_alloc : memref<!tpu.dma_semaphore, #tpu.memory_space<semaphore_mem>>
      %dma_start3A_130 = arith.constant 0 : i32
      %dma_start3A_131 = arith.constant 0 : i32
      %dma_start3A_132 = tpu.memref_slice %arg3[%arg1, %dma_start3A_130, %dma_start3A_131] : memref<16x88x128xi32, #tpu.memory_space<hbm>> -> memref<1x88x128xi32, #tpu.memory_space<hbm>>
      %dma_start3A_133 = tpu.memref_squeeze %dma_start3A_132 : memref<1x88x128xi32, #tpu.memory_space<hbm>> -> memref<88x128xi32, #tpu.memory_space<hbm>>
      %dma_start3A_134 = arith.constant 0 : i32
      %dma_start3A_135 = arith.constant 0 : i32
      %dma_start3A_136 = tpu.memref_slice %dma_start3A_133[%dma_start3A_134, %dma_start3A_135] : memref<88x128xi32, #tpu.memory_space<hbm>> -> memref<48x128xi32, #tpu.memory_space<hbm>>
      %dma_start3A_137 = arith.constant 0 : i32
      %dma_start3A_138 = arith.constant 0 : i32
      %dma_start3A_139 = tpu.memref_slice %arg3[%arg1, %dma_start3A_137, %dma_start3A_138] : memref<16x88x128xi32, #tpu.memory_space<hbm>> -> memref<1x88x128xi32, #tpu.memory_space<hbm>>
      %dma_start3A_140 = tpu.memref_squeeze %dma_start3A_139 : memref<1x88x128xi32, #tpu.memory_space<hbm>> -> memref<88x128xi32, #tpu.memory_space<hbm>>
      %dma_start3A_141 = arith.constant 0 : i32
      %dma_start3A_142 = arith.constant 0 : i32
      %dma_start3A_143 = tpu.memref_slice %dma_start3A_140[%dma_start3A_141, %dma_start3A_142] : memref<88x128xi32, #tpu.memory_space<hbm>> -> memref<48x128xi32, #tpu.memory_space<hbm>>
      tpu.enqueue_dma source(%dma_start3A_143 : memref<48x128xi32, #tpu.memory_space<hbm>>) target(%arg7 : memref<48x128xi32, #tpu.memory_space<vmem>>) target_semaphore(%run_scoped3A : memref<!tpu.dma_semaphore, #tpu.memory_space<semaphore_mem>>)
      %dma_wait3A_144 = arith.constant 0 : i32
      %dma_wait3A_145 = arith.constant 0 : i32
      %dma_wait3A_146 = tpu.memref_slice %arg3[%arg1, %dma_wait3A_144, %dma_wait3A_145] : memref<16x88x128xi32, #tpu.memory_space<hbm>> -> memref<1x88x128xi32, #tpu.memory_space<hbm>>
      %dma_wait3A_147 = tpu.memref_squeeze %dma_wait3A_146 : memref<1x88x128xi32, #tpu.memory_space<hbm>> -> memref<88x128xi32, #tpu.memory_space<hbm>>
      %dma_wait3A_148 = arith.constant 0 : i32
      %dma_wait3A_149 = arith.constant 0 : i32
      %dma_wait3A_150 = tpu.memref_slice %dma_wait3A_147[%dma_wait3A_148, %dma_wait3A_149] : memref<88x128xi32, #tpu.memory_space<hbm>> -> memref<48x128xi32, #tpu.memory_space<hbm>>
      %dma_wait3A_151 = arith.constant 0 : i32
      %dma_wait3A_152 = arith.constant 0 : i32
      %dma_wait3A_153 = tpu.memref_slice %arg3[%arg1, %dma_wait3A_151, %dma_wait3A_152] : memref<16x88x128xi32, #tpu.memory_space<hbm>> -> memref<1x88x128xi32, #tpu.memory_space<hbm>>
      %dma_wait3A_154 = tpu.memref_squeeze %dma_wait3A_153 : memref<1x88x128xi32, #tpu.memory_space<hbm>> -> memref<88x128xi32, #tpu.memory_space<hbm>>
      %dma_wait3A_155 = arith.constant 0 : i32
      %dma_wait3A_156 = arith.constant 0 : i32
      %dma_wait3A_157 = tpu.memref_slice %dma_wait3A_154[%dma_wait3A_155, %dma_wait3A_156] : memref<88x128xi32, #tpu.memory_space<hbm>> -> memref<48x128xi32, #tpu.memory_space<hbm>>
      tpu.wait_dma2 semaphore(%run_scoped3A : memref<!tpu.dma_semaphore, #tpu.memory_space<semaphore_mem>>) src(%dma_wait3A_157 : memref<48x128xi32, #tpu.memory_space<hbm>>) dst(%arg7 : memref<48x128xi32, #tpu.memory_space<vmem>>)
      tpu.yield
    }) : () -> ()
    "tpu.region"() ({
      %run_scoped3A = tpu.sem_alloc : memref<!tpu.dma_semaphore, #tpu.memory_space<semaphore_mem>>
      %dma_start3A_130 = arith.constant 0 : i32
      %dma_start3A_131 = arith.constant 0 : i32
      %dma_start3A_132 = tpu.memref_slice %arg4[%arg1, %dma_start3A_130, %dma_start3A_131] : memref<16x80x128xi32, #tpu.memory_space<hbm>> -> memref<1x80x128xi32, #tpu.memory_space<hbm>>
      %dma_start3A_133 = tpu.memref_squeeze %dma_start3A_132 : memref<1x80x128xi32, #tpu.memory_space<hbm>> -> memref<80x128xi32, #tpu.memory_space<hbm>>
      %dma_start3A_134 = arith.constant 0 : i32
      %dma_start3A_135 = arith.constant 0 : i32
      %dma_start3A_136 = tpu.memref_slice %dma_start3A_133[%dma_start3A_134, %dma_start3A_135] : memref<80x128xi32, #tpu.memory_space<hbm>> -> memref<40x128xi32, #tpu.memory_space<hbm>>
      %dma_start3A_137 = arith.constant 0 : i32
      %dma_start3A_138 = arith.constant 0 : i32
      %dma_start3A_139 = tpu.memref_slice %arg4[%arg1, %dma_start3A_137, %dma_start3A_138] : memref<16x80x128xi32, #tpu.memory_space<hbm>> -> memref<1x80x128xi32, #tpu.memory_space<hbm>>
      %dma_start3A_140 = tpu.memref_squeeze %dma_start3A_139 : memref<1x80x128xi32, #tpu.memory_space<hbm>> -> memref<80x128xi32, #tpu.memory_space<hbm>>
      %dma_start3A_141 = arith.constant 0 : i32
      %dma_start3A_142 = arith.constant 0 : i32
      %dma_start3A_143 = tpu.memref_slice %dma_start3A_140[%dma_start3A_141, %dma_start3A_142] : memref<80x128xi32, #tpu.memory_space<hbm>> -> memref<40x128xi32, #tpu.memory_space<hbm>>
      tpu.enqueue_dma source(%dma_start3A_143 : memref<40x128xi32, #tpu.memory_space<hbm>>) target(%arg8 : memref<40x128xi32, #tpu.memory_space<vmem>>) target_semaphore(%run_scoped3A : memref<!tpu.dma_semaphore, #tpu.memory_space<semaphore_mem>>)
      %dma_wait3A_144 = arith.constant 0 : i32
      %dma_wait3A_145 = arith.constant 0 : i32
      %dma_wait3A_146 = tpu.memref_slice %arg4[%arg1, %dma_wait3A_144, %dma_wait3A_145] : memref<16x80x128xi32, #tpu.memory_space<hbm>> -> memref<1x80x128xi32, #tpu.memory_space<hbm>>
      %dma_wait3A_147 = tpu.memref_squeeze %dma_wait3A_146 : memref<1x80x128xi32, #tpu.memory_space<hbm>> -> memref<80x128xi32, #tpu.memory_space<hbm>>
      %dma_wait3A_148 = arith.constant 0 : i32
      %dma_wait3A_149 = arith.constant 0 : i32
      %dma_wait3A_150 = tpu.memref_slice %dma_wait3A_147[%dma_wait3A_148, %dma_wait3A_149] : memref<80x128xi32, #tpu.memory_space<hbm>> -> memref<40x128xi32, #tpu.memory_space<hbm>>
      %dma_wait3A_151 = arith.constant 0 : i32
      %dma_wait3A_152 = arith.constant 0 : i32
      %dma_wait3A_153 = tpu.memref_slice %arg4[%arg1, %dma_wait3A_151, %dma_wait3A_152] : memref<16x80x128xi32, #tpu.memory_space<hbm>> -> memref<1x80x128xi32, #tpu.memory_space<hbm>>
      %dma_wait3A_154 = tpu.memref_squeeze %dma_wait3A_153 : memref<1x80x128xi32, #tpu.memory_space<hbm>> -> memref<80x128xi32, #tpu.memory_space<hbm>>
      %dma_wait3A_155 = arith.constant 0 : i32
      %dma_wait3A_156 = arith.constant 0 : i32
      %dma_wait3A_157 = tpu.memref_slice %dma_wait3A_154[%dma_wait3A_155, %dma_wait3A_156] : memref<80x128xi32, #tpu.memory_space<hbm>> -> memref<40x128xi32, #tpu.memory_space<hbm>>
      tpu.wait_dma2 semaphore(%run_scoped3A : memref<!tpu.dma_semaphore, #tpu.memory_space<semaphore_mem>>) src(%dma_wait3A_157 : memref<40x128xi32, #tpu.memory_space<hbm>>) dst(%arg8 : memref<40x128xi32, #tpu.memory_space<vmem>>)
      tpu.yield
    }) : () -> ()
    %dma_start3A_69 = arith.constant 0 : i32
    %dma_start3A_70 = arith.constant 0 : i32
    %dma_start3A_71 = tpu.memref_slice %arg7[%dma_start3A_69, %dma_start3A_70] : memref<48x128xi32, #tpu.memory_space<vmem>> -> memref<1x128xi32, #tpu.memory_space<vmem>>
    %dma_start3A_72 = tpu.memref_squeeze %dma_start3A_71 : memref<1x128xi32, #tpu.memory_space<vmem>> -> memref<128xi32, #tpu.memory_space<vmem>>
    %dma_start3A_73 = arith.constant 0 : i32
    %dma_start3A_74 = arith.constant 0 : i32
    %dma_start3A_75 = tpu.memref_slice %arg2[%add3A_65, %dma_start3A_73, %dma_start3A_74] : memref<4x10000x128xf32, #tpu.memory_space<hbm>> -> memref<1x10000x128xf32, #tpu.memory_space<hbm>>
    %dma_start3A_76 = tpu.memref_squeeze %dma_start3A_75 : memref<1x10000x128xf32, #tpu.memory_space<hbm>> -> memref<10000x128xf32, #tpu.memory_space<hbm>>
    %dma_start3A_77 = arith.constant 0 : i32
    %dma_start3A_78 = arith.constant 0 : i32
    %dma_start3A_79 = tpu.memref_slice %dma_start3A_76[%dma_start3A_77, %dma_start3A_78] : memref<10000x128xf32, #tpu.memory_space<hbm>> -> memref<10000x128xf32, #tpu.memory_space<hbm>>
    tpu.enqueue_indirect_dma source(%dma_start3A_79 : memref<10000x128xf32, #tpu.memory_space<hbm>>) target(%arg9 : memref<128x128xf32, #tpu.memory_space<vmem>>) offsets(%dma_start3A_72 : memref<128xi32, #tpu.memory_space<vmem>>) semaphore(%arg12 : memref<!tpu.dma_semaphore, #tpu.memory_space<semaphore_mem>>)
    %scan3A_80 = arith.constant 0 : i32
    %scan3A_81 = arith.constant 0 : i32
    %scan3A_82 = arith.constant 20 : i32
    %scan3A_83 = arith.addi %scan3A_81, %scan3A_82 : i32
    %scan3A_84 = arith.constant 1 : i32
    scf.for %scan3A_130 = %scan3A_81 to %scan3A_83 step %scan3A_84  : i32 {
      %mul3A_131 = arith.constant 2 : i32
      %mul3A_132 = arith.muli %mul3A_131, %scan3A_130 : i32
      %add3A_133 = arith.constant 1 : i32
      %add3A_134 = arith.addi %mul3A_132, %add3A_133 : i32
      %dma_start3A_135 = arith.constant 0 : i32
      %dma_start3A_136 = tpu.memref_slice %arg7[%add3A_134, %dma_start3A_135] : memref<48x128xi32, #tpu.memory_space<vmem>> -> memref<1x128xi32, #tpu.memory_space<vmem>>
      %dma_start3A_137 = tpu.memref_squeeze %dma_start3A_136 : memref<1x128xi32, #tpu.memory_space<vmem>> -> memref<128xi32, #tpu.memory_space<vmem>>
      %dma_start3A_138 = arith.constant 0 : i32
      %dma_start3A_139 = arith.constant 0 : i32
      %dma_start3A_140 = tpu.memref_slice %arg2[%add3A_65, %dma_start3A_138, %dma_start3A_139] : memref<4x10000x128xf32, #tpu.memory_space<hbm>> -> memref<1x10000x128xf32, #tpu.memory_space<hbm>>
      %dma_start3A_141 = tpu.memref_squeeze %dma_start3A_140 : memref<1x10000x128xf32, #tpu.memory_space<hbm>> -> memref<10000x128xf32, #tpu.memory_space<hbm>>
      %dma_start3A_142 = arith.constant 0 : i32
      %dma_start3A_143 = arith.constant 0 : i32
      %dma_start3A_144 = tpu.memref_slice %dma_start3A_141[%dma_start3A_142, %dma_start3A_143] : memref<10000x128xf32, #tpu.memory_space<hbm>> -> memref<10000x128xf32, #tpu.memory_space<hbm>>
      tpu.enqueue_indirect_dma source(%dma_start3A_144 : memref<10000x128xf32, #tpu.memory_space<hbm>>) target(%arg10 : memref<128x128xf32, #tpu.memory_space<vmem>>) offsets(%dma_start3A_137 : memref<128xi32, #tpu.memory_space<vmem>>) semaphore(%arg13 : memref<!tpu.dma_semaphore, #tpu.memory_space<semaphore_mem>>)
      %dma_wait3A_145 = arith.constant 0 : i32
      %dma_wait3A_146 = tpu.memref_slice %arg7[%mul3A_132, %dma_wait3A_145] : memref<48x128xi32, #tpu.memory_space<vmem>> -> memref<1x128xi32, #tpu.memory_space<vmem>>
      %dma_wait3A_147 = tpu.memref_squeeze %dma_wait3A_146 : memref<1x128xi32, #tpu.memory_space<vmem>> -> memref<128xi32, #tpu.memory_space<vmem>>
      %dma_wait3A_148 = arith.constant 0 : i32
      %dma_wait3A_149 = arith.constant 0 : i32
      %dma_wait3A_150 = tpu.memref_slice %arg2[%add3A_65, %dma_wait3A_148, %dma_wait3A_149] : memref<4x10000x128xf32, #tpu.memory_space<hbm>> -> memref<1x10000x128xf32, #tpu.memory_space<hbm>>
      %dma_wait3A_151 = tpu.memref_squeeze %dma_wait3A_150 : memref<1x10000x128xf32, #tpu.memory_space<hbm>> -> memref<10000x128xf32, #tpu.memory_space<hbm>>
      %dma_wait3A_152 = arith.constant 0 : i32
      %dma_wait3A_153 = arith.constant 0 : i32
      %dma_wait3A_154 = tpu.memref_slice %dma_wait3A_151[%dma_wait3A_152, %dma_wait3A_153] : memref<10000x128xf32, #tpu.memory_space<hbm>> -> memref<10000x128xf32, #tpu.memory_space<hbm>>
      tpu.wait_indirect_dma semaphore(%arg12 : memref<!tpu.dma_semaphore, #tpu.memory_space<semaphore_mem>>) src(%dma_wait3A_154 : memref<10000x128xf32, #tpu.memory_space<hbm>>) dst(%arg9 : memref<128x128xf32, #tpu.memory_space<vmem>>)
      "tpu.region"() ({
        %run_scoped3A = tpu.sem_alloc : memref<!tpu.dma_semaphore, #tpu.memory_space<semaphore_mem>>
        %dma_start3A_181 = arith.constant 0 : i32
        %dma_start3A_182 = tpu.memref_slice %arg8[%mul3A_132, %dma_start3A_181] : memref<40x128xi32, #tpu.memory_space<vmem>> -> memref<1x128xi32, #tpu.memory_space<vmem>>
        %dma_start3A_183 = tpu.memref_squeeze %dma_start3A_182 : memref<1x128xi32, #tpu.memory_space<vmem>> -> memref<128xi32, #tpu.memory_space<vmem>>
        %dma_start3A_184 = arith.constant 0 : i32
        %dma_start3A_185 = arith.constant 0 : i32
        %dma_start3A_186 = tpu.memref_slice %arg11[%dma_start3A_184, %dma_start3A_185] : memref<10112x128xf32, #tpu.memory_space<vmem_shared>> -> memref<10112x128xf32, #tpu.memory_space<vmem_shared>>
        tpu.enqueue_indirect_dma source(%arg9 : memref<128x128xf32, #tpu.memory_space<vmem>>) target(%dma_start3A_186 : memref<10112x128xf32, #tpu.memory_space<vmem_shared>>) offsets(%dma_start3A_183 : memref<128xi32, #tpu.memory_space<vmem>>) semaphore(%run_scoped3A : memref<!tpu.dma_semaphore, #tpu.memory_space<semaphore_mem>>) {add = true}
        %dma_wait3A_187 = arith.constant 0 : i32
        %dma_wait3A_188 = tpu.memref_slice %arg8[%mul3A_132, %dma_wait3A_187] : memref<40x128xi32, #tpu.memory_space<vmem>> -> memref<1x128xi32, #tpu.memory_space<vmem>>
        %dma_wait3A_189 = tpu.memref_squeeze %dma_wait3A_188 : memref<1x128xi32, #tpu.memory_space<vmem>> -> memref<128xi32, #tpu.memory_space<vmem>>
        %dma_wait3A_190 = arith.constant 0 : i32
        %dma_wait3A_191 = arith.constant 0 : i32
        %dma_wait3A_192 = tpu.memref_slice %arg11[%dma_wait3A_190, %dma_wait3A_191] : memref<10112x128xf32, #tpu.memory_space<vmem_shared>> -> memref<10112x128xf32, #tpu.memory_space<vmem_shared>>
        tpu.wait_indirect_dma semaphore(%run_scoped3A : memref<!tpu.dma_semaphore, #tpu.memory_space<semaphore_mem>>) src(%arg9 : memref<128x128xf32, #tpu.memory_space<vmem>>) dst(%dma_wait3A_192 : memref<10112x128xf32, #tpu.memory_space<vmem_shared>>)
        tpu.yield
      }) : () -> ()
      %add3A_155 = arith.constant 2 : i32
      %add3A_156 = arith.addi %mul3A_132, %add3A_155 : i32
      %dma_start3A_157 = arith.constant 0 : i32
      %dma_start3A_158 = tpu.memref_slice %arg7[%add3A_156, %dma_start3A_157] : memref<48x128xi32, #tpu.memory_space<vmem>> -> memref<1x128xi32, #tpu.memory_space<vmem>>
      %dma_start3A_159 = tpu.memref_squeeze %dma_start3A_158 : memref<1x128xi32, #tpu.memory_space<vmem>> -> memref<128xi32, #tpu.memory_space<vmem>>
      %dma_start3A_160 = arith.constant 0 : i32
      %dma_start3A_161 = arith.constant 0 : i32
      %dma_start3A_162 = tpu.memref_slice %arg2[%add3A_65, %dma_start3A_160, %dma_start3A_161] : memref<4x10000x128xf32, #tpu.memory_space<hbm>> -> memref<1x10000x128xf32, #tpu.memory_space<hbm>>
      %dma_start3A_163 = tpu.memref_squeeze %dma_start3A_162 : memref<1x10000x128xf32, #tpu.memory_space<hbm>> -> memref<10000x128xf32, #tpu.memory_space<hbm>>
      %dma_start3A_164 = arith.constant 0 : i32
      %dma_start3A_165 = arith.constant 0 : i32
      %dma_start3A_166 = tpu.memref_slice %dma_start3A_163[%dma_start3A_164, %dma_start3A_165] : memref<10000x128xf32, #tpu.memory_space<hbm>> -> memref<10000x128xf32, #tpu.memory_space<hbm>>
      tpu.enqueue_indirect_dma source(%dma_start3A_166 : memref<10000x128xf32, #tpu.memory_space<hbm>>) target(%arg9 : memref<128x128xf32, #tpu.memory_space<vmem>>) offsets(%dma_start3A_159 : memref<128xi32, #tpu.memory_space<vmem>>) semaphore(%arg12 : memref<!tpu.dma_semaphore, #tpu.memory_space<semaphore_mem>>)
      %add3A_167 = arith.constant 1 : i32
      %add3A_168 = arith.addi %mul3A_132, %add3A_167 : i32
      %dma_wait3A_169 = arith.constant 0 : i32
      %dma_wait3A_170 = tpu.memref_slice %arg7[%add3A_168, %dma_wait3A_169] : memref<48x128xi32, #tpu.memory_space<vmem>> -> memref<1x128xi32, #tpu.memory_space<vmem>>
      %dma_wait3A_171 = tpu.memref_squeeze %dma_wait3A_170 : memref<1x128xi32, #tpu.memory_space<vmem>> -> memref<128xi32, #tpu.memory_space<vmem>>
      %dma_wait3A_172 = arith.constant 0 : i32
      %dma_wait3A_173 = arith.constant 0 : i32
      %dma_wait3A_174 = tpu.memref_slice %arg2[%add3A_65, %dma_wait3A_172, %dma_wait3A_173] : memref<4x10000x128xf32, #tpu.memory_space<hbm>> -> memref<1x10000x128xf32, #tpu.memory_space<hbm>>
      %dma_wait3A_175 = tpu.memref_squeeze %dma_wait3A_174 : memref<1x10000x128xf32, #tpu.memory_space<hbm>> -> memref<10000x128xf32, #tpu.memory_space<hbm>>
      %dma_wait3A_176 = arith.constant 0 : i32
      %dma_wait3A_177 = arith.constant 0 : i32
      %dma_wait3A_178 = tpu.memref_slice %dma_wait3A_175[%dma_wait3A_176, %dma_wait3A_177] : memref<10000x128xf32, #tpu.memory_space<hbm>> -> memref<10000x128xf32, #tpu.memory_space<hbm>>
      tpu.wait_indirect_dma semaphore(%arg13 : memref<!tpu.dma_semaphore, #tpu.memory_space<semaphore_mem>>) src(%dma_wait3A_178 : memref<10000x128xf32, #tpu.memory_space<hbm>>) dst(%arg10 : memref<128x128xf32, #tpu.memory_space<vmem>>)
      %add3A_179 = arith.constant 1 : i32
      %add3A_180 = arith.addi %mul3A_132, %add3A_179 : i32
      "tpu.region"() ({
        %run_scoped3A = tpu.sem_alloc : memref<!tpu.dma_semaphore, #tpu.memory_space<semaphore_mem>>
        %dma_start3A_181 = arith.constant 0 : i32
        %dma_start3A_182 = tpu.memref_slice %arg8[%add3A_180, %dma_start3A_181] : memref<40x128xi32, #tpu.memory_space<vmem>> -> memref<1x128xi32, #tpu.memory_space<vmem>>
        %dma_start3A_183 = tpu.memref_squeeze %dma_start3A_182 : memref<1x128xi32, #tpu.memory_space<vmem>> -> memref<128xi32, #tpu.memory_space<vmem>>
        %dma_start3A_184 = arith.constant 0 : i32
        %dma_start3A_185 = arith.constant 0 : i32
        %dma_start3A_186 = tpu.memref_slice %arg11[%dma_start3A_184, %dma_start3A_185] : memref<10112x128xf32, #tpu.memory_space<vmem_shared>> -> memref<10112x128xf32, #tpu.memory_space<vmem_shared>>
        tpu.enqueue_indirect_dma source(%arg10 : memref<128x128xf32, #tpu.memory_space<vmem>>) target(%dma_start3A_186 : memref<10112x128xf32, #tpu.memory_space<vmem_shared>>) offsets(%dma_start3A_183 : memref<128xi32, #tpu.memory_space<vmem>>) semaphore(%run_scoped3A : memref<!tpu.dma_semaphore, #tpu.memory_space<semaphore_mem>>) {add = true}
        %dma_wait3A_187 = arith.constant 0 : i32
        %dma_wait3A_188 = tpu.memref_slice %arg8[%add3A_180, %dma_wait3A_187] : memref<40x128xi32, #tpu.memory_space<vmem>> -> memref<1x128xi32, #tpu.memory_space<vmem>>
        %dma_wait3A_189 = tpu.memref_squeeze %dma_wait3A_188 : memref<1x128xi32, #tpu.memory_space<vmem>> -> memref<128xi32, #tpu.memory_space<vmem>>
        %dma_wait3A_190 = arith.constant 0 : i32
        %dma_wait3A_191 = arith.constant 0 : i32
        %dma_wait3A_192 = tpu.memref_slice %arg11[%dma_wait3A_190, %dma_wait3A_191] : memref<10112x128xf32, #tpu.memory_space<vmem_shared>> -> memref<10112x128xf32, #tpu.memory_space<vmem_shared>>
        tpu.wait_indirect_dma semaphore(%run_scoped3A : memref<!tpu.dma_semaphore, #tpu.memory_space<semaphore_mem>>) src(%arg10 : memref<128x128xf32, #tpu.memory_space<vmem>>) dst(%dma_wait3A_192 : memref<10112x128xf32, #tpu.memory_space<vmem_shared>>)
        tpu.yield
      }) : () -> ()
    }
    %scan3A_85 = arith.constant 20 : i32
    %dma_wait3A_86 = arith.constant 40 : i32
    %dma_wait3A_87 = arith.constant 0 : i32
    %dma_wait3A_88 = tpu.memref_slice %arg7[%dma_wait3A_86, %dma_wait3A_87] : memref<48x128xi32, #tpu.memory_space<vmem>> -> memref<1x128xi32, #tpu.memory_space<vmem>>
    %dma_wait3A_89 = tpu.memref_squeeze %dma_wait3A_88 : memref<1x128xi32, #tpu.memory_space<vmem>> -> memref<128xi32, #tpu.memory_space<vmem>>
    %dma_wait3A_90 = arith.constant 0 : i32
    %dma_wait3A_91 = arith.constant 0 : i32
    %dma_wait3A_92 = tpu.memref_slice %arg2[%add3A_65, %dma_wait3A_90, %dma_wait3A_91] : memref<4x10000x128xf32, #tpu.memory_space<hbm>> -> memref<1x10000x128xf32, #tpu.memory_space<hbm>>
    %dma_wait3A_93 = tpu.memref_squeeze %dma_wait3A_92 : memref<1x10000x128xf32, #tpu.memory_space<hbm>> -> memref<10000x128xf32, #tpu.memory_space<hbm>>
    %dma_wait3A_94 = arith.constant 0 : i32
    %dma_wait3A_95 = arith.constant 0 : i32
    %dma_wait3A_96 = tpu.memref_slice %dma_wait3A_93[%dma_wait3A_94, %dma_wait3A_95] : memref<10000x128xf32, #tpu.memory_space<hbm>> -> memref<10000x128xf32, #tpu.memory_space<hbm>>
    tpu.wait_indirect_dma semaphore(%arg12 : memref<!tpu.dma_semaphore, #tpu.memory_space<semaphore_mem>>) src(%dma_wait3A_96 : memref<10000x128xf32, #tpu.memory_space<hbm>>) dst(%arg9 : memref<128x128xf32, #tpu.memory_space<vmem>>)
    "tpu.region"() ({
      %run_scoped3A = tpu.sem_alloc : memref<!tpu.dma_semaphore, #tpu.memory_space<semaphore_mem>>
      %dma_start3A_130 = arith.constant 0 : i32
      %dma_start3A_131 = arith.constant 0 : i32
      %dma_start3A_132 = tpu.memref_slice %arg3[%arg1, %dma_start3A_130, %dma_start3A_131] : memref<16x88x128xi32, #tpu.memory_space<hbm>> -> memref<1x88x128xi32, #tpu.memory_space<hbm>>
      %dma_start3A_133 = tpu.memref_squeeze %dma_start3A_132 : memref<1x88x128xi32, #tpu.memory_space<hbm>> -> memref<88x128xi32, #tpu.memory_space<hbm>>
      %dma_start3A_134 = arith.constant 40 : i32
      %dma_start3A_135 = arith.constant 0 : i32
      %dma_start3A_136 = tpu.memref_slice %dma_start3A_133[%dma_start3A_134, %dma_start3A_135] : memref<88x128xi32, #tpu.memory_space<hbm>> -> memref<48x128xi32, #tpu.memory_space<hbm>>
      %dma_start3A_137 = arith.constant 0 : i32
      %dma_start3A_138 = arith.constant 0 : i32
      %dma_start3A_139 = tpu.memref_slice %arg3[%arg1, %dma_start3A_137, %dma_start3A_138] : memref<16x88x128xi32, #tpu.memory_space<hbm>> -> memref<1x88x128xi32, #tpu.memory_space<hbm>>
      %dma_start3A_140 = tpu.memref_squeeze %dma_start3A_139 : memref<1x88x128xi32, #tpu.memory_space<hbm>> -> memref<88x128xi32, #tpu.memory_space<hbm>>
      %dma_start3A_141 = arith.constant 40 : i32
      %dma_start3A_142 = arith.constant 0 : i32
      %dma_start3A_143 = tpu.memref_slice %dma_start3A_140[%dma_start3A_141, %dma_start3A_142] : memref<88x128xi32, #tpu.memory_space<hbm>> -> memref<48x128xi32, #tpu.memory_space<hbm>>
      tpu.enqueue_dma source(%dma_start3A_143 : memref<48x128xi32, #tpu.memory_space<hbm>>) target(%arg7 : memref<48x128xi32, #tpu.memory_space<vmem>>) target_semaphore(%run_scoped3A : memref<!tpu.dma_semaphore, #tpu.memory_space<semaphore_mem>>)
      %dma_wait3A_144 = arith.constant 0 : i32
      %dma_wait3A_145 = arith.constant 0 : i32
      %dma_wait3A_146 = tpu.memref_slice %arg3[%arg1, %dma_wait3A_144, %dma_wait3A_145] : memref<16x88x128xi32, #tpu.memory_space<hbm>> -> memref<1x88x128xi32, #tpu.memory_space<hbm>>
      %dma_wait3A_147 = tpu.memref_squeeze %dma_wait3A_146 : memref<1x88x128xi32, #tpu.memory_space<hbm>> -> memref<88x128xi32, #tpu.memory_space<hbm>>
      %dma_wait3A_148 = arith.constant 40 : i32
      %dma_wait3A_149 = arith.constant 0 : i32
      %dma_wait3A_150 = tpu.memref_slice %dma_wait3A_147[%dma_wait3A_148, %dma_wait3A_149] : memref<88x128xi32, #tpu.memory_space<hbm>> -> memref<48x128xi32, #tpu.memory_space<hbm>>
      %dma_wait3A_151 = arith.constant 0 : i32
      %dma_wait3A_152 = arith.constant 0 : i32
      %dma_wait3A_153 = tpu.memref_slice %arg3[%arg1, %dma_wait3A_151, %dma_wait3A_152] : memref<16x88x128xi32, #tpu.memory_space<hbm>> -> memref<1x88x128xi32, #tpu.memory_space<hbm>>
      %dma_wait3A_154 = tpu.memref_squeeze %dma_wait3A_153 : memref<1x88x128xi32, #tpu.memory_space<hbm>> -> memref<88x128xi32, #tpu.memory_space<hbm>>
      %dma_wait3A_155 = arith.constant 40 : i32
      %dma_wait3A_156 = arith.constant 0 : i32
      %dma_wait3A_157 = tpu.memref_slice %dma_wait3A_154[%dma_wait3A_155, %dma_wait3A_156] : memref<88x128xi32, #tpu.memory_space<hbm>> -> memref<48x128xi32, #tpu.memory_space<hbm>>
      tpu.wait_dma2 semaphore(%run_scoped3A : memref<!tpu.dma_semaphore, #tpu.memory_space<semaphore_mem>>) src(%dma_wait3A_157 : memref<48x128xi32, #tpu.memory_space<hbm>>) dst(%arg7 : memref<48x128xi32, #tpu.memory_space<vmem>>)
      tpu.yield
    }) : () -> ()
    "tpu.region"() ({
      %run_scoped3A = tpu.sem_alloc : memref<!tpu.dma_semaphore, #tpu.memory_space<semaphore_mem>>
      %dma_start3A_130 = arith.constant 0 : i32
      %dma_start3A_131 = arith.constant 0 : i32
      %dma_start3A_132 = tpu.memref_slice %arg4[%arg1, %dma_start3A_130, %dma_start3A_131] : memref<16x80x128xi32, #tpu.memory_space<hbm>> -> memref<1x80x128xi32, #tpu.memory_space<hbm>>
      %dma_start3A_133 = tpu.memref_squeeze %dma_start3A_132 : memref<1x80x128xi32, #tpu.memory_space<hbm>> -> memref<80x128xi32, #tpu.memory_space<hbm>>
      %dma_start3A_134 = arith.constant 40 : i32
      %dma_start3A_135 = arith.constant 0 : i32
      %dma_start3A_136 = tpu.memref_slice %dma_start3A_133[%dma_start3A_134, %dma_start3A_135] : memref<80x128xi32, #tpu.memory_space<hbm>> -> memref<40x128xi32, #tpu.memory_space<hbm>>
      %dma_start3A_137 = arith.constant 0 : i32
      %dma_start3A_138 = arith.constant 0 : i32
      %dma_start3A_139 = tpu.memref_slice %arg4[%arg1, %dma_start3A_137, %dma_start3A_138] : memref<16x80x128xi32, #tpu.memory_space<hbm>> -> memref<1x80x128xi32, #tpu.memory_space<hbm>>
      %dma_start3A_140 = tpu.memref_squeeze %dma_start3A_139 : memref<1x80x128xi32, #tpu.memory_space<hbm>> -> memref<80x128xi32, #tpu.memory_space<hbm>>
      %dma_start3A_141 = arith.constant 40 : i32
      %dma_start3A_142 = arith.constant 0 : i32
      %dma_start3A_143 = tpu.memref_slice %dma_start3A_140[%dma_start3A_141, %dma_start3A_142] : memref<80x128xi32, #tpu.memory_space<hbm>> -> memref<40x128xi32, #tpu.memory_space<hbm>>
      tpu.enqueue_dma source(%dma_start3A_143 : memref<40x128xi32, #tpu.memory_space<hbm>>) target(%arg8 : memref<40x128xi32, #tpu.memory_space<vmem>>) target_semaphore(%run_scoped3A : memref<!tpu.dma_semaphore, #tpu.memory_space<semaphore_mem>>)
      %dma_wait3A_144 = arith.constant 0 : i32
      %dma_wait3A_145 = arith.constant 0 : i32
      %dma_wait3A_146 = tpu.memref_slice %arg4[%arg1, %dma_wait3A_144, %dma_wait3A_145] : memref<16x80x128xi32, #tpu.memory_space<hbm>> -> memref<1x80x128xi32, #tpu.memory_space<hbm>>
      %dma_wait3A_147 = tpu.memref_squeeze %dma_wait3A_146 : memref<1x80x128xi32, #tpu.memory_space<hbm>> -> memref<80x128xi32, #tpu.memory_space<hbm>>
      %dma_wait3A_148 = arith.constant 40 : i32
      %dma_wait3A_149 = arith.constant 0 : i32
      %dma_wait3A_150 = tpu.memref_slice %dma_wait3A_147[%dma_wait3A_148, %dma_wait3A_149] : memref<80x128xi32, #tpu.memory_space<hbm>> -> memref<40x128xi32, #tpu.memory_space<hbm>>
      %dma_wait3A_151 = arith.constant 0 : i32
      %dma_wait3A_152 = arith.constant 0 : i32
      %dma_wait3A_153 = tpu.memref_slice %arg4[%arg1, %dma_wait3A_151, %dma_wait3A_152] : memref<16x80x128xi32, #tpu.memory_space<hbm>> -> memref<1x80x128xi32, #tpu.memory_space<hbm>>
      %dma_wait3A_154 = tpu.memref_squeeze %dma_wait3A_153 : memref<1x80x128xi32, #tpu.memory_space<hbm>> -> memref<80x128xi32, #tpu.memory_space<hbm>>
      %dma_wait3A_155 = arith.constant 40 : i32
      %dma_wait3A_156 = arith.constant 0 : i32
      %dma_wait3A_157 = tpu.memref_slice %dma_wait3A_154[%dma_wait3A_155, %dma_wait3A_156] : memref<80x128xi32, #tpu.memory_space<hbm>> -> memref<40x128xi32, #tpu.memory_space<hbm>>
      tpu.wait_dma2 semaphore(%run_scoped3A : memref<!tpu.dma_semaphore, #tpu.memory_space<semaphore_mem>>) src(%dma_wait3A_157 : memref<40x128xi32, #tpu.memory_space<hbm>>) dst(%arg8 : memref<40x128xi32, #tpu.memory_space<vmem>>)
      tpu.yield
    }) : () -> ()
    %dma_start3A_97 = arith.constant 0 : i32
    %dma_start3A_98 = arith.constant 0 : i32
    %dma_start3A_99 = tpu.memref_slice %arg7[%dma_start3A_97, %dma_start3A_98] : memref<48x128xi32, #tpu.memory_space<vmem>> -> memref<1x128xi32, #tpu.memory_space<vmem>>
    %dma_start3A_100 = tpu.memref_squeeze %dma_start3A_99 : memref<1x128xi32, #tpu.memory_space<vmem>> -> memref<128xi32, #tpu.memory_space<vmem>>
    %dma_start3A_101 = arith.constant 0 : i32
    %dma_start3A_102 = arith.constant 0 : i32
    %dma_start3A_103 = tpu.memref_slice %arg2[%add3A_65, %dma_start3A_101, %dma_start3A_102] : memref<4x10000x128xf32, #tpu.memory_space<hbm>> -> memref<1x10000x128xf32, #tpu.memory_space<hbm>>
    %dma_start3A_104 = tpu.memref_squeeze %dma_start3A_103 : memref<1x10000x128xf32, #tpu.memory_space<hbm>> -> memref<10000x128xf32, #tpu.memory_space<hbm>>
    %dma_start3A_105 = arith.constant 0 : i32
    %dma_start3A_106 = arith.constant 0 : i32
    %dma_start3A_107 = tpu.memref_slice %dma_start3A_104[%dma_start3A_105, %dma_start3A_106] : memref<10000x128xf32, #tpu.memory_space<hbm>> -> memref<10000x128xf32, #tpu.memory_space<hbm>>
    tpu.enqueue_indirect_dma source(%dma_start3A_107 : memref<10000x128xf32, #tpu.memory_space<hbm>>) target(%arg9 : memref<128x128xf32, #tpu.memory_space<vmem>>) offsets(%dma_start3A_100 : memref<128xi32, #tpu.memory_space<vmem>>) semaphore(%arg12 : memref<!tpu.dma_semaphore, #tpu.memory_space<semaphore_mem>>)
    %scan3A_108 = arith.constant 0 : i32
    %scan3A_109 = arith.constant 0 : i32
    %scan3A_110 = arith.constant 20 : i32
    %scan3A_111 = arith.addi %scan3A_109, %scan3A_110 : i32
    %scan3A_112 = arith.constant 1 : i32
    scf.for %scan3A_130 = %scan3A_109 to %scan3A_111 step %scan3A_112  : i32 {
      %mul3A_131 = arith.constant 2 : i32
      %mul3A_132 = arith.muli %mul3A_131, %scan3A_130 : i32
      %add3A_133 = arith.constant 1 : i32
      %add3A_134 = arith.addi %mul3A_132, %add3A_133 : i32
      %dma_start3A_135 = arith.constant 0 : i32
      %dma_start3A_136 = tpu.memref_slice %arg7[%add3A_134, %dma_start3A_135] : memref<48x128xi32, #tpu.memory_space<vmem>> -> memref<1x128xi32, #tpu.memory_space<vmem>>
      %dma_start3A_137 = tpu.memref_squeeze %dma_start3A_136 : memref<1x128xi32, #tpu.memory_space<vmem>> -> memref<128xi32, #tpu.memory_space<vmem>>
      %dma_start3A_138 = arith.constant 0 : i32
      %dma_start3A_139 = arith.constant 0 : i32
      %dma_start3A_140 = tpu.memref_slice %arg2[%add3A_65, %dma_start3A_138, %dma_start3A_139] : memref<4x10000x128xf32, #tpu.memory_space<hbm>> -> memref<1x10000x128xf32, #tpu.memory_space<hbm>>
      %dma_start3A_141 = tpu.memref_squeeze %dma_start3A_140 : memref<1x10000x128xf32, #tpu.memory_space<hbm>> -> memref<10000x128xf32, #tpu.memory_space<hbm>>
      %dma_start3A_142 = arith.constant 0 : i32
      %dma_start3A_143 = arith.constant 0 : i32
      %dma_start3A_144 = tpu.memref_slice %dma_start3A_141[%dma_start3A_142, %dma_start3A_143] : memref<10000x128xf32, #tpu.memory_space<hbm>> -> memref<10000x128xf32, #tpu.memory_space<hbm>>
      tpu.enqueue_indirect_dma source(%dma_start3A_144 : memref<10000x128xf32, #tpu.memory_space<hbm>>) target(%arg10 : memref<128x128xf32, #tpu.memory_space<vmem>>) offsets(%dma_start3A_137 : memref<128xi32, #tpu.memory_space<vmem>>) semaphore(%arg13 : memref<!tpu.dma_semaphore, #tpu.memory_space<semaphore_mem>>)
      %dma_wait3A_145 = arith.constant 0 : i32
      %dma_wait3A_146 = tpu.memref_slice %arg7[%mul3A_132, %dma_wait3A_145] : memref<48x128xi32, #tpu.memory_space<vmem>> -> memref<1x128xi32, #tpu.memory_space<vmem>>
      %dma_wait3A_147 = tpu.memref_squeeze %dma_wait3A_146 : memref<1x128xi32, #tpu.memory_space<vmem>> -> memref<128xi32, #tpu.memory_space<vmem>>
      %dma_wait3A_148 = arith.constant 0 : i32
      %dma_wait3A_149 = arith.constant 0 : i32
      %dma_wait3A_150 = tpu.memref_slice %arg2[%add3A_65, %dma_wait3A_148, %dma_wait3A_149] : memref<4x10000x128xf32, #tpu.memory_space<hbm>> -> memref<1x10000x128xf32, #tpu.memory_space<hbm>>
      %dma_wait3A_151 = tpu.memref_squeeze %dma_wait3A_150 : memref<1x10000x128xf32, #tpu.memory_space<hbm>> -> memref<10000x128xf32, #tpu.memory_space<hbm>>
      %dma_wait3A_152 = arith.constant 0 : i32
      %dma_wait3A_153 = arith.constant 0 : i32
      %dma_wait3A_154 = tpu.memref_slice %dma_wait3A_151[%dma_wait3A_152, %dma_wait3A_153] : memref<10000x128xf32, #tpu.memory_space<hbm>> -> memref<10000x128xf32, #tpu.memory_space<hbm>>
      tpu.wait_indirect_dma semaphore(%arg12 : memref<!tpu.dma_semaphore, #tpu.memory_space<semaphore_mem>>) src(%dma_wait3A_154 : memref<10000x128xf32, #tpu.memory_space<hbm>>) dst(%arg9 : memref<128x128xf32, #tpu.memory_space<vmem>>)
      "tpu.region"() ({
        %run_scoped3A = tpu.sem_alloc : memref<!tpu.dma_semaphore, #tpu.memory_space<semaphore_mem>>
        %dma_start3A_181 = arith.constant 0 : i32
        %dma_start3A_182 = tpu.memref_slice %arg8[%mul3A_132, %dma_start3A_181] : memref<40x128xi32, #tpu.memory_space<vmem>> -> memref<1x128xi32, #tpu.memory_space<vmem>>
        %dma_start3A_183 = tpu.memref_squeeze %dma_start3A_182 : memref<1x128xi32, #tpu.memory_space<vmem>> -> memref<128xi32, #tpu.memory_space<vmem>>
        %dma_start3A_184 = arith.constant 0 : i32
        %dma_start3A_185 = arith.constant 0 : i32
        %dma_start3A_186 = tpu.memref_slice %arg11[%dma_start3A_184, %dma_start3A_185] : memref<10112x128xf32, #tpu.memory_space<vmem_shared>> -> memref<10112x128xf32, #tpu.memory_space<vmem_shared>>
        tpu.enqueue_indirect_dma source(%arg9 : memref<128x128xf32, #tpu.memory_space<vmem>>) target(%dma_start3A_186 : memref<10112x128xf32, #tpu.memory_space<vmem_shared>>) offsets(%dma_start3A_183 : memref<128xi32, #tpu.memory_space<vmem>>) semaphore(%run_scoped3A : memref<!tpu.dma_semaphore, #tpu.memory_space<semaphore_mem>>) {add = true}
        %dma_wait3A_187 = arith.constant 0 : i32
        %dma_wait3A_188 = tpu.memref_slice %arg8[%mul3A_132, %dma_wait3A_187] : memref<40x128xi32, #tpu.memory_space<vmem>> -> memref<1x128xi32, #tpu.memory_space<vmem>>
        %dma_wait3A_189 = tpu.memref_squeeze %dma_wait3A_188 : memref<1x128xi32, #tpu.memory_space<vmem>> -> memref<128xi32, #tpu.memory_space<vmem>>
        %dma_wait3A_190 = arith.constant 0 : i32
        %dma_wait3A_191 = arith.constant 0 : i32
        %dma_wait3A_192 = tpu.memref_slice %arg11[%dma_wait3A_190, %dma_wait3A_191] : memref<10112x128xf32, #tpu.memory_space<vmem_shared>> -> memref<10112x128xf32, #tpu.memory_space<vmem_shared>>
        tpu.wait_indirect_dma semaphore(%run_scoped3A : memref<!tpu.dma_semaphore, #tpu.memory_space<semaphore_mem>>) src(%arg9 : memref<128x128xf32, #tpu.memory_space<vmem>>) dst(%dma_wait3A_192 : memref<10112x128xf32, #tpu.memory_space<vmem_shared>>)
        tpu.yield
      }) : () -> ()
      %add3A_155 = arith.constant 2 : i32
      %add3A_156 = arith.addi %mul3A_132, %add3A_155 : i32
      %dma_start3A_157 = arith.constant 0 : i32
      %dma_start3A_158 = tpu.memref_slice %arg7[%add3A_156, %dma_start3A_157] : memref<48x128xi32, #tpu.memory_space<vmem>> -> memref<1x128xi32, #tpu.memory_space<vmem>>
      %dma_start3A_159 = tpu.memref_squeeze %dma_start3A_158 : memref<1x128xi32, #tpu.memory_space<vmem>> -> memref<128xi32, #tpu.memory_space<vmem>>
      %dma_start3A_160 = arith.constant 0 : i32
      %dma_start3A_161 = arith.constant 0 : i32
      %dma_start3A_162 = tpu.memref_slice %arg2[%add3A_65, %dma_start3A_160, %dma_start3A_161] : memref<4x10000x128xf32, #tpu.memory_space<hbm>> -> memref<1x10000x128xf32, #tpu.memory_space<hbm>>
      %dma_start3A_163 = tpu.memref_squeeze %dma_start3A_162 : memref<1x10000x128xf32, #tpu.memory_space<hbm>> -> memref<10000x128xf32, #tpu.memory_space<hbm>>
      %dma_start3A_164 = arith.constant 0 : i32
      %dma_start3A_165 = arith.constant 0 : i32
      %dma_start3A_166 = tpu.memref_slice %dma_start3A_163[%dma_start3A_164, %dma_start3A_165] : memref<10000x128xf32, #tpu.memory_space<hbm>> -> memref<10000x128xf32, #tpu.memory_space<hbm>>
      tpu.enqueue_indirect_dma source(%dma_start3A_166 : memref<10000x128xf32, #tpu.memory_space<hbm>>) target(%arg9 : memref<128x128xf32, #tpu.memory_space<vmem>>) offsets(%dma_start3A_159 : memref<128xi32, #tpu.memory_space<vmem>>) semaphore(%arg12 : memref<!tpu.dma_semaphore, #tpu.memory_space<semaphore_mem>>)
      %add3A_167 = arith.constant 1 : i32
      %add3A_168 = arith.addi %mul3A_132, %add3A_167 : i32
      %dma_wait3A_169 = arith.constant 0 : i32
      %dma_wait3A_170 = tpu.memref_slice %arg7[%add3A_168, %dma_wait3A_169] : memref<48x128xi32, #tpu.memory_space<vmem>> -> memref<1x128xi32, #tpu.memory_space<vmem>>
      %dma_wait3A_171 = tpu.memref_squeeze %dma_wait3A_170 : memref<1x128xi32, #tpu.memory_space<vmem>> -> memref<128xi32, #tpu.memory_space<vmem>>
      %dma_wait3A_172 = arith.constant 0 : i32
      %dma_wait3A_173 = arith.constant 0 : i32
      %dma_wait3A_174 = tpu.memref_slice %arg2[%add3A_65, %dma_wait3A_172, %dma_wait3A_173] : memref<4x10000x128xf32, #tpu.memory_space<hbm>> -> memref<1x10000x128xf32, #tpu.memory_space<hbm>>
      %dma_wait3A_175 = tpu.memref_squeeze %dma_wait3A_174 : memref<1x10000x128xf32, #tpu.memory_space<hbm>> -> memref<10000x128xf32, #tpu.memory_space<hbm>>
      %dma_wait3A_176 = arith.constant 0 : i32
      %dma_wait3A_177 = arith.constant 0 : i32
      %dma_wait3A_178 = tpu.memref_slice %dma_wait3A_175[%dma_wait3A_176, %dma_wait3A_177] : memref<10000x128xf32, #tpu.memory_space<hbm>> -> memref<10000x128xf32, #tpu.memory_space<hbm>>
      tpu.wait_indirect_dma semaphore(%arg13 : memref<!tpu.dma_semaphore, #tpu.memory_space<semaphore_mem>>) src(%dma_wait3A_178 : memref<10000x128xf32, #tpu.memory_space<hbm>>) dst(%arg10 : memref<128x128xf32, #tpu.memory_space<vmem>>)
      %add3A_179 = arith.constant 1 : i32
      %add3A_180 = arith.addi %mul3A_132, %add3A_179 : i32
      "tpu.region"() ({
        %run_scoped3A = tpu.sem_alloc : memref<!tpu.dma_semaphore, #tpu.memory_space<semaphore_mem>>
        %dma_start3A_181 = arith.constant 0 : i32
        %dma_start3A_182 = tpu.memref_slice %arg8[%add3A_180, %dma_start3A_181] : memref<40x128xi32, #tpu.memory_space<vmem>> -> memref<1x128xi32, #tpu.memory_space<vmem>>
        %dma_start3A_183 = tpu.memref_squeeze %dma_start3A_182 : memref<1x128xi32, #tpu.memory_space<vmem>> -> memref<128xi32, #tpu.memory_space<vmem>>
        %dma_start3A_184 = arith.constant 0 : i32
        %dma_start3A_185 = arith.constant 0 : i32
        %dma_start3A_186 = tpu.memref_slice %arg11[%dma_start3A_184, %dma_start3A_185] : memref<10112x128xf32, #tpu.memory_space<vmem_shared>> -> memref<10112x128xf32, #tpu.memory_space<vmem_shared>>
        tpu.enqueue_indirect_dma source(%arg10 : memref<128x128xf32, #tpu.memory_space<vmem>>) target(%dma_start3A_186 : memref<10112x128xf32, #tpu.memory_space<vmem_shared>>) offsets(%dma_start3A_183 : memref<128xi32, #tpu.memory_space<vmem>>) semaphore(%run_scoped3A : memref<!tpu.dma_semaphore, #tpu.memory_space<semaphore_mem>>) {add = true}
        %dma_wait3A_187 = arith.constant 0 : i32
        %dma_wait3A_188 = tpu.memref_slice %arg8[%add3A_180, %dma_wait3A_187] : memref<40x128xi32, #tpu.memory_space<vmem>> -> memref<1x128xi32, #tpu.memory_space<vmem>>
        %dma_wait3A_189 = tpu.memref_squeeze %dma_wait3A_188 : memref<1x128xi32, #tpu.memory_space<vmem>> -> memref<128xi32, #tpu.memory_space<vmem>>
        %dma_wait3A_190 = arith.constant 0 : i32
        %dma_wait3A_191 = arith.constant 0 : i32
        %dma_wait3A_192 = tpu.memref_slice %arg11[%dma_wait3A_190, %dma_wait3A_191] : memref<10112x128xf32, #tpu.memory_space<vmem_shared>> -> memref<10112x128xf32, #tpu.memory_space<vmem_shared>>
        tpu.wait_indirect_dma semaphore(%run_scoped3A : memref<!tpu.dma_semaphore, #tpu.memory_space<semaphore_mem>>) src(%arg10 : memref<128x128xf32, #tpu.memory_space<vmem>>) dst(%dma_wait3A_192 : memref<10112x128xf32, #tpu.memory_space<vmem_shared>>)
        tpu.yield
      }) : () -> ()
    }
    %scan3A_113 = arith.constant 20 : i32
    %dma_wait3A_114 = arith.constant 40 : i32
    %dma_wait3A_115 = arith.constant 0 : i32
    %dma_wait3A_116 = tpu.memref_slice %arg7[%dma_wait3A_114, %dma_wait3A_115] : memref<48x128xi32, #tpu.memory_space<vmem>> -> memref<1x128xi32, #tpu.memory_space<vmem>>
    %dma_wait3A_117 = tpu.memref_squeeze %dma_wait3A_116 : memref<1x128xi32, #tpu.memory_space<vmem>> -> memref<128xi32, #tpu.memory_space<vmem>>
    %dma_wait3A_118 = arith.constant 0 : i32
    %dma_wait3A_119 = arith.constant 0 : i32
    %dma_wait3A_120 = tpu.memref_slice %arg2[%add3A_65, %dma_wait3A_118, %dma_wait3A_119] : memref<4x10000x128xf32, #tpu.memory_space<hbm>> -> memref<1x10000x128xf32, #tpu.memory_space<hbm>>
    %dma_wait3A_121 = tpu.memref_squeeze %dma_wait3A_120 : memref<1x10000x128xf32, #tpu.memory_space<hbm>> -> memref<10000x128xf32, #tpu.memory_space<hbm>>
    %dma_wait3A_122 = arith.constant 0 : i32
    %dma_wait3A_123 = arith.constant 0 : i32
    %dma_wait3A_124 = tpu.memref_slice %dma_wait3A_121[%dma_wait3A_122, %dma_wait3A_123] : memref<10000x128xf32, #tpu.memory_space<hbm>> -> memref<10000x128xf32, #tpu.memory_space<hbm>>
    tpu.wait_indirect_dma semaphore(%arg12 : memref<!tpu.dma_semaphore, #tpu.memory_space<semaphore_mem>>) src(%dma_wait3A_124 : memref<10000x128xf32, #tpu.memory_space<hbm>>) dst(%arg9 : memref<128x128xf32, #tpu.memory_space<vmem>>)
    %barrier3A_125 = arith.constant 0 : index
    tpu.barrier barrier_id(%barrier3A_125)
    %mul3A_126 = arith.constant 632 : i32
    %mul3A_127 = arith.muli %arg1, %mul3A_126 : i32
    %mul3A_128 = arith.constant 632 : i32
    %mul3A_129 = arith.muli %arg1, %mul3A_128 : i32
    "tpu.region"() ({
      %run_scoped3A = tpu.sem_alloc : memref<!tpu.dma_semaphore, #tpu.memory_space<semaphore_mem>>
      %dma_start3A_130 = arith.constant 0 : i32
      %dma_start3A_131 = arith.constant 0 : i32
      %dma_start3A_132 = tpu.memref_slice %arg6[%add3A_65, %dma_start3A_130, %dma_start3A_131] : memref<4x10112x128xf32, #tpu.memory_space<hbm>> -> memref<1x10112x128xf32, #tpu.memory_space<hbm>>
      %dma_start3A_133 = tpu.memref_squeeze %dma_start3A_132 : memref<1x10112x128xf32, #tpu.memory_space<hbm>> -> memref<10112x128xf32, #tpu.memory_space<hbm>>
      %dma_start3A_134 = arith.constant 0 : i32
      %dma_start3A_135 = tpu.memref_slice %dma_start3A_133[%mul3A_129, %dma_start3A_134] : memref<10112x128xf32, #tpu.memory_space<hbm>> -> memref<632x128xf32, #tpu.memory_space<hbm>>
      %dma_start3A_136 = arith.constant 0 : i32
      %dma_start3A_137 = tpu.memref_slice %arg11[%mul3A_127, %dma_start3A_136] : memref<10112x128xf32, #tpu.memory_space<vmem_shared>> -> memref<632x128xf32, #tpu.memory_space<vmem_shared>>
      tpu.enqueue_dma source(%dma_start3A_137 : memref<632x128xf32, #tpu.memory_space<vmem_shared>>) target(%dma_start3A_135 : memref<632x128xf32, #tpu.memory_space<hbm>>) target_semaphore(%run_scoped3A : memref<!tpu.dma_semaphore, #tpu.memory_space<semaphore_mem>>)
      %dma_wait3A_138 = arith.constant 0 : i32
      %dma_wait3A_139 = arith.constant 0 : i32
      %dma_wait3A_140 = tpu.memref_slice %arg6[%add3A_65, %dma_wait3A_138, %dma_wait3A_139] : memref<4x10112x128xf32, #tpu.memory_space<hbm>> -> memref<1x10112x128xf32, #tpu.memory_space<hbm>>
      %dma_wait3A_141 = tpu.memref_squeeze %dma_wait3A_140 : memref<1x10112x128xf32, #tpu.memory_space<hbm>> -> memref<10112x128xf32, #tpu.memory_space<hbm>>
      %dma_wait3A_142 = arith.constant 0 : i32
      %dma_wait3A_143 = tpu.memref_slice %dma_wait3A_141[%mul3A_129, %dma_wait3A_142] : memref<10112x128xf32, #tpu.memory_space<hbm>> -> memref<632x128xf32, #tpu.memory_space<hbm>>
      %dma_wait3A_144 = arith.constant 0 : i32
      %dma_wait3A_145 = tpu.memref_slice %arg11[%mul3A_127, %dma_wait3A_144] : memref<10112x128xf32, #tpu.memory_space<vmem_shared>> -> memref<632x128xf32, #tpu.memory_space<vmem_shared>>
      tpu.wait_dma2 semaphore(%run_scoped3A : memref<!tpu.dma_semaphore, #tpu.memory_space<semaphore_mem>>) src(%dma_wait3A_145 : memref<632x128xf32, #tpu.memory_space<vmem_shared>>) dst(%dma_wait3A_143 : memref<632x128xf32, #tpu.memory_space<hbm>>)
      tpu.yield
    }) : () -> ()
    return
  }
}

#map = affine_map<(d0, d1) -> (0, 0, 0)>
#map1 = affine_map<(d0, d1) -> (0, 0)>
module attributes {stable_mosaic.version = 14 : i64} {
  func.func @agg(%arg0: i32, %arg1: i32, %arg2: memref<2x10000x128xf32, #tpu.memory_space<hbm>>, %arg3: memref<16x88x128xi32, #tpu.memory_space<hbm>>, %arg4: memref<16x80x128xi32, #tpu.memory_space<hbm>>, %arg5: memref<632x128xf32, #tpu.memory_space<hbm>>, %arg6: memref<2x10112x128xf32, #tpu.memory_space<hbm>>, %arg7: memref<48x128xi32, #tpu.memory_space<vmem>>, %arg8: memref<40x128xi32, #tpu.memory_space<vmem>>, %arg9: memref<128x128xf32, #tpu.memory_space<vmem>>, %arg10: memref<128x128xf32, #tpu.memory_space<vmem>>, %arg11: memref<10112x128xf32, #tpu.memory_space<vmem_shared>>, %arg12: memref<!tpu.dma_semaphore, #tpu.memory_space<semaphore_mem>>, %arg13: memref<!tpu.dma_semaphore, #tpu.memory_space<semaphore_mem>>) attributes {dimension_semantics = [#tpu.dimension_semantics<core_parallel>, #tpu.dimension_semantics<subcore_parallel>], iteration_bounds = array<i64: 2, 16>, scalar_prefetch = 0 : i64, scratch_operands = 7 : i64, tpu.core_type = #tpu.core_type<sc_vector_subcore>, window_params = [{transform_indices = #map}, {transform_indices = #map}, {transform_indices = #map}, {transform_indices = #map1}, {transform_indices = #map}]} {
    %mul3A = arith.constant 1 : i32
    %mul3A_0 = arith.muli %arg0, %mul3A : i32
    %add3A = arith.constant 0 : i32
    %add3A_1 = arith.addi %mul3A_0, %add3A : i32
    %mul3A_2 = arith.constant 632 : i32
    %mul3A_3 = arith.muli %arg1, %mul3A_2 : i32
    "tpu.region"() ({
      %run_scoped3A = tpu.sem_alloc : memref<!tpu.dma_semaphore, #tpu.memory_space<semaphore_mem>>
      %dma_start3A_62 = arith.constant 0 : i32
      %dma_start3A_63 = tpu.memref_slice %arg11[%mul3A_3, %dma_start3A_62] : memref<10112x128xf32, #tpu.memory_space<vmem_shared>> -> memref<632x128xf32, #tpu.memory_space<vmem_shared>>
      tpu.enqueue_dma source(%arg5 : memref<632x128xf32, #tpu.memory_space<hbm>>) target(%dma_start3A_63 : memref<632x128xf32, #tpu.memory_space<vmem_shared>>) target_semaphore(%run_scoped3A : memref<!tpu.dma_semaphore, #tpu.memory_space<semaphore_mem>>)
      %dma_wait3A_64 = arith.constant 0 : i32
      %dma_wait3A_65 = tpu.memref_slice %arg11[%mul3A_3, %dma_wait3A_64] : memref<10112x128xf32, #tpu.memory_space<vmem_shared>> -> memref<632x128xf32, #tpu.memory_space<vmem_shared>>
      tpu.wait_dma2 semaphore(%run_scoped3A : memref<!tpu.dma_semaphore, #tpu.memory_space<semaphore_mem>>) src(%arg5 : memref<632x128xf32, #tpu.memory_space<hbm>>) dst(%dma_wait3A_65 : memref<632x128xf32, #tpu.memory_space<vmem_shared>>)
      tpu.yield
    }) : () -> ()
    %barrier3A = arith.constant 0 : index
    tpu.barrier barrier_id(%barrier3A)
    "tpu.region"() ({
      %run_scoped3A = tpu.sem_alloc : memref<!tpu.dma_semaphore, #tpu.memory_space<semaphore_mem>>
      %dma_start3A_62 = arith.constant 0 : i32
      %dma_start3A_63 = arith.constant 0 : i32
      %dma_start3A_64 = tpu.memref_slice %arg3[%arg1, %dma_start3A_62, %dma_start3A_63] : memref<16x88x128xi32, #tpu.memory_space<hbm>> -> memref<1x88x128xi32, #tpu.memory_space<hbm>>
      %dma_start3A_65 = tpu.memref_squeeze %dma_start3A_64 : memref<1x88x128xi32, #tpu.memory_space<hbm>> -> memref<88x128xi32, #tpu.memory_space<hbm>>
      %dma_start3A_66 = arith.constant 0 : i32
      %dma_start3A_67 = arith.constant 0 : i32
      %dma_start3A_68 = tpu.memref_slice %dma_start3A_65[%dma_start3A_66, %dma_start3A_67] : memref<88x128xi32, #tpu.memory_space<hbm>> -> memref<48x128xi32, #tpu.memory_space<hbm>>
      %dma_start3A_69 = arith.constant 0 : i32
      %dma_start3A_70 = arith.constant 0 : i32
      %dma_start3A_71 = tpu.memref_slice %arg3[%arg1, %dma_start3A_69, %dma_start3A_70] : memref<16x88x128xi32, #tpu.memory_space<hbm>> -> memref<1x88x128xi32, #tpu.memory_space<hbm>>
      %dma_start3A_72 = tpu.memref_squeeze %dma_start3A_71 : memref<1x88x128xi32, #tpu.memory_space<hbm>> -> memref<88x128xi32, #tpu.memory_space<hbm>>
      %dma_start3A_73 = arith.constant 0 : i32
      %dma_start3A_74 = arith.constant 0 : i32
      %dma_start3A_75 = tpu.memref_slice %dma_start3A_72[%dma_start3A_73, %dma_start3A_74] : memref<88x128xi32, #tpu.memory_space<hbm>> -> memref<48x128xi32, #tpu.memory_space<hbm>>
      tpu.enqueue_dma source(%dma_start3A_75 : memref<48x128xi32, #tpu.memory_space<hbm>>) target(%arg7 : memref<48x128xi32, #tpu.memory_space<vmem>>) target_semaphore(%run_scoped3A : memref<!tpu.dma_semaphore, #tpu.memory_space<semaphore_mem>>)
      %dma_wait3A_76 = arith.constant 0 : i32
      %dma_wait3A_77 = arith.constant 0 : i32
      %dma_wait3A_78 = tpu.memref_slice %arg3[%arg1, %dma_wait3A_76, %dma_wait3A_77] : memref<16x88x128xi32, #tpu.memory_space<hbm>> -> memref<1x88x128xi32, #tpu.memory_space<hbm>>
      %dma_wait3A_79 = tpu.memref_squeeze %dma_wait3A_78 : memref<1x88x128xi32, #tpu.memory_space<hbm>> -> memref<88x128xi32, #tpu.memory_space<hbm>>
      %dma_wait3A_80 = arith.constant 0 : i32
      %dma_wait3A_81 = arith.constant 0 : i32
      %dma_wait3A_82 = tpu.memref_slice %dma_wait3A_79[%dma_wait3A_80, %dma_wait3A_81] : memref<88x128xi32, #tpu.memory_space<hbm>> -> memref<48x128xi32, #tpu.memory_space<hbm>>
      %dma_wait3A_83 = arith.constant 0 : i32
      %dma_wait3A_84 = arith.constant 0 : i32
      %dma_wait3A_85 = tpu.memref_slice %arg3[%arg1, %dma_wait3A_83, %dma_wait3A_84] : memref<16x88x128xi32, #tpu.memory_space<hbm>> -> memref<1x88x128xi32, #tpu.memory_space<hbm>>
      %dma_wait3A_86 = tpu.memref_squeeze %dma_wait3A_85 : memref<1x88x128xi32, #tpu.memory_space<hbm>> -> memref<88x128xi32, #tpu.memory_space<hbm>>
      %dma_wait3A_87 = arith.constant 0 : i32
      %dma_wait3A_88 = arith.constant 0 : i32
      %dma_wait3A_89 = tpu.memref_slice %dma_wait3A_86[%dma_wait3A_87, %dma_wait3A_88] : memref<88x128xi32, #tpu.memory_space<hbm>> -> memref<48x128xi32, #tpu.memory_space<hbm>>
      tpu.wait_dma2 semaphore(%run_scoped3A : memref<!tpu.dma_semaphore, #tpu.memory_space<semaphore_mem>>) src(%dma_wait3A_89 : memref<48x128xi32, #tpu.memory_space<hbm>>) dst(%arg7 : memref<48x128xi32, #tpu.memory_space<vmem>>)
      tpu.yield
    }) : () -> ()
    "tpu.region"() ({
      %run_scoped3A = tpu.sem_alloc : memref<!tpu.dma_semaphore, #tpu.memory_space<semaphore_mem>>
      %dma_start3A_62 = arith.constant 0 : i32
      %dma_start3A_63 = arith.constant 0 : i32
      %dma_start3A_64 = tpu.memref_slice %arg4[%arg1, %dma_start3A_62, %dma_start3A_63] : memref<16x80x128xi32, #tpu.memory_space<hbm>> -> memref<1x80x128xi32, #tpu.memory_space<hbm>>
      %dma_start3A_65 = tpu.memref_squeeze %dma_start3A_64 : memref<1x80x128xi32, #tpu.memory_space<hbm>> -> memref<80x128xi32, #tpu.memory_space<hbm>>
      %dma_start3A_66 = arith.constant 0 : i32
      %dma_start3A_67 = arith.constant 0 : i32
      %dma_start3A_68 = tpu.memref_slice %dma_start3A_65[%dma_start3A_66, %dma_start3A_67] : memref<80x128xi32, #tpu.memory_space<hbm>> -> memref<40x128xi32, #tpu.memory_space<hbm>>
      %dma_start3A_69 = arith.constant 0 : i32
      %dma_start3A_70 = arith.constant 0 : i32
      %dma_start3A_71 = tpu.memref_slice %arg4[%arg1, %dma_start3A_69, %dma_start3A_70] : memref<16x80x128xi32, #tpu.memory_space<hbm>> -> memref<1x80x128xi32, #tpu.memory_space<hbm>>
      %dma_start3A_72 = tpu.memref_squeeze %dma_start3A_71 : memref<1x80x128xi32, #tpu.memory_space<hbm>> -> memref<80x128xi32, #tpu.memory_space<hbm>>
      %dma_start3A_73 = arith.constant 0 : i32
      %dma_start3A_74 = arith.constant 0 : i32
      %dma_start3A_75 = tpu.memref_slice %dma_start3A_72[%dma_start3A_73, %dma_start3A_74] : memref<80x128xi32, #tpu.memory_space<hbm>> -> memref<40x128xi32, #tpu.memory_space<hbm>>
      tpu.enqueue_dma source(%dma_start3A_75 : memref<40x128xi32, #tpu.memory_space<hbm>>) target(%arg8 : memref<40x128xi32, #tpu.memory_space<vmem>>) target_semaphore(%run_scoped3A : memref<!tpu.dma_semaphore, #tpu.memory_space<semaphore_mem>>)
      %dma_wait3A_76 = arith.constant 0 : i32
      %dma_wait3A_77 = arith.constant 0 : i32
      %dma_wait3A_78 = tpu.memref_slice %arg4[%arg1, %dma_wait3A_76, %dma_wait3A_77] : memref<16x80x128xi32, #tpu.memory_space<hbm>> -> memref<1x80x128xi32, #tpu.memory_space<hbm>>
      %dma_wait3A_79 = tpu.memref_squeeze %dma_wait3A_78 : memref<1x80x128xi32, #tpu.memory_space<hbm>> -> memref<80x128xi32, #tpu.memory_space<hbm>>
      %dma_wait3A_80 = arith.constant 0 : i32
      %dma_wait3A_81 = arith.constant 0 : i32
      %dma_wait3A_82 = tpu.memref_slice %dma_wait3A_79[%dma_wait3A_80, %dma_wait3A_81] : memref<80x128xi32, #tpu.memory_space<hbm>> -> memref<40x128xi32, #tpu.memory_space<hbm>>
      %dma_wait3A_83 = arith.constant 0 : i32
      %dma_wait3A_84 = arith.constant 0 : i32
      %dma_wait3A_85 = tpu.memref_slice %arg4[%arg1, %dma_wait3A_83, %dma_wait3A_84] : memref<16x80x128xi32, #tpu.memory_space<hbm>> -> memref<1x80x128xi32, #tpu.memory_space<hbm>>
      %dma_wait3A_86 = tpu.memref_squeeze %dma_wait3A_85 : memref<1x80x128xi32, #tpu.memory_space<hbm>> -> memref<80x128xi32, #tpu.memory_space<hbm>>
      %dma_wait3A_87 = arith.constant 0 : i32
      %dma_wait3A_88 = arith.constant 0 : i32
      %dma_wait3A_89 = tpu.memref_slice %dma_wait3A_86[%dma_wait3A_87, %dma_wait3A_88] : memref<80x128xi32, #tpu.memory_space<hbm>> -> memref<40x128xi32, #tpu.memory_space<hbm>>
      tpu.wait_dma2 semaphore(%run_scoped3A : memref<!tpu.dma_semaphore, #tpu.memory_space<semaphore_mem>>) src(%dma_wait3A_89 : memref<40x128xi32, #tpu.memory_space<hbm>>) dst(%arg8 : memref<40x128xi32, #tpu.memory_space<vmem>>)
      tpu.yield
    }) : () -> ()
    %dma_start3A = arith.constant 0 : i32
    %dma_start3A_4 = arith.constant 0 : i32
    %dma_start3A_5 = tpu.memref_slice %arg7[%dma_start3A, %dma_start3A_4] : memref<48x128xi32, #tpu.memory_space<vmem>> -> memref<1x128xi32, #tpu.memory_space<vmem>>
    %dma_start3A_6 = tpu.memref_squeeze %dma_start3A_5 : memref<1x128xi32, #tpu.memory_space<vmem>> -> memref<128xi32, #tpu.memory_space<vmem>>
    %dma_start3A_7 = arith.constant 0 : i32
    %dma_start3A_8 = arith.constant 0 : i32
    %dma_start3A_9 = tpu.memref_slice %arg2[%add3A_1, %dma_start3A_7, %dma_start3A_8] : memref<2x10000x128xf32, #tpu.memory_space<hbm>> -> memref<1x10000x128xf32, #tpu.memory_space<hbm>>
    %dma_start3A_10 = tpu.memref_squeeze %dma_start3A_9 : memref<1x10000x128xf32, #tpu.memory_space<hbm>> -> memref<10000x128xf32, #tpu.memory_space<hbm>>
    %dma_start3A_11 = arith.constant 0 : i32
    %dma_start3A_12 = arith.constant 0 : i32
    %dma_start3A_13 = tpu.memref_slice %dma_start3A_10[%dma_start3A_11, %dma_start3A_12] : memref<10000x128xf32, #tpu.memory_space<hbm>> -> memref<10000x128xf32, #tpu.memory_space<hbm>>
    tpu.enqueue_indirect_dma source(%dma_start3A_13 : memref<10000x128xf32, #tpu.memory_space<hbm>>) target(%arg9 : memref<128x128xf32, #tpu.memory_space<vmem>>) offsets(%dma_start3A_6 : memref<128xi32, #tpu.memory_space<vmem>>) semaphore(%arg12 : memref<!tpu.dma_semaphore, #tpu.memory_space<semaphore_mem>>)
    %scan3A = arith.constant 0 : i32
    %scan3A_14 = arith.constant 0 : i32
    %scan3A_15 = arith.constant 20 : i32
    %scan3A_16 = arith.addi %scan3A_14, %scan3A_15 : i32
    %scan3A_17 = arith.constant 1 : i32
    scf.for %scan3A_62 = %scan3A_14 to %scan3A_16 step %scan3A_17  : i32 {
      %mul3A_63 = arith.constant 2 : i32
      %mul3A_64 = arith.muli %mul3A_63, %scan3A_62 : i32
      %add3A_65 = arith.constant 1 : i32
      %add3A_66 = arith.addi %mul3A_64, %add3A_65 : i32
      %dma_start3A_67 = arith.constant 0 : i32
      %dma_start3A_68 = tpu.memref_slice %arg7[%add3A_66, %dma_start3A_67] : memref<48x128xi32, #tpu.memory_space<vmem>> -> memref<1x128xi32, #tpu.memory_space<vmem>>
      %dma_start3A_69 = tpu.memref_squeeze %dma_start3A_68 : memref<1x128xi32, #tpu.memory_space<vmem>> -> memref<128xi32, #tpu.memory_space<vmem>>
      %dma_start3A_70 = arith.constant 0 : i32
      %dma_start3A_71 = arith.constant 0 : i32
      %dma_start3A_72 = tpu.memref_slice %arg2[%add3A_1, %dma_start3A_70, %dma_start3A_71] : memref<2x10000x128xf32, #tpu.memory_space<hbm>> -> memref<1x10000x128xf32, #tpu.memory_space<hbm>>
      %dma_start3A_73 = tpu.memref_squeeze %dma_start3A_72 : memref<1x10000x128xf32, #tpu.memory_space<hbm>> -> memref<10000x128xf32, #tpu.memory_space<hbm>>
      %dma_start3A_74 = arith.constant 0 : i32
      %dma_start3A_75 = arith.constant 0 : i32
      %dma_start3A_76 = tpu.memref_slice %dma_start3A_73[%dma_start3A_74, %dma_start3A_75] : memref<10000x128xf32, #tpu.memory_space<hbm>> -> memref<10000x128xf32, #tpu.memory_space<hbm>>
      tpu.enqueue_indirect_dma source(%dma_start3A_76 : memref<10000x128xf32, #tpu.memory_space<hbm>>) target(%arg10 : memref<128x128xf32, #tpu.memory_space<vmem>>) offsets(%dma_start3A_69 : memref<128xi32, #tpu.memory_space<vmem>>) semaphore(%arg13 : memref<!tpu.dma_semaphore, #tpu.memory_space<semaphore_mem>>)
      %dma_wait3A_77 = arith.constant 0 : i32
      %dma_wait3A_78 = tpu.memref_slice %arg7[%mul3A_64, %dma_wait3A_77] : memref<48x128xi32, #tpu.memory_space<vmem>> -> memref<1x128xi32, #tpu.memory_space<vmem>>
      %dma_wait3A_79 = tpu.memref_squeeze %dma_wait3A_78 : memref<1x128xi32, #tpu.memory_space<vmem>> -> memref<128xi32, #tpu.memory_space<vmem>>
      %dma_wait3A_80 = arith.constant 0 : i32
      %dma_wait3A_81 = arith.constant 0 : i32
      %dma_wait3A_82 = tpu.memref_slice %arg2[%add3A_1, %dma_wait3A_80, %dma_wait3A_81] : memref<2x10000x128xf32, #tpu.memory_space<hbm>> -> memref<1x10000x128xf32, #tpu.memory_space<hbm>>
      %dma_wait3A_83 = tpu.memref_squeeze %dma_wait3A_82 : memref<1x10000x128xf32, #tpu.memory_space<hbm>> -> memref<10000x128xf32, #tpu.memory_space<hbm>>
      %dma_wait3A_84 = arith.constant 0 : i32
      %dma_wait3A_85 = arith.constant 0 : i32
      %dma_wait3A_86 = tpu.memref_slice %dma_wait3A_83[%dma_wait3A_84, %dma_wait3A_85] : memref<10000x128xf32, #tpu.memory_space<hbm>> -> memref<10000x128xf32, #tpu.memory_space<hbm>>
      tpu.wait_indirect_dma semaphore(%arg12 : memref<!tpu.dma_semaphore, #tpu.memory_space<semaphore_mem>>) src(%dma_wait3A_86 : memref<10000x128xf32, #tpu.memory_space<hbm>>) dst(%arg9 : memref<128x128xf32, #tpu.memory_space<vmem>>)
      "tpu.region"() ({
        %run_scoped3A = tpu.sem_alloc : memref<!tpu.dma_semaphore, #tpu.memory_space<semaphore_mem>>
        %dma_start3A_113 = arith.constant 0 : i32
        %dma_start3A_114 = tpu.memref_slice %arg8[%mul3A_64, %dma_start3A_113] : memref<40x128xi32, #tpu.memory_space<vmem>> -> memref<1x128xi32, #tpu.memory_space<vmem>>
        %dma_start3A_115 = tpu.memref_squeeze %dma_start3A_114 : memref<1x128xi32, #tpu.memory_space<vmem>> -> memref<128xi32, #tpu.memory_space<vmem>>
        %dma_start3A_116 = arith.constant 0 : i32
        %dma_start3A_117 = arith.constant 0 : i32
        %dma_start3A_118 = tpu.memref_slice %arg11[%dma_start3A_116, %dma_start3A_117] : memref<10112x128xf32, #tpu.memory_space<vmem_shared>> -> memref<10112x128xf32, #tpu.memory_space<vmem_shared>>
        tpu.enqueue_indirect_dma source(%arg9 : memref<128x128xf32, #tpu.memory_space<vmem>>) target(%dma_start3A_118 : memref<10112x128xf32, #tpu.memory_space<vmem_shared>>) offsets(%dma_start3A_115 : memref<128xi32, #tpu.memory_space<vmem>>) semaphore(%run_scoped3A : memref<!tpu.dma_semaphore, #tpu.memory_space<semaphore_mem>>) {add = true}
        %dma_wait3A_119 = arith.constant 0 : i32
        %dma_wait3A_120 = tpu.memref_slice %arg8[%mul3A_64, %dma_wait3A_119] : memref<40x128xi32, #tpu.memory_space<vmem>> -> memref<1x128xi32, #tpu.memory_space<vmem>>
        %dma_wait3A_121 = tpu.memref_squeeze %dma_wait3A_120 : memref<1x128xi32, #tpu.memory_space<vmem>> -> memref<128xi32, #tpu.memory_space<vmem>>
        %dma_wait3A_122 = arith.constant 0 : i32
        %dma_wait3A_123 = arith.constant 0 : i32
        %dma_wait3A_124 = tpu.memref_slice %arg11[%dma_wait3A_122, %dma_wait3A_123] : memref<10112x128xf32, #tpu.memory_space<vmem_shared>> -> memref<10112x128xf32, #tpu.memory_space<vmem_shared>>
        tpu.wait_indirect_dma semaphore(%run_scoped3A : memref<!tpu.dma_semaphore, #tpu.memory_space<semaphore_mem>>) src(%arg9 : memref<128x128xf32, #tpu.memory_space<vmem>>) dst(%dma_wait3A_124 : memref<10112x128xf32, #tpu.memory_space<vmem_shared>>)
        tpu.yield
      }) : () -> ()
      %add3A_87 = arith.constant 2 : i32
      %add3A_88 = arith.addi %mul3A_64, %add3A_87 : i32
      %dma_start3A_89 = arith.constant 0 : i32
      %dma_start3A_90 = tpu.memref_slice %arg7[%add3A_88, %dma_start3A_89] : memref<48x128xi32, #tpu.memory_space<vmem>> -> memref<1x128xi32, #tpu.memory_space<vmem>>
      %dma_start3A_91 = tpu.memref_squeeze %dma_start3A_90 : memref<1x128xi32, #tpu.memory_space<vmem>> -> memref<128xi32, #tpu.memory_space<vmem>>
      %dma_start3A_92 = arith.constant 0 : i32
      %dma_start3A_93 = arith.constant 0 : i32
      %dma_start3A_94 = tpu.memref_slice %arg2[%add3A_1, %dma_start3A_92, %dma_start3A_93] : memref<2x10000x128xf32, #tpu.memory_space<hbm>> -> memref<1x10000x128xf32, #tpu.memory_space<hbm>>
      %dma_start3A_95 = tpu.memref_squeeze %dma_start3A_94 : memref<1x10000x128xf32, #tpu.memory_space<hbm>> -> memref<10000x128xf32, #tpu.memory_space<hbm>>
      %dma_start3A_96 = arith.constant 0 : i32
      %dma_start3A_97 = arith.constant 0 : i32
      %dma_start3A_98 = tpu.memref_slice %dma_start3A_95[%dma_start3A_96, %dma_start3A_97] : memref<10000x128xf32, #tpu.memory_space<hbm>> -> memref<10000x128xf32, #tpu.memory_space<hbm>>
      tpu.enqueue_indirect_dma source(%dma_start3A_98 : memref<10000x128xf32, #tpu.memory_space<hbm>>) target(%arg9 : memref<128x128xf32, #tpu.memory_space<vmem>>) offsets(%dma_start3A_91 : memref<128xi32, #tpu.memory_space<vmem>>) semaphore(%arg12 : memref<!tpu.dma_semaphore, #tpu.memory_space<semaphore_mem>>)
      %add3A_99 = arith.constant 1 : i32
      %add3A_100 = arith.addi %mul3A_64, %add3A_99 : i32
      %dma_wait3A_101 = arith.constant 0 : i32
      %dma_wait3A_102 = tpu.memref_slice %arg7[%add3A_100, %dma_wait3A_101] : memref<48x128xi32, #tpu.memory_space<vmem>> -> memref<1x128xi32, #tpu.memory_space<vmem>>
      %dma_wait3A_103 = tpu.memref_squeeze %dma_wait3A_102 : memref<1x128xi32, #tpu.memory_space<vmem>> -> memref<128xi32, #tpu.memory_space<vmem>>
      %dma_wait3A_104 = arith.constant 0 : i32
      %dma_wait3A_105 = arith.constant 0 : i32
      %dma_wait3A_106 = tpu.memref_slice %arg2[%add3A_1, %dma_wait3A_104, %dma_wait3A_105] : memref<2x10000x128xf32, #tpu.memory_space<hbm>> -> memref<1x10000x128xf32, #tpu.memory_space<hbm>>
      %dma_wait3A_107 = tpu.memref_squeeze %dma_wait3A_106 : memref<1x10000x128xf32, #tpu.memory_space<hbm>> -> memref<10000x128xf32, #tpu.memory_space<hbm>>
      %dma_wait3A_108 = arith.constant 0 : i32
      %dma_wait3A_109 = arith.constant 0 : i32
      %dma_wait3A_110 = tpu.memref_slice %dma_wait3A_107[%dma_wait3A_108, %dma_wait3A_109] : memref<10000x128xf32, #tpu.memory_space<hbm>> -> memref<10000x128xf32, #tpu.memory_space<hbm>>
      tpu.wait_indirect_dma semaphore(%arg13 : memref<!tpu.dma_semaphore, #tpu.memory_space<semaphore_mem>>) src(%dma_wait3A_110 : memref<10000x128xf32, #tpu.memory_space<hbm>>) dst(%arg10 : memref<128x128xf32, #tpu.memory_space<vmem>>)
      %add3A_111 = arith.constant 1 : i32
      %add3A_112 = arith.addi %mul3A_64, %add3A_111 : i32
      "tpu.region"() ({
        %run_scoped3A = tpu.sem_alloc : memref<!tpu.dma_semaphore, #tpu.memory_space<semaphore_mem>>
        %dma_start3A_113 = arith.constant 0 : i32
        %dma_start3A_114 = tpu.memref_slice %arg8[%add3A_112, %dma_start3A_113] : memref<40x128xi32, #tpu.memory_space<vmem>> -> memref<1x128xi32, #tpu.memory_space<vmem>>
        %dma_start3A_115 = tpu.memref_squeeze %dma_start3A_114 : memref<1x128xi32, #tpu.memory_space<vmem>> -> memref<128xi32, #tpu.memory_space<vmem>>
        %dma_start3A_116 = arith.constant 0 : i32
        %dma_start3A_117 = arith.constant 0 : i32
        %dma_start3A_118 = tpu.memref_slice %arg11[%dma_start3A_116, %dma_start3A_117] : memref<10112x128xf32, #tpu.memory_space<vmem_shared>> -> memref<10112x128xf32, #tpu.memory_space<vmem_shared>>
        tpu.enqueue_indirect_dma source(%arg10 : memref<128x128xf32, #tpu.memory_space<vmem>>) target(%dma_start3A_118 : memref<10112x128xf32, #tpu.memory_space<vmem_shared>>) offsets(%dma_start3A_115 : memref<128xi32, #tpu.memory_space<vmem>>) semaphore(%run_scoped3A : memref<!tpu.dma_semaphore, #tpu.memory_space<semaphore_mem>>) {add = true}
        %dma_wait3A_119 = arith.constant 0 : i32
        %dma_wait3A_120 = tpu.memref_slice %arg8[%add3A_112, %dma_wait3A_119] : memref<40x128xi32, #tpu.memory_space<vmem>> -> memref<1x128xi32, #tpu.memory_space<vmem>>
        %dma_wait3A_121 = tpu.memref_squeeze %dma_wait3A_120 : memref<1x128xi32, #tpu.memory_space<vmem>> -> memref<128xi32, #tpu.memory_space<vmem>>
        %dma_wait3A_122 = arith.constant 0 : i32
        %dma_wait3A_123 = arith.constant 0 : i32
        %dma_wait3A_124 = tpu.memref_slice %arg11[%dma_wait3A_122, %dma_wait3A_123] : memref<10112x128xf32, #tpu.memory_space<vmem_shared>> -> memref<10112x128xf32, #tpu.memory_space<vmem_shared>>
        tpu.wait_indirect_dma semaphore(%run_scoped3A : memref<!tpu.dma_semaphore, #tpu.memory_space<semaphore_mem>>) src(%arg10 : memref<128x128xf32, #tpu.memory_space<vmem>>) dst(%dma_wait3A_124 : memref<10112x128xf32, #tpu.memory_space<vmem_shared>>)
        tpu.yield
      }) : () -> ()
    }
    %scan3A_18 = arith.constant 20 : i32
    %dma_wait3A = arith.constant 40 : i32
    %dma_wait3A_19 = arith.constant 0 : i32
    %dma_wait3A_20 = tpu.memref_slice %arg7[%dma_wait3A, %dma_wait3A_19] : memref<48x128xi32, #tpu.memory_space<vmem>> -> memref<1x128xi32, #tpu.memory_space<vmem>>
    %dma_wait3A_21 = tpu.memref_squeeze %dma_wait3A_20 : memref<1x128xi32, #tpu.memory_space<vmem>> -> memref<128xi32, #tpu.memory_space<vmem>>
    %dma_wait3A_22 = arith.constant 0 : i32
    %dma_wait3A_23 = arith.constant 0 : i32
    %dma_wait3A_24 = tpu.memref_slice %arg2[%add3A_1, %dma_wait3A_22, %dma_wait3A_23] : memref<2x10000x128xf32, #tpu.memory_space<hbm>> -> memref<1x10000x128xf32, #tpu.memory_space<hbm>>
    %dma_wait3A_25 = tpu.memref_squeeze %dma_wait3A_24 : memref<1x10000x128xf32, #tpu.memory_space<hbm>> -> memref<10000x128xf32, #tpu.memory_space<hbm>>
    %dma_wait3A_26 = arith.constant 0 : i32
    %dma_wait3A_27 = arith.constant 0 : i32
    %dma_wait3A_28 = tpu.memref_slice %dma_wait3A_25[%dma_wait3A_26, %dma_wait3A_27] : memref<10000x128xf32, #tpu.memory_space<hbm>> -> memref<10000x128xf32, #tpu.memory_space<hbm>>
    tpu.wait_indirect_dma semaphore(%arg12 : memref<!tpu.dma_semaphore, #tpu.memory_space<semaphore_mem>>) src(%dma_wait3A_28 : memref<10000x128xf32, #tpu.memory_space<hbm>>) dst(%arg9 : memref<128x128xf32, #tpu.memory_space<vmem>>)
    "tpu.region"() ({
      %run_scoped3A = tpu.sem_alloc : memref<!tpu.dma_semaphore, #tpu.memory_space<semaphore_mem>>
      %dma_start3A_62 = arith.constant 0 : i32
      %dma_start3A_63 = arith.constant 0 : i32
      %dma_start3A_64 = tpu.memref_slice %arg3[%arg1, %dma_start3A_62, %dma_start3A_63] : memref<16x88x128xi32, #tpu.memory_space<hbm>> -> memref<1x88x128xi32, #tpu.memory_space<hbm>>
      %dma_start3A_65 = tpu.memref_squeeze %dma_start3A_64 : memref<1x88x128xi32, #tpu.memory_space<hbm>> -> memref<88x128xi32, #tpu.memory_space<hbm>>
      %dma_start3A_66 = arith.constant 40 : i32
      %dma_start3A_67 = arith.constant 0 : i32
      %dma_start3A_68 = tpu.memref_slice %dma_start3A_65[%dma_start3A_66, %dma_start3A_67] : memref<88x128xi32, #tpu.memory_space<hbm>> -> memref<48x128xi32, #tpu.memory_space<hbm>>
      %dma_start3A_69 = arith.constant 0 : i32
      %dma_start3A_70 = arith.constant 0 : i32
      %dma_start3A_71 = tpu.memref_slice %arg3[%arg1, %dma_start3A_69, %dma_start3A_70] : memref<16x88x128xi32, #tpu.memory_space<hbm>> -> memref<1x88x128xi32, #tpu.memory_space<hbm>>
      %dma_start3A_72 = tpu.memref_squeeze %dma_start3A_71 : memref<1x88x128xi32, #tpu.memory_space<hbm>> -> memref<88x128xi32, #tpu.memory_space<hbm>>
      %dma_start3A_73 = arith.constant 40 : i32
      %dma_start3A_74 = arith.constant 0 : i32
      %dma_start3A_75 = tpu.memref_slice %dma_start3A_72[%dma_start3A_73, %dma_start3A_74] : memref<88x128xi32, #tpu.memory_space<hbm>> -> memref<48x128xi32, #tpu.memory_space<hbm>>
      tpu.enqueue_dma source(%dma_start3A_75 : memref<48x128xi32, #tpu.memory_space<hbm>>) target(%arg7 : memref<48x128xi32, #tpu.memory_space<vmem>>) target_semaphore(%run_scoped3A : memref<!tpu.dma_semaphore, #tpu.memory_space<semaphore_mem>>)
      %dma_wait3A_76 = arith.constant 0 : i32
      %dma_wait3A_77 = arith.constant 0 : i32
      %dma_wait3A_78 = tpu.memref_slice %arg3[%arg1, %dma_wait3A_76, %dma_wait3A_77] : memref<16x88x128xi32, #tpu.memory_space<hbm>> -> memref<1x88x128xi32, #tpu.memory_space<hbm>>
      %dma_wait3A_79 = tpu.memref_squeeze %dma_wait3A_78 : memref<1x88x128xi32, #tpu.memory_space<hbm>> -> memref<88x128xi32, #tpu.memory_space<hbm>>
      %dma_wait3A_80 = arith.constant 40 : i32
      %dma_wait3A_81 = arith.constant 0 : i32
      %dma_wait3A_82 = tpu.memref_slice %dma_wait3A_79[%dma_wait3A_80, %dma_wait3A_81] : memref<88x128xi32, #tpu.memory_space<hbm>> -> memref<48x128xi32, #tpu.memory_space<hbm>>
      %dma_wait3A_83 = arith.constant 0 : i32
      %dma_wait3A_84 = arith.constant 0 : i32
      %dma_wait3A_85 = tpu.memref_slice %arg3[%arg1, %dma_wait3A_83, %dma_wait3A_84] : memref<16x88x128xi32, #tpu.memory_space<hbm>> -> memref<1x88x128xi32, #tpu.memory_space<hbm>>
      %dma_wait3A_86 = tpu.memref_squeeze %dma_wait3A_85 : memref<1x88x128xi32, #tpu.memory_space<hbm>> -> memref<88x128xi32, #tpu.memory_space<hbm>>
      %dma_wait3A_87 = arith.constant 40 : i32
      %dma_wait3A_88 = arith.constant 0 : i32
      %dma_wait3A_89 = tpu.memref_slice %dma_wait3A_86[%dma_wait3A_87, %dma_wait3A_88] : memref<88x128xi32, #tpu.memory_space<hbm>> -> memref<48x128xi32, #tpu.memory_space<hbm>>
      tpu.wait_dma2 semaphore(%run_scoped3A : memref<!tpu.dma_semaphore, #tpu.memory_space<semaphore_mem>>) src(%dma_wait3A_89 : memref<48x128xi32, #tpu.memory_space<hbm>>) dst(%arg7 : memref<48x128xi32, #tpu.memory_space<vmem>>)
      tpu.yield
    }) : () -> ()
    "tpu.region"() ({
      %run_scoped3A = tpu.sem_alloc : memref<!tpu.dma_semaphore, #tpu.memory_space<semaphore_mem>>
      %dma_start3A_62 = arith.constant 0 : i32
      %dma_start3A_63 = arith.constant 0 : i32
      %dma_start3A_64 = tpu.memref_slice %arg4[%arg1, %dma_start3A_62, %dma_start3A_63] : memref<16x80x128xi32, #tpu.memory_space<hbm>> -> memref<1x80x128xi32, #tpu.memory_space<hbm>>
      %dma_start3A_65 = tpu.memref_squeeze %dma_start3A_64 : memref<1x80x128xi32, #tpu.memory_space<hbm>> -> memref<80x128xi32, #tpu.memory_space<hbm>>
      %dma_start3A_66 = arith.constant 40 : i32
      %dma_start3A_67 = arith.constant 0 : i32
      %dma_start3A_68 = tpu.memref_slice %dma_start3A_65[%dma_start3A_66, %dma_start3A_67] : memref<80x128xi32, #tpu.memory_space<hbm>> -> memref<40x128xi32, #tpu.memory_space<hbm>>
      %dma_start3A_69 = arith.constant 0 : i32
      %dma_start3A_70 = arith.constant 0 : i32
      %dma_start3A_71 = tpu.memref_slice %arg4[%arg1, %dma_start3A_69, %dma_start3A_70] : memref<16x80x128xi32, #tpu.memory_space<hbm>> -> memref<1x80x128xi32, #tpu.memory_space<hbm>>
      %dma_start3A_72 = tpu.memref_squeeze %dma_start3A_71 : memref<1x80x128xi32, #tpu.memory_space<hbm>> -> memref<80x128xi32, #tpu.memory_space<hbm>>
      %dma_start3A_73 = arith.constant 40 : i32
      %dma_start3A_74 = arith.constant 0 : i32
      %dma_start3A_75 = tpu.memref_slice %dma_start3A_72[%dma_start3A_73, %dma_start3A_74] : memref<80x128xi32, #tpu.memory_space<hbm>> -> memref<40x128xi32, #tpu.memory_space<hbm>>
      tpu.enqueue_dma source(%dma_start3A_75 : memref<40x128xi32, #tpu.memory_space<hbm>>) target(%arg8 : memref<40x128xi32, #tpu.memory_space<vmem>>) target_semaphore(%run_scoped3A : memref<!tpu.dma_semaphore, #tpu.memory_space<semaphore_mem>>)
      %dma_wait3A_76 = arith.constant 0 : i32
      %dma_wait3A_77 = arith.constant 0 : i32
      %dma_wait3A_78 = tpu.memref_slice %arg4[%arg1, %dma_wait3A_76, %dma_wait3A_77] : memref<16x80x128xi32, #tpu.memory_space<hbm>> -> memref<1x80x128xi32, #tpu.memory_space<hbm>>
      %dma_wait3A_79 = tpu.memref_squeeze %dma_wait3A_78 : memref<1x80x128xi32, #tpu.memory_space<hbm>> -> memref<80x128xi32, #tpu.memory_space<hbm>>
      %dma_wait3A_80 = arith.constant 40 : i32
      %dma_wait3A_81 = arith.constant 0 : i32
      %dma_wait3A_82 = tpu.memref_slice %dma_wait3A_79[%dma_wait3A_80, %dma_wait3A_81] : memref<80x128xi32, #tpu.memory_space<hbm>> -> memref<40x128xi32, #tpu.memory_space<hbm>>
      %dma_wait3A_83 = arith.constant 0 : i32
      %dma_wait3A_84 = arith.constant 0 : i32
      %dma_wait3A_85 = tpu.memref_slice %arg4[%arg1, %dma_wait3A_83, %dma_wait3A_84] : memref<16x80x128xi32, #tpu.memory_space<hbm>> -> memref<1x80x128xi32, #tpu.memory_space<hbm>>
      %dma_wait3A_86 = tpu.memref_squeeze %dma_wait3A_85 : memref<1x80x128xi32, #tpu.memory_space<hbm>> -> memref<80x128xi32, #tpu.memory_space<hbm>>
      %dma_wait3A_87 = arith.constant 40 : i32
      %dma_wait3A_88 = arith.constant 0 : i32
      %dma_wait3A_89 = tpu.memref_slice %dma_wait3A_86[%dma_wait3A_87, %dma_wait3A_88] : memref<80x128xi32, #tpu.memory_space<hbm>> -> memref<40x128xi32, #tpu.memory_space<hbm>>
      tpu.wait_dma2 semaphore(%run_scoped3A : memref<!tpu.dma_semaphore, #tpu.memory_space<semaphore_mem>>) src(%dma_wait3A_89 : memref<40x128xi32, #tpu.memory_space<hbm>>) dst(%arg8 : memref<40x128xi32, #tpu.memory_space<vmem>>)
      tpu.yield
    }) : () -> ()
    %dma_start3A_29 = arith.constant 0 : i32
    %dma_start3A_30 = arith.constant 0 : i32
    %dma_start3A_31 = tpu.memref_slice %arg7[%dma_start3A_29, %dma_start3A_30] : memref<48x128xi32, #tpu.memory_space<vmem>> -> memref<1x128xi32, #tpu.memory_space<vmem>>
    %dma_start3A_32 = tpu.memref_squeeze %dma_start3A_31 : memref<1x128xi32, #tpu.memory_space<vmem>> -> memref<128xi32, #tpu.memory_space<vmem>>
    %dma_start3A_33 = arith.constant 0 : i32
    %dma_start3A_34 = arith.constant 0 : i32
    %dma_start3A_35 = tpu.memref_slice %arg2[%add3A_1, %dma_start3A_33, %dma_start3A_34] : memref<2x10000x128xf32, #tpu.memory_space<hbm>> -> memref<1x10000x128xf32, #tpu.memory_space<hbm>>
    %dma_start3A_36 = tpu.memref_squeeze %dma_start3A_35 : memref<1x10000x128xf32, #tpu.memory_space<hbm>> -> memref<10000x128xf32, #tpu.memory_space<hbm>>
    %dma_start3A_37 = arith.constant 0 : i32
    %dma_start3A_38 = arith.constant 0 : i32
    %dma_start3A_39 = tpu.memref_slice %dma_start3A_36[%dma_start3A_37, %dma_start3A_38] : memref<10000x128xf32, #tpu.memory_space<hbm>> -> memref<10000x128xf32, #tpu.memory_space<hbm>>
    tpu.enqueue_indirect_dma source(%dma_start3A_39 : memref<10000x128xf32, #tpu.memory_space<hbm>>) target(%arg9 : memref<128x128xf32, #tpu.memory_space<vmem>>) offsets(%dma_start3A_32 : memref<128xi32, #tpu.memory_space<vmem>>) semaphore(%arg12 : memref<!tpu.dma_semaphore, #tpu.memory_space<semaphore_mem>>)
    %scan3A_40 = arith.constant 0 : i32
    %scan3A_41 = arith.constant 0 : i32
    %scan3A_42 = arith.constant 20 : i32
    %scan3A_43 = arith.addi %scan3A_41, %scan3A_42 : i32
    %scan3A_44 = arith.constant 1 : i32
    scf.for %scan3A_62 = %scan3A_41 to %scan3A_43 step %scan3A_44  : i32 {
      %mul3A_63 = arith.constant 2 : i32
      %mul3A_64 = arith.muli %mul3A_63, %scan3A_62 : i32
      %add3A_65 = arith.constant 1 : i32
      %add3A_66 = arith.addi %mul3A_64, %add3A_65 : i32
      %dma_start3A_67 = arith.constant 0 : i32
      %dma_start3A_68 = tpu.memref_slice %arg7[%add3A_66, %dma_start3A_67] : memref<48x128xi32, #tpu.memory_space<vmem>> -> memref<1x128xi32, #tpu.memory_space<vmem>>
      %dma_start3A_69 = tpu.memref_squeeze %dma_start3A_68 : memref<1x128xi32, #tpu.memory_space<vmem>> -> memref<128xi32, #tpu.memory_space<vmem>>
      %dma_start3A_70 = arith.constant 0 : i32
      %dma_start3A_71 = arith.constant 0 : i32
      %dma_start3A_72 = tpu.memref_slice %arg2[%add3A_1, %dma_start3A_70, %dma_start3A_71] : memref<2x10000x128xf32, #tpu.memory_space<hbm>> -> memref<1x10000x128xf32, #tpu.memory_space<hbm>>
      %dma_start3A_73 = tpu.memref_squeeze %dma_start3A_72 : memref<1x10000x128xf32, #tpu.memory_space<hbm>> -> memref<10000x128xf32, #tpu.memory_space<hbm>>
      %dma_start3A_74 = arith.constant 0 : i32
      %dma_start3A_75 = arith.constant 0 : i32
      %dma_start3A_76 = tpu.memref_slice %dma_start3A_73[%dma_start3A_74, %dma_start3A_75] : memref<10000x128xf32, #tpu.memory_space<hbm>> -> memref<10000x128xf32, #tpu.memory_space<hbm>>
      tpu.enqueue_indirect_dma source(%dma_start3A_76 : memref<10000x128xf32, #tpu.memory_space<hbm>>) target(%arg10 : memref<128x128xf32, #tpu.memory_space<vmem>>) offsets(%dma_start3A_69 : memref<128xi32, #tpu.memory_space<vmem>>) semaphore(%arg13 : memref<!tpu.dma_semaphore, #tpu.memory_space<semaphore_mem>>)
      %dma_wait3A_77 = arith.constant 0 : i32
      %dma_wait3A_78 = tpu.memref_slice %arg7[%mul3A_64, %dma_wait3A_77] : memref<48x128xi32, #tpu.memory_space<vmem>> -> memref<1x128xi32, #tpu.memory_space<vmem>>
      %dma_wait3A_79 = tpu.memref_squeeze %dma_wait3A_78 : memref<1x128xi32, #tpu.memory_space<vmem>> -> memref<128xi32, #tpu.memory_space<vmem>>
      %dma_wait3A_80 = arith.constant 0 : i32
      %dma_wait3A_81 = arith.constant 0 : i32
      %dma_wait3A_82 = tpu.memref_slice %arg2[%add3A_1, %dma_wait3A_80, %dma_wait3A_81] : memref<2x10000x128xf32, #tpu.memory_space<hbm>> -> memref<1x10000x128xf32, #tpu.memory_space<hbm>>
      %dma_wait3A_83 = tpu.memref_squeeze %dma_wait3A_82 : memref<1x10000x128xf32, #tpu.memory_space<hbm>> -> memref<10000x128xf32, #tpu.memory_space<hbm>>
      %dma_wait3A_84 = arith.constant 0 : i32
      %dma_wait3A_85 = arith.constant 0 : i32
      %dma_wait3A_86 = tpu.memref_slice %dma_wait3A_83[%dma_wait3A_84, %dma_wait3A_85] : memref<10000x128xf32, #tpu.memory_space<hbm>> -> memref<10000x128xf32, #tpu.memory_space<hbm>>
      tpu.wait_indirect_dma semaphore(%arg12 : memref<!tpu.dma_semaphore, #tpu.memory_space<semaphore_mem>>) src(%dma_wait3A_86 : memref<10000x128xf32, #tpu.memory_space<hbm>>) dst(%arg9 : memref<128x128xf32, #tpu.memory_space<vmem>>)
      "tpu.region"() ({
        %run_scoped3A = tpu.sem_alloc : memref<!tpu.dma_semaphore, #tpu.memory_space<semaphore_mem>>
        %dma_start3A_113 = arith.constant 0 : i32
        %dma_start3A_114 = tpu.memref_slice %arg8[%mul3A_64, %dma_start3A_113] : memref<40x128xi32, #tpu.memory_space<vmem>> -> memref<1x128xi32, #tpu.memory_space<vmem>>
        %dma_start3A_115 = tpu.memref_squeeze %dma_start3A_114 : memref<1x128xi32, #tpu.memory_space<vmem>> -> memref<128xi32, #tpu.memory_space<vmem>>
        %dma_start3A_116 = arith.constant 0 : i32
        %dma_start3A_117 = arith.constant 0 : i32
        %dma_start3A_118 = tpu.memref_slice %arg11[%dma_start3A_116, %dma_start3A_117] : memref<10112x128xf32, #tpu.memory_space<vmem_shared>> -> memref<10112x128xf32, #tpu.memory_space<vmem_shared>>
        tpu.enqueue_indirect_dma source(%arg9 : memref<128x128xf32, #tpu.memory_space<vmem>>) target(%dma_start3A_118 : memref<10112x128xf32, #tpu.memory_space<vmem_shared>>) offsets(%dma_start3A_115 : memref<128xi32, #tpu.memory_space<vmem>>) semaphore(%run_scoped3A : memref<!tpu.dma_semaphore, #tpu.memory_space<semaphore_mem>>) {add = true}
        %dma_wait3A_119 = arith.constant 0 : i32
        %dma_wait3A_120 = tpu.memref_slice %arg8[%mul3A_64, %dma_wait3A_119] : memref<40x128xi32, #tpu.memory_space<vmem>> -> memref<1x128xi32, #tpu.memory_space<vmem>>
        %dma_wait3A_121 = tpu.memref_squeeze %dma_wait3A_120 : memref<1x128xi32, #tpu.memory_space<vmem>> -> memref<128xi32, #tpu.memory_space<vmem>>
        %dma_wait3A_122 = arith.constant 0 : i32
        %dma_wait3A_123 = arith.constant 0 : i32
        %dma_wait3A_124 = tpu.memref_slice %arg11[%dma_wait3A_122, %dma_wait3A_123] : memref<10112x128xf32, #tpu.memory_space<vmem_shared>> -> memref<10112x128xf32, #tpu.memory_space<vmem_shared>>
        tpu.wait_indirect_dma semaphore(%run_scoped3A : memref<!tpu.dma_semaphore, #tpu.memory_space<semaphore_mem>>) src(%arg9 : memref<128x128xf32, #tpu.memory_space<vmem>>) dst(%dma_wait3A_124 : memref<10112x128xf32, #tpu.memory_space<vmem_shared>>)
        tpu.yield
      }) : () -> ()
      %add3A_87 = arith.constant 2 : i32
      %add3A_88 = arith.addi %mul3A_64, %add3A_87 : i32
      %dma_start3A_89 = arith.constant 0 : i32
      %dma_start3A_90 = tpu.memref_slice %arg7[%add3A_88, %dma_start3A_89] : memref<48x128xi32, #tpu.memory_space<vmem>> -> memref<1x128xi32, #tpu.memory_space<vmem>>
      %dma_start3A_91 = tpu.memref_squeeze %dma_start3A_90 : memref<1x128xi32, #tpu.memory_space<vmem>> -> memref<128xi32, #tpu.memory_space<vmem>>
      %dma_start3A_92 = arith.constant 0 : i32
      %dma_start3A_93 = arith.constant 0 : i32
      %dma_start3A_94 = tpu.memref_slice %arg2[%add3A_1, %dma_start3A_92, %dma_start3A_93] : memref<2x10000x128xf32, #tpu.memory_space<hbm>> -> memref<1x10000x128xf32, #tpu.memory_space<hbm>>
      %dma_start3A_95 = tpu.memref_squeeze %dma_start3A_94 : memref<1x10000x128xf32, #tpu.memory_space<hbm>> -> memref<10000x128xf32, #tpu.memory_space<hbm>>
      %dma_start3A_96 = arith.constant 0 : i32
      %dma_start3A_97 = arith.constant 0 : i32
      %dma_start3A_98 = tpu.memref_slice %dma_start3A_95[%dma_start3A_96, %dma_start3A_97] : memref<10000x128xf32, #tpu.memory_space<hbm>> -> memref<10000x128xf32, #tpu.memory_space<hbm>>
      tpu.enqueue_indirect_dma source(%dma_start3A_98 : memref<10000x128xf32, #tpu.memory_space<hbm>>) target(%arg9 : memref<128x128xf32, #tpu.memory_space<vmem>>) offsets(%dma_start3A_91 : memref<128xi32, #tpu.memory_space<vmem>>) semaphore(%arg12 : memref<!tpu.dma_semaphore, #tpu.memory_space<semaphore_mem>>)
      %add3A_99 = arith.constant 1 : i32
      %add3A_100 = arith.addi %mul3A_64, %add3A_99 : i32
      %dma_wait3A_101 = arith.constant 0 : i32
      %dma_wait3A_102 = tpu.memref_slice %arg7[%add3A_100, %dma_wait3A_101] : memref<48x128xi32, #tpu.memory_space<vmem>> -> memref<1x128xi32, #tpu.memory_space<vmem>>
      %dma_wait3A_103 = tpu.memref_squeeze %dma_wait3A_102 : memref<1x128xi32, #tpu.memory_space<vmem>> -> memref<128xi32, #tpu.memory_space<vmem>>
      %dma_wait3A_104 = arith.constant 0 : i32
      %dma_wait3A_105 = arith.constant 0 : i32
      %dma_wait3A_106 = tpu.memref_slice %arg2[%add3A_1, %dma_wait3A_104, %dma_wait3A_105] : memref<2x10000x128xf32, #tpu.memory_space<hbm>> -> memref<1x10000x128xf32, #tpu.memory_space<hbm>>
      %dma_wait3A_107 = tpu.memref_squeeze %dma_wait3A_106 : memref<1x10000x128xf32, #tpu.memory_space<hbm>> -> memref<10000x128xf32, #tpu.memory_space<hbm>>
      %dma_wait3A_108 = arith.constant 0 : i32
      %dma_wait3A_109 = arith.constant 0 : i32
      %dma_wait3A_110 = tpu.memref_slice %dma_wait3A_107[%dma_wait3A_108, %dma_wait3A_109] : memref<10000x128xf32, #tpu.memory_space<hbm>> -> memref<10000x128xf32, #tpu.memory_space<hbm>>
      tpu.wait_indirect_dma semaphore(%arg13 : memref<!tpu.dma_semaphore, #tpu.memory_space<semaphore_mem>>) src(%dma_wait3A_110 : memref<10000x128xf32, #tpu.memory_space<hbm>>) dst(%arg10 : memref<128x128xf32, #tpu.memory_space<vmem>>)
      %add3A_111 = arith.constant 1 : i32
      %add3A_112 = arith.addi %mul3A_64, %add3A_111 : i32
      "tpu.region"() ({
        %run_scoped3A = tpu.sem_alloc : memref<!tpu.dma_semaphore, #tpu.memory_space<semaphore_mem>>
        %dma_start3A_113 = arith.constant 0 : i32
        %dma_start3A_114 = tpu.memref_slice %arg8[%add3A_112, %dma_start3A_113] : memref<40x128xi32, #tpu.memory_space<vmem>> -> memref<1x128xi32, #tpu.memory_space<vmem>>
        %dma_start3A_115 = tpu.memref_squeeze %dma_start3A_114 : memref<1x128xi32, #tpu.memory_space<vmem>> -> memref<128xi32, #tpu.memory_space<vmem>>
        %dma_start3A_116 = arith.constant 0 : i32
        %dma_start3A_117 = arith.constant 0 : i32
        %dma_start3A_118 = tpu.memref_slice %arg11[%dma_start3A_116, %dma_start3A_117] : memref<10112x128xf32, #tpu.memory_space<vmem_shared>> -> memref<10112x128xf32, #tpu.memory_space<vmem_shared>>
        tpu.enqueue_indirect_dma source(%arg10 : memref<128x128xf32, #tpu.memory_space<vmem>>) target(%dma_start3A_118 : memref<10112x128xf32, #tpu.memory_space<vmem_shared>>) offsets(%dma_start3A_115 : memref<128xi32, #tpu.memory_space<vmem>>) semaphore(%run_scoped3A : memref<!tpu.dma_semaphore, #tpu.memory_space<semaphore_mem>>) {add = true}
        %dma_wait3A_119 = arith.constant 0 : i32
        %dma_wait3A_120 = tpu.memref_slice %arg8[%add3A_112, %dma_wait3A_119] : memref<40x128xi32, #tpu.memory_space<vmem>> -> memref<1x128xi32, #tpu.memory_space<vmem>>
        %dma_wait3A_121 = tpu.memref_squeeze %dma_wait3A_120 : memref<1x128xi32, #tpu.memory_space<vmem>> -> memref<128xi32, #tpu.memory_space<vmem>>
        %dma_wait3A_122 = arith.constant 0 : i32
        %dma_wait3A_123 = arith.constant 0 : i32
        %dma_wait3A_124 = tpu.memref_slice %arg11[%dma_wait3A_122, %dma_wait3A_123] : memref<10112x128xf32, #tpu.memory_space<vmem_shared>> -> memref<10112x128xf32, #tpu.memory_space<vmem_shared>>
        tpu.wait_indirect_dma semaphore(%run_scoped3A : memref<!tpu.dma_semaphore, #tpu.memory_space<semaphore_mem>>) src(%arg10 : memref<128x128xf32, #tpu.memory_space<vmem>>) dst(%dma_wait3A_124 : memref<10112x128xf32, #tpu.memory_space<vmem_shared>>)
        tpu.yield
      }) : () -> ()
    }
    %scan3A_45 = arith.constant 20 : i32
    %dma_wait3A_46 = arith.constant 40 : i32
    %dma_wait3A_47 = arith.constant 0 : i32
    %dma_wait3A_48 = tpu.memref_slice %arg7[%dma_wait3A_46, %dma_wait3A_47] : memref<48x128xi32, #tpu.memory_space<vmem>> -> memref<1x128xi32, #tpu.memory_space<vmem>>
    %dma_wait3A_49 = tpu.memref_squeeze %dma_wait3A_48 : memref<1x128xi32, #tpu.memory_space<vmem>> -> memref<128xi32, #tpu.memory_space<vmem>>
    %dma_wait3A_50 = arith.constant 0 : i32
    %dma_wait3A_51 = arith.constant 0 : i32
    %dma_wait3A_52 = tpu.memref_slice %arg2[%add3A_1, %dma_wait3A_50, %dma_wait3A_51] : memref<2x10000x128xf32, #tpu.memory_space<hbm>> -> memref<1x10000x128xf32, #tpu.memory_space<hbm>>
    %dma_wait3A_53 = tpu.memref_squeeze %dma_wait3A_52 : memref<1x10000x128xf32, #tpu.memory_space<hbm>> -> memref<10000x128xf32, #tpu.memory_space<hbm>>
    %dma_wait3A_54 = arith.constant 0 : i32
    %dma_wait3A_55 = arith.constant 0 : i32
    %dma_wait3A_56 = tpu.memref_slice %dma_wait3A_53[%dma_wait3A_54, %dma_wait3A_55] : memref<10000x128xf32, #tpu.memory_space<hbm>> -> memref<10000x128xf32, #tpu.memory_space<hbm>>
    tpu.wait_indirect_dma semaphore(%arg12 : memref<!tpu.dma_semaphore, #tpu.memory_space<semaphore_mem>>) src(%dma_wait3A_56 : memref<10000x128xf32, #tpu.memory_space<hbm>>) dst(%arg9 : memref<128x128xf32, #tpu.memory_space<vmem>>)
    %barrier3A_57 = arith.constant 0 : index
    tpu.barrier barrier_id(%barrier3A_57)
    %mul3A_58 = arith.constant 632 : i32
    %mul3A_59 = arith.muli %arg1, %mul3A_58 : i32
    %mul3A_60 = arith.constant 632 : i32
    %mul3A_61 = arith.muli %arg1, %mul3A_60 : i32
    "tpu.region"() ({
      %run_scoped3A = tpu.sem_alloc : memref<!tpu.dma_semaphore, #tpu.memory_space<semaphore_mem>>
      %dma_start3A_62 = arith.constant 0 : i32
      %dma_start3A_63 = arith.constant 0 : i32
      %dma_start3A_64 = tpu.memref_slice %arg6[%add3A_1, %dma_start3A_62, %dma_start3A_63] : memref<2x10112x128xf32, #tpu.memory_space<hbm>> -> memref<1x10112x128xf32, #tpu.memory_space<hbm>>
      %dma_start3A_65 = tpu.memref_squeeze %dma_start3A_64 : memref<1x10112x128xf32, #tpu.memory_space<hbm>> -> memref<10112x128xf32, #tpu.memory_space<hbm>>
      %dma_start3A_66 = arith.constant 0 : i32
      %dma_start3A_67 = tpu.memref_slice %dma_start3A_65[%mul3A_61, %dma_start3A_66] : memref<10112x128xf32, #tpu.memory_space<hbm>> -> memref<632x128xf32, #tpu.memory_space<hbm>>
      %dma_start3A_68 = arith.constant 0 : i32
      %dma_start3A_69 = tpu.memref_slice %arg11[%mul3A_59, %dma_start3A_68] : memref<10112x128xf32, #tpu.memory_space<vmem_shared>> -> memref<632x128xf32, #tpu.memory_space<vmem_shared>>
      tpu.enqueue_dma source(%dma_start3A_69 : memref<632x128xf32, #tpu.memory_space<vmem_shared>>) target(%dma_start3A_67 : memref<632x128xf32, #tpu.memory_space<hbm>>) target_semaphore(%run_scoped3A : memref<!tpu.dma_semaphore, #tpu.memory_space<semaphore_mem>>)
      %dma_wait3A_70 = arith.constant 0 : i32
      %dma_wait3A_71 = arith.constant 0 : i32
      %dma_wait3A_72 = tpu.memref_slice %arg6[%add3A_1, %dma_wait3A_70, %dma_wait3A_71] : memref<2x10112x128xf32, #tpu.memory_space<hbm>> -> memref<1x10112x128xf32, #tpu.memory_space<hbm>>
      %dma_wait3A_73 = tpu.memref_squeeze %dma_wait3A_72 : memref<1x10112x128xf32, #tpu.memory_space<hbm>> -> memref<10112x128xf32, #tpu.memory_space<hbm>>
      %dma_wait3A_74 = arith.constant 0 : i32
      %dma_wait3A_75 = tpu.memref_slice %dma_wait3A_73[%mul3A_61, %dma_wait3A_74] : memref<10112x128xf32, #tpu.memory_space<hbm>> -> memref<632x128xf32, #tpu.memory_space<hbm>>
      %dma_wait3A_76 = arith.constant 0 : i32
      %dma_wait3A_77 = tpu.memref_slice %arg11[%mul3A_59, %dma_wait3A_76] : memref<10112x128xf32, #tpu.memory_space<vmem_shared>> -> memref<632x128xf32, #tpu.memory_space<vmem_shared>>
      tpu.wait_dma2 semaphore(%run_scoped3A : memref<!tpu.dma_semaphore, #tpu.memory_space<semaphore_mem>>) src(%dma_wait3A_77 : memref<632x128xf32, #tpu.memory_space<vmem_shared>>) dst(%dma_wait3A_75 : memref<632x128xf32, #tpu.memory_space<hbm>>)
      tpu.yield
    }) : () -> ()
    return
  }
}

module attributes {stable_mosaic.version = 14 : i64} {
  func.func @_dinv_body(%arg0: memref<2x10240xf32, #tpu.memory_space<vmem>>, %arg1: memref<10240x8xf32, #tpu.memory_space<vmem>>) attributes {dimension_semantics = [], scalar_prefetch = 0 : i64, scratch_operands = 0 : i64, tpu.core_type = #tpu.core_type<tc>} {
    %get3A = arith.constant 0 : index
    %get3A_0 = arith.constant 0 : index
    %get3A_1 = vector.load %arg0[%get3A, %get3A_0] : memref<2x10240xf32, #tpu.memory_space<vmem>>, vector<2x10240xf32>
    %broadcast_in_dim3A = arith.constant 1.000000e+00 : f32
    %broadcast_in_dim3A_2 = vector.broadcast %broadcast_in_dim3A : f32 to vector<2x1xf32>
    %dot_general3A = arith.constant dense<0.000000e+00> : vector<10240x1xf32>
    %dot_general3A_3 = tpu.matmul %get3A_1, %broadcast_in_dim3A_2, %dot_general3A {dimension_numbers = #tpu.dot_dimension_numbers<[0], [0], [1], [1], [0, 1, 1, 1], [], []>, precision = #tpu.contract_precision<fp32>, transpose_lhs_hint = false} : vector<2x10240xf32>, vector<2x1xf32>, vector<10240x1xf32> -> vector<10240x1xf32>
    %add3A = arith.constant 1.000000e+00 : f32
    %add3A_4 = vector.broadcast %add3A : f32 to vector<10240x1xf32>
    %add3A_5 = arith.addf %dot_general3A_3, %add3A_4 : vector<10240x1xf32>
    %rsqrt3A = math.rsqrt %add3A_5 : vector<10240x1xf32>
    %broadcast_in_dim3A_6 = vector.shape_cast %rsqrt3A : vector<10240x1xf32> to vector<10240x1xf32>
    %broadcast_in_dim3A_7 = vector.broadcast %broadcast_in_dim3A_6 : vector<10240x1xf32> to vector<10240x8xf32>
    %swap3A = arith.constant 0 : index
    %swap3A_8 = arith.constant 0 : index
    %swap3A_9 = vector.load %arg1[%swap3A, %swap3A_8] : memref<10240x8xf32, #tpu.memory_space<vmem>>, vector<10240x8xf32>
    tpu.vector_store %arg1[%swap3A, %swap3A_8], %broadcast_in_dim3A_7 {strides = array<i32>} : memref<10240x8xf32, #tpu.memory_space<vmem>>, vector<10240x8xf32>,
    return
  }
}

module attributes {stable_mosaic.version = 14 : i64} {
  func.func @_scale_x_body(%arg0: i32, %arg1: memref<400x256xf32, #tpu.memory_space<vmem>>, %arg2: memref<400x8xf32, #tpu.memory_space<vmem>>, %arg3: memref<2x400x128xf32, #tpu.memory_space<vmem>>) attributes {dimension_semantics = [#tpu.dimension_semantics<arbitrary>], iteration_bounds = array<i64: 25>, scalar_prefetch = 0 : i64, scratch_operands = 0 : i64, tpu.core_type = #tpu.core_type<tc>, window_params = [{transform_indices = @transform_0, window_bounds = array<i64: 400, 256>}, {transform_indices = @transform_1, window_bounds = array<i64: 400, 8>}, {transform_indices = @transform_2, window_bounds = array<i64: 2, 400, 128>}]} {
    %get3A = arith.constant 0 : index
    %get3A_0 = arith.constant 0 : index
    %get3A_1 = vector.load %arg1[%get3A, %get3A_0] : memref<400x256xf32, #tpu.memory_space<vmem>>, vector<400x256xf32>
    %convert_element_type3A = arith.truncf %get3A_1 : vector<400x256xf32> to vector<400x256xbf16>
    %convert_element_type3A_2 = arith.extf %convert_element_type3A : vector<400x256xbf16> to vector<400x256xf32>
    %get3A_3 = arith.constant 0 : index
    %get3A_4 = arith.constant 0 : index
    %get3A_5 = vector.load %arg2[%get3A_3, %get3A_4] : memref<400x8xf32, #tpu.memory_space<vmem>>, vector<400x1xf32>
    %mul3A = vector.broadcast %get3A_5 : vector<400x1xf32> to vector<400x256xf32>
    %mul3A_6 = arith.mulf %convert_element_type3A_2, %mul3A : vector<400x256xf32>
    %slice3A = vector.extract_strided_slice %mul3A_6 {offsets = [0, 0], sizes = [400, 128], strides = [1, 1]} : vector<400x256xf32> to vector<400x128xf32>
    %slice3A_7 = vector.extract_strided_slice %mul3A_6 {offsets = [0, 128], sizes = [400, 128], strides = [1, 1]} : vector<400x256xf32> to vector<400x128xf32>
    %stack3A = vector.shape_cast %slice3A : vector<400x128xf32> to vector<1x400x128xf32>
    %stack3A_8 = vector.shape_cast %slice3A_7 : vector<400x128xf32> to vector<1x400x128xf32>
    %stack3A_9 = tpu.concatenate %stack3A, %stack3A_8 in 0 : vector<1x400x128xf32>, vector<1x400x128xf32> -> vector<2x400x128xf32>
    %swap3A = arith.constant 0 : index
    %swap3A_10 = arith.constant 0 : index
    %swap3A_11 = arith.constant 0 : index
    %swap3A_12 = vector.load %arg3[%swap3A, %swap3A_10, %swap3A_11] : memref<2x400x128xf32, #tpu.memory_space<vmem>>, vector<2x400x128xf32>
    tpu.vector_store %arg3[%swap3A, %swap3A_10, %swap3A_11], %stack3A_9 {strides = array<i32>} : memref<2x400x128xf32, #tpu.memory_space<vmem>>, vector<2x400x128xf32>,
    return
  }
  func.func @transform_0(%arg0: i32) -> (i32, i32) {
    %c0_i32 = arith.constant 0 : i32
    %c0_i32_0 = arith.constant 0 : i32
    return %arg0, %c0_i32 : i32, i32
  }
  func.func @transform_1(%arg0: i32) -> (i32, i32) {
    %c0_i32 = arith.constant 0 : i32
    %c0_i32_0 = arith.constant 0 : i32
    return %arg0, %c0_i32 : i32, i32
  }
  func.func @transform_2(%arg0: i32) -> (i32, i32, i32) {
    %c0_i32 = arith.constant 0 : i32
    %c0_i32_0 = arith.constant 0 : i32
    %c0_i32_1 = arith.constant 0 : i32
    return %c0_i32, %arg0, %c0_i32_0 : i32, i32, i32
  }
}

module attributes {stable_mosaic.version = 14 : i64} {
  func.func @_l1_body(%arg0: i32, %arg1: memref<2x400x128xf32, #tpu.memory_space<vmem>>, %arg2: memref<2x400x128xf32, #tpu.memory_space<vmem>>, %arg3: memref<400x8xf32, #tpu.memory_space<vmem>>, %arg4: memref<256x512xf32, #tpu.memory_space<vmem>>, %arg5: memref<1x512xf32, #tpu.memory_space<vmem>>, %arg6: memref<400x512xf32, #tpu.memory_space<vmem>>, %arg7: memref<8x512xf32, #tpu.memory_space<vmem>>, %arg8: memref<8x512xf32, #tpu.memory_space<vmem>>, %arg9: memref<8x512xf32, #tpu.memory_space<vmem>>, %arg10: memref<8x512xf32, #tpu.memory_space<vmem>>) attributes {dimension_semantics = [#tpu.dimension_semantics<arbitrary>], iteration_bounds = array<i64: 25>, scalar_prefetch = 0 : i64, scratch_operands = 2 : i64, tpu.core_type = #tpu.core_type<tc>, window_params = [{transform_indices = @transform_0, window_bounds = array<i64: 2, 400, 128>}, {transform_indices = @transform_1, window_bounds = array<i64: 2, 400, 128>}, {transform_indices = @transform_2, window_bounds = array<i64: 400, 8>}, {pipeline_mode = #tpu.pipeline_mode<synchronous>, transform_indices = @transform_3, window_bounds = array<i64: 256, 512>}, {pipeline_mode = #tpu.pipeline_mode<synchronous>, transform_indices = @transform_4, window_bounds = array<i64: 1, 512>}, {transform_indices = @transform_5, window_bounds = array<i64: 400, 512>}, {pipeline_mode = #tpu.pipeline_mode<synchronous>, transform_indices = @transform_6, window_bounds = array<i64: 8, 512>}, {pipeline_mode = #tpu.pipeline_mode<synchronous>, transform_indices = @transform_7, window_bounds = array<i64: 8, 512>}]} {
    %get3A = arith.constant 0 : index
    %get3A_0 = arith.constant 0 : index
    %get3A_1 = arith.constant 0 : index
    %get3A_2 = vector.load %arg1[%get3A, %get3A_0, %get3A_1] : memref<2x400x128xf32, #tpu.memory_space<vmem>>, vector<1x400x128xf32>
    %get3A_3 = vector.shape_cast %get3A_2 : vector<1x400x128xf32> to vector<400x128xf32>
    %get3A_4 = arith.constant 1 : index
    %get3A_5 = arith.constant 0 : index
    %get3A_6 = arith.constant 0 : index
    %get3A_7 = vector.load %arg1[%get3A_4, %get3A_5, %get3A_6] : memref<2x400x128xf32, #tpu.memory_space<vmem>>, vector<1x400x128xf32>
    %get3A_8 = vector.shape_cast %get3A_7 : vector<1x400x128xf32> to vector<400x128xf32>
    %concatenate3A = tpu.concatenate %get3A_3, %get3A_8 in 1 : vector<400x128xf32>, vector<400x128xf32> -> vector<400x256xf32>
    %get3A_9 = arith.constant 0 : index
    %get3A_10 = arith.constant 0 : index
    %get3A_11 = arith.constant 0 : index
    %get3A_12 = vector.load %arg2[%get3A_9, %get3A_10, %get3A_11] : memref<2x400x128xf32, #tpu.memory_space<vmem>>, vector<1x400x128xf32>
    %get3A_13 = vector.shape_cast %get3A_12 : vector<1x400x128xf32> to vector<400x128xf32>
    %get3A_14 = arith.constant 1 : index
    %get3A_15 = arith.constant 0 : index
    %get3A_16 = arith.constant 0 : index
    %get3A_17 = vector.load %arg2[%get3A_14, %get3A_15, %get3A_16] : memref<2x400x128xf32, #tpu.memory_space<vmem>>, vector<1x400x128xf32>
    %get3A_18 = vector.shape_cast %get3A_17 : vector<1x400x128xf32> to vector<400x128xf32>
    %concatenate3A_19 = tpu.concatenate %get3A_13, %get3A_18 in 1 : vector<400x128xf32>, vector<400x128xf32> -> vector<400x256xf32>
    %get3A_20 = arith.constant 0 : index
    %get3A_21 = arith.constant 0 : index
    %get3A_22 = vector.load %arg3[%get3A_20, %get3A_21] : memref<400x8xf32, #tpu.memory_space<vmem>>, vector<400x1xf32>
    %add3A = arith.addf %concatenate3A, %concatenate3A_19 : vector<400x256xf32>
    %mul3A = vector.broadcast %get3A_22 : vector<400x1xf32> to vector<400x256xf32>
    %mul3A_23 = arith.mulf %mul3A, %add3A : vector<400x256xf32>
    %get3A_24 = arith.constant 0 : index
    %get3A_25 = arith.constant 0 : index
    %get3A_26 = vector.load %arg4[%get3A_24, %get3A_25] : memref<256x512xf32, #tpu.memory_space<vmem>>, vector<256x512xf32>
    %convert_element_type3A = arith.truncf %get3A_26 : vector<256x512xf32> to vector<256x512xbf16>
    %convert_element_type3A_27 = arith.extf %convert_element_type3A : vector<256x512xbf16> to vector<256x512xf32>
    %dot_general3A = arith.constant dense<0.000000e+00> : vector<400x512xf32>
    %dot_general3A_28 = tpu.matmul %mul3A_23, %convert_element_type3A_27, %dot_general3A {dimension_numbers = #tpu.dot_dimension_numbers<[1], [0], [0], [1], [0, 0, 1, 1], [], []>, precision = #tpu.contract_precision<fp32>, transpose_lhs_hint = false} : vector<400x256xf32>, vector<256x512xf32>, vector<400x512xf32> -> vector<400x512xf32>
    %get3A_29 = arith.constant 0 : index
    %get3A_30 = arith.constant 0 : index
    %get3A_31 = vector.load %arg5[%get3A_29, %get3A_30] : memref<1x512xf32, #tpu.memory_space<vmem>>, vector<1x512xf32>
    %add3A_32 = vector.broadcast %get3A_31 : vector<1x512xf32> to vector<400x512xf32>
    %add3A_33 = arith.addf %dot_general3A_28, %add3A_32 : vector<400x512xf32>
    %swap3A = arith.constant 0 : index
    %swap3A_34 = arith.constant 0 : index
    %swap3A_35 = vector.load %arg6[%swap3A, %swap3A_34] : memref<400x512xf32, #tpu.memory_space<vmem>>, vector<400x512xf32>
    tpu.vector_store %arg6[%swap3A, %swap3A_34], %add3A_33 {strides = array<i32>} : memref<400x512xf32, #tpu.memory_space<vmem>>, vector<400x512xf32>,
    %reshape3A = vector.shape_cast %add3A_33 : vector<400x512xf32> to vector<50x8x512xf32>
    %reduce_sum3A = arith.constant dense<0.000000e+00> : vector<8x512xf32>
    %reduce_sum3A_36 = vector.multi_reduction <add>, %reshape3A, %reduce_sum3A [0] : vector<50x8x512xf32> to vector<8x512xf32>
    %mul3A_37 = arith.mulf %add3A_33, %add3A_33 : vector<400x512xf32>
    %reshape3A_38 = vector.shape_cast %mul3A_37 : vector<400x512xf32> to vector<50x8x512xf32>
    %reduce_sum3A_39 = arith.constant dense<0.000000e+00> : vector<8x512xf32>
    %reduce_sum3A_40 = vector.multi_reduction <add>, %reshape3A_38, %reduce_sum3A_39 [0] : vector<50x8x512xf32> to vector<8x512xf32>
    %eq3A = arith.constant 0 : i32
    %eq3A_41 = arith.cmpi eq, %arg0, %eq3A : i32
    %convert_element_type3A_42 = arith.extui %eq3A_41 : i1 to i32
    %cond3A = arith.constant 0 : i32
    %cond3A_43 = arith.cmpi ne, %convert_element_type3A_42, %cond3A : i32
    scf.if %cond3A_43 {
      %swap3A_53 = arith.constant 0 : index
      %swap3A_54 = arith.constant 0 : index
      %swap3A_55 = vector.load %arg9[%swap3A_53, %swap3A_54] : memref<8x512xf32, #tpu.memory_space<vmem>>, vector<8x512xf32>
      tpu.vector_store %arg9[%swap3A_53, %swap3A_54], %reduce_sum3A_36 {strides = array<i32>} : memref<8x512xf32, #tpu.memory_space<vmem>>, vector<8x512xf32>,
      %swap3A_56 = arith.constant 0 : index
      %swap3A_57 = arith.constant 0 : index
      %swap3A_58 = vector.load %arg10[%swap3A_56, %swap3A_57] : memref<8x512xf32, #tpu.memory_space<vmem>>, vector<8x512xf32>
      tpu.vector_store %arg10[%swap3A_56, %swap3A_57], %reduce_sum3A_40 {strides = array<i32>} : memref<8x512xf32, #tpu.memory_space<vmem>>, vector<8x512xf32>,
    } else {
    }
    %gt3A = arith.constant 0 : i32
    %gt3A_44 = arith.cmpi sgt, %arg0, %gt3A : i32
    %convert_element_type3A_45 = arith.extui %gt3A_44 : i1 to i32
    %cond3A_46 = arith.constant 0 : i32
    %cond3A_47 = arith.cmpi ne, %convert_element_type3A_45, %cond3A_46 : i32
    scf.if %cond3A_47 {
      %get3A_53 = arith.constant 0 : index
      %get3A_54 = arith.constant 0 : index
      %get3A_55 = vector.load %arg9[%get3A_53, %get3A_54] : memref<8x512xf32, #tpu.memory_space<vmem>>, vector<8x512xf32>
      %add3A_56 = arith.addf %get3A_55, %reduce_sum3A_36 : vector<8x512xf32>
      %swap3A_57 = arith.constant 0 : index
      %swap3A_58 = arith.constant 0 : index
      %swap3A_59 = vector.load %arg9[%swap3A_57, %swap3A_58] : memref<8x512xf32, #tpu.memory_space<vmem>>, vector<8x512xf32>
      tpu.vector_store %arg9[%swap3A_57, %swap3A_58], %add3A_56 {strides = array<i32>} : memref<8x512xf32, #tpu.memory_space<vmem>>, vector<8x512xf32>,
      %get3A_60 = arith.constant 0 : index
      %get3A_61 = arith.constant 0 : index
      %get3A_62 = vector.load %arg10[%get3A_60, %get3A_61] : memref<8x512xf32, #tpu.memory_space<vmem>>, vector<8x512xf32>
      %add3A_63 = arith.addf %get3A_62, %reduce_sum3A_40 : vector<8x512xf32>
      %swap3A_64 = arith.constant 0 : index
      %swap3A_65 = arith.constant 0 : index
      %swap3A_66 = vector.load %arg10[%swap3A_64, %swap3A_65] : memref<8x512xf32, #tpu.memory_space<vmem>>, vector<8x512xf32>
      tpu.vector_store %arg10[%swap3A_64, %swap3A_65], %add3A_63 {strides = array<i32>} : memref<8x512xf32, #tpu.memory_space<vmem>>, vector<8x512xf32>,
    } else {
    }
    %eq3A_48 = arith.constant 24 : i32
    %eq3A_49 = arith.cmpi eq, %arg0, %eq3A_48 : i32
    %convert_element_type3A_50 = arith.extui %eq3A_49 : i1 to i32
    %cond3A_51 = arith.constant 0 : i32
    %cond3A_52 = arith.cmpi ne, %convert_element_type3A_50, %cond3A_51 : i32
    scf.if %cond3A_52 {
      %get3A_53 = arith.constant 0 : index
      %get3A_54 = arith.constant 0 : index
      %get3A_55 = vector.load %arg9[%get3A_53, %get3A_54] : memref<8x512xf32, #tpu.memory_space<vmem>>, vector<8x512xf32>
      %reduce_sum3A_56 = arith.constant dense<0.000000e+00> : vector<512xf32>
      %reduce_sum3A_57 = vector.multi_reduction <add>, %get3A_55, %reduce_sum3A_56 [0] : vector<8x512xf32> to vector<512xf32>
      %broadcast_in_dim3A = vector.shape_cast %reduce_sum3A_57 : vector<512xf32> to vector<1x512xf32>
      %div3A = arith.constant 1.000000e+04 : f32
      %div3A_58 = vector.broadcast %div3A : f32 to vector<1x512xf32>
      %div3A_59 = arith.divf %broadcast_in_dim3A, %div3A_58 : vector<1x512xf32>
      %get3A_60 = arith.constant 0 : index
      %get3A_61 = arith.constant 0 : index
      %get3A_62 = vector.load %arg10[%get3A_60, %get3A_61] : memref<8x512xf32, #tpu.memory_space<vmem>>, vector<8x512xf32>
      %reduce_sum3A_63 = arith.constant dense<0.000000e+00> : vector<512xf32>
      %reduce_sum3A_64 = vector.multi_reduction <add>, %get3A_62, %reduce_sum3A_63 [0] : vector<8x512xf32> to vector<512xf32>
      %broadcast_in_dim3A_65 = vector.shape_cast %reduce_sum3A_64 : vector<512xf32> to vector<1x512xf32>
      %div3A_66 = arith.constant 1.000000e+04 : f32
      %div3A_67 = vector.broadcast %div3A_66 : f32 to vector<1x512xf32>
      %div3A_68 = arith.divf %broadcast_in_dim3A_65, %div3A_67 : vector<1x512xf32>
      %broadcast_in_dim3A_69 = vector.shape_cast %div3A_59 : vector<1x512xf32> to vector<1x512xf32>
      %broadcast_in_dim3A_70 = vector.broadcast %broadcast_in_dim3A_69 : vector<1x512xf32> to vector<8x512xf32>
      %swap3A_71 = arith.constant 0 : index
      %swap3A_72 = arith.constant 0 : index
      %swap3A_73 = vector.load %arg7[%swap3A_71, %swap3A_72] : memref<8x512xf32, #tpu.memory_space<vmem>>, vector<8x512xf32>
      tpu.vector_store %arg7[%swap3A_71, %swap3A_72], %broadcast_in_dim3A_70 {strides = array<i32>} : memref<8x512xf32, #tpu.memory_space<vmem>>, vector<8x512xf32>,
      %mul3A_74 = arith.mulf %div3A_59, %div3A_59 : vector<1x512xf32>
      %sub3A = arith.subf %div3A_68, %mul3A_74 : vector<1x512xf32>
      %broadcast_in_dim3A_75 = vector.shape_cast %sub3A : vector<1x512xf32> to vector<1x512xf32>
      %broadcast_in_dim3A_76 = vector.broadcast %broadcast_in_dim3A_75 : vector<1x512xf32> to vector<8x512xf32>
      %swap3A_77 = arith.constant 0 : index
      %swap3A_78 = arith.constant 0 : index
      %swap3A_79 = vector.load %arg8[%swap3A_77, %swap3A_78] : memref<8x512xf32, #tpu.memory_space<vmem>>, vector<8x512xf32>
      tpu.vector_store %arg8[%swap3A_77, %swap3A_78], %broadcast_in_dim3A_76 {strides = array<i32>} : memref<8x512xf32, #tpu.memory_space<vmem>>, vector<8x512xf32>,
    } else {
    }
    return
  }
  func.func @transform_0(%arg0: i32) -> (i32, i32, i32) {
    %c0_i32 = arith.constant 0 : i32
    %c0_i32_0 = arith.constant 0 : i32
    %c0_i32_1 = arith.constant 0 : i32
    return %c0_i32, %arg0, %c0_i32_0 : i32, i32, i32
  }
  func.func @transform_1(%arg0: i32) -> (i32, i32, i32) {
    %c0_i32 = arith.constant 0 : i32
    %c0_i32_0 = arith.constant 0 : i32
    %c0_i32_1 = arith.constant 0 : i32
    return %c0_i32, %arg0, %c0_i32_0 : i32, i32, i32
  }
  func.func @transform_2(%arg0: i32) -> (i32, i32) {
    %c0_i32 = arith.constant 0 : i32
    %c0_i32_0 = arith.constant 0 : i32
    return %arg0, %c0_i32 : i32, i32
  }
  func.func @transform_3(%arg0: i32) -> (i32, i32) {
    %c0_i32 = arith.constant 0 : i32
    %c0_i32_0 = arith.constant 0 : i32
    %c0_i32_1 = arith.constant 0 : i32
    return %c0_i32, %c0_i32_0 : i32, i32
  }
  func.func @transform_4(%arg0: i32) -> (i32, i32) {
    %c0_i32 = arith.constant 0 : i32
    %c0_i32_0 = arith.constant 0 : i32
    %c0_i32_1 = arith.constant 0 : i32
    return %c0_i32, %c0_i32_0 : i32, i32
  }
  func.func @transform_5(%arg0: i32) -> (i32, i32) {
    %c0_i32 = arith.constant 0 : i32
    %c0_i32_0 = arith.constant 0 : i32
    return %arg0, %c0_i32 : i32, i32
  }
  func.func @transform_6(%arg0: i32) -> (i32, i32) {
    %c0_i32 = arith.constant 0 : i32
    %c0_i32_0 = arith.constant 0 : i32
    %c0_i32_1 = arith.constant 0 : i32
    return %c0_i32, %c0_i32_0 : i32, i32
  }
  func.func @transform_7(%arg0: i32) -> (i32, i32) {
    %c0_i32 = arith.constant 0 : i32
    %c0_i32_0 = arith.constant 0 : i32
    %c0_i32_1 = arith.constant 0 : i32
    return %c0_i32, %c0_i32_0 : i32, i32
  }
}

module attributes {stable_mosaic.version = 14 : i64} {
  func.func @_l2in_body(%arg0: i32, %arg1: memref<400x512xf32, #tpu.memory_space<vmem>>, %arg2: memref<8x512xf32, #tpu.memory_space<vmem>>, %arg3: memref<8x512xf32, #tpu.memory_space<vmem>>, %arg4: memref<1x512xf32, #tpu.memory_space<vmem>>, %arg5: memref<1x512xf32, #tpu.memory_space<vmem>>, %arg6: memref<400x8xf32, #tpu.memory_space<vmem>>, %arg7: memref<512x512xf32, #tpu.memory_space<vmem>>, %arg8: memref<4x400x128xf32, #tpu.memory_space<vmem>>) attributes {dimension_semantics = [#tpu.dimension_semantics<arbitrary>], iteration_bounds = array<i64: 25>, scalar_prefetch = 0 : i64, scratch_operands = 0 : i64, tpu.core_type = #tpu.core_type<tc>, window_params = [{transform_indices = @transform_0, window_bounds = array<i64: 400, 512>}, {pipeline_mode = #tpu.pipeline_mode<synchronous>, transform_indices = @transform_1, window_bounds = array<i64: 8, 512>}, {pipeline_mode = #tpu.pipeline_mode<synchronous>, transform_indices = @transform_2, window_bounds = array<i64: 8, 512>}, {pipeline_mode = #tpu.pipeline_mode<synchronous>, transform_indices = @transform_3, window_bounds = array<i64: 1, 512>}, {pipeline_mode = #tpu.pipeline_mode<synchronous>, transform_indices = @transform_4, window_bounds = array<i64: 1, 512>}, {transform_indices = @transform_5, window_bounds = array<i64: 400, 8>}, {pipeline_mode = #tpu.pipeline_mode<synchronous>, transform_indices = @transform_6, window_bounds = array<i64: 512, 512>}, {transform_indices = @transform_7, window_bounds = array<i64: 4, 400, 128>}]} {
    %get3A = arith.constant 0 : index
    %get3A_0 = arith.constant 0 : index
    %get3A_1 = vector.load %arg2[%get3A, %get3A_0] : memref<8x512xf32, #tpu.memory_space<vmem>>, vector<1x512xf32>
    %get3A_2 = arith.constant 0 : index
    %get3A_3 = arith.constant 0 : index
    %get3A_4 = vector.load %arg3[%get3A_2, %get3A_3] : memref<8x512xf32, #tpu.memory_space<vmem>>, vector<1x512xf32>
    %get3A_5 = arith.constant 0 : index
    %get3A_6 = arith.constant 0 : index
    %get3A_7 = vector.load %arg1[%get3A_5, %get3A_6] : memref<400x512xf32, #tpu.memory_space<vmem>>, vector<400x512xf32>
    %sub3A = vector.broadcast %get3A_1 : vector<1x512xf32> to vector<400x512xf32>
    %sub3A_8 = arith.subf %get3A_7, %sub3A : vector<400x512xf32>
    %add3A = arith.constant 9.99999974E-6 : f32
    %add3A_9 = vector.broadcast %add3A : f32 to vector<1x512xf32>
    %add3A_10 = arith.addf %get3A_4, %add3A_9 : vector<1x512xf32>
    %rsqrt3A = math.rsqrt %add3A_10 : vector<1x512xf32>
    %mul3A = vector.broadcast %rsqrt3A : vector<1x512xf32> to vector<400x512xf32>
    %mul3A_11 = arith.mulf %sub3A_8, %mul3A : vector<400x512xf32>
    %get3A_12 = arith.constant 0 : index
    %get3A_13 = arith.constant 0 : index
    %get3A_14 = vector.load %arg4[%get3A_12, %get3A_13] : memref<1x512xf32, #tpu.memory_space<vmem>>, vector<1x512xf32>
    %mul3A_15 = vector.broadcast %get3A_14 : vector<1x512xf32> to vector<400x512xf32>
    %mul3A_16 = arith.mulf %mul3A_11, %mul3A_15 : vector<400x512xf32>
    %get3A_17 = arith.constant 0 : index
    %get3A_18 = arith.constant 0 : index
    %get3A_19 = vector.load %arg5[%get3A_17, %get3A_18] : memref<1x512xf32, #tpu.memory_space<vmem>>, vector<1x512xf32>
    %add3A_20 = vector.broadcast %get3A_19 : vector<1x512xf32> to vector<400x512xf32>
    %add3A_21 = arith.addf %mul3A_16, %add3A_20 : vector<400x512xf32>
    %max3A = arith.constant 0.000000e+00 : f32
    %max3A_22 = vector.broadcast %max3A : f32 to vector<400x512xf32>
    %max3A_23 = arith.maximumf %add3A_21, %max3A_22 : vector<400x512xf32>
    %convert_element_type3A = arith.truncf %max3A_23 : vector<400x512xf32> to vector<400x512xbf16>
    %convert_element_type3A_24 = arith.extf %convert_element_type3A : vector<400x512xbf16> to vector<400x512xf32>
    %get3A_25 = arith.constant 0 : index
    %get3A_26 = arith.constant 0 : index
    %get3A_27 = vector.load %arg7[%get3A_25, %get3A_26] : memref<512x512xf32, #tpu.memory_space<vmem>>, vector<512x512xf32>
    %convert_element_type3A_28 = arith.truncf %get3A_27 : vector<512x512xf32> to vector<512x512xbf16>
    %convert_element_type3A_29 = arith.extf %convert_element_type3A_28 : vector<512x512xbf16> to vector<512x512xf32>
    %dot_general3A = arith.constant dense<0.000000e+00> : vector<400x512xf32>
    %dot_general3A_30 = tpu.matmul %convert_element_type3A_24, %convert_element_type3A_29, %dot_general3A {dimension_numbers = #tpu.dot_dimension_numbers<[1], [0], [0], [1], [0, 0, 1, 1], [], []>, precision = #tpu.contract_precision<fp32>, transpose_lhs_hint = false} : vector<400x512xf32>, vector<512x512xf32>, vector<400x512xf32> -> vector<400x512xf32>
    %get3A_31 = arith.constant 0 : index
    %get3A_32 = arith.constant 0 : index
    %get3A_33 = vector.load %arg6[%get3A_31, %get3A_32] : memref<400x8xf32, #tpu.memory_space<vmem>>, vector<400x1xf32>
    %mul3A_34 = vector.broadcast %get3A_33 : vector<400x1xf32> to vector<400x512xf32>
    %mul3A_35 = arith.mulf %mul3A_34, %dot_general3A_30 : vector<400x512xf32>
    %slice3A = vector.extract_strided_slice %mul3A_35 {offsets = [0, 0], sizes = [400, 128], strides = [1, 1]} : vector<400x512xf32> to vector<400x128xf32>
    %slice3A_36 = vector.extract_strided_slice %mul3A_35 {offsets = [0, 128], sizes = [400, 128], strides = [1, 1]} : vector<400x512xf32> to vector<400x128xf32>
    %slice3A_37 = vector.extract_strided_slice %mul3A_35 {offsets = [0, 256], sizes = [400, 128], strides = [1, 1]} : vector<400x512xf32> to vector<400x128xf32>
    %slice3A_38 = vector.extract_strided_slice %mul3A_35 {offsets = [0, 384], sizes = [400, 128], strides = [1, 1]} : vector<400x512xf32> to vector<400x128xf32>
    %stack3A = vector.shape_cast %slice3A : vector<400x128xf32> to vector<1x400x128xf32>
    %stack3A_39 = vector.shape_cast %slice3A_36 : vector<400x128xf32> to vector<1x400x128xf32>
    %stack3A_40 = vector.shape_cast %slice3A_37 : vector<400x128xf32> to vector<1x400x128xf32>
    %stack3A_41 = vector.shape_cast %slice3A_38 : vector<400x128xf32> to vector<1x400x128xf32>
    %stack3A_42 = tpu.concatenate %stack3A, %stack3A_39, %stack3A_40, %stack3A_41 in 0 : vector<1x400x128xf32>, vector<1x400x128xf32>, vector<1x400x128xf32>, vector<1x400x128xf32> -> vector<4x400x128xf32>
    %swap3A = arith.constant 0 : index
    %swap3A_43 = arith.constant 0 : index
    %swap3A_44 = arith.constant 0 : index
    %swap3A_45 = vector.load %arg8[%swap3A, %swap3A_43, %swap3A_44] : memref<4x400x128xf32, #tpu.memory_space<vmem>>, vector<4x400x128xf32>
    tpu.vector_store %arg8[%swap3A, %swap3A_43, %swap3A_44], %stack3A_42 {strides = array<i32>} : memref<4x400x128xf32, #tpu.memory_space<vmem>>, vector<4x400x128xf32>,
    return
  }
  func.func @transform_0(%arg0: i32) -> (i32, i32) {
    %c0_i32 = arith.constant 0 : i32
    %c0_i32_0 = arith.constant 0 : i32
    return %arg0, %c0_i32 : i32, i32
  }
  func.func @transform_1(%arg0: i32) -> (i32, i32) {
    %c0_i32 = arith.constant 0 : i32
    %c0_i32_0 = arith.constant 0 : i32
    %c0_i32_1 = arith.constant 0 : i32
    return %c0_i32, %c0_i32_0 : i32, i32
  }
  func.func @transform_2(%arg0: i32) -> (i32, i32) {
    %c0_i32 = arith.constant 0 : i32
    %c0_i32_0 = arith.constant 0 : i32
    %c0_i32_1 = arith.constant 0 : i32
    return %c0_i32, %c0_i32_0 : i32, i32
  }
  func.func @transform_3(%arg0: i32) -> (i32, i32) {
    %c0_i32 = arith.constant 0 : i32
    %c0_i32_0 = arith.constant 0 : i32
    %c0_i32_1 = arith.constant 0 : i32
    return %c0_i32, %c0_i32_0 : i32, i32
  }
  func.func @transform_4(%arg0: i32) -> (i32, i32) {
    %c0_i32 = arith.constant 0 : i32
    %c0_i32_0 = arith.constant 0 : i32
    %c0_i32_1 = arith.constant 0 : i32
    return %c0_i32, %c0_i32_0 : i32, i32
  }
  func.func @transform_5(%arg0: i32) -> (i32, i32) {
    %c0_i32 = arith.constant 0 : i32
    %c0_i32_0 = arith.constant 0 : i32
    return %arg0, %c0_i32 : i32, i32
  }
  func.func @transform_6(%arg0: i32) -> (i32, i32) {
    %c0_i32 = arith.constant 0 : i32
    %c0_i32_0 = arith.constant 0 : i32
    %c0_i32_1 = arith.constant 0 : i32
    return %c0_i32, %c0_i32_0 : i32, i32
  }
  func.func @transform_7(%arg0: i32) -> (i32, i32, i32) {
    %c0_i32 = arith.constant 0 : i32
    %c0_i32_0 = arith.constant 0 : i32
    %c0_i32_1 = arith.constant 0 : i32
    return %c0_i32, %arg0, %c0_i32_0 : i32, i32, i32
  }
}

module attributes {stable_mosaic.version = 14 : i64} {
  func.func @_l2out_body(%arg0: i32, %arg1: memref<4x400x128xf32, #tpu.memory_space<vmem>>, %arg2: memref<4x400x128xf32, #tpu.memory_space<vmem>>, %arg3: memref<400x8xf32, #tpu.memory_space<vmem>>, %arg4: memref<1x512xf32, #tpu.memory_space<vmem>>, %arg5: memref<400x512xf32, #tpu.memory_space<vmem>>, %arg6: memref<8x512xf32, #tpu.memory_space<vmem>>, %arg7: memref<8x512xf32, #tpu.memory_space<vmem>>, %arg8: memref<8x512xf32, #tpu.memory_space<vmem>>, %arg9: memref<8x512xf32, #tpu.memory_space<vmem>>) attributes {dimension_semantics = [#tpu.dimension_semantics<arbitrary>], iteration_bounds = array<i64: 25>, scalar_prefetch = 0 : i64, scratch_operands = 2 : i64, tpu.core_type = #tpu.core_type<tc>, window_params = [{transform_indices = @transform_0, window_bounds = array<i64: 4, 400, 128>}, {transform_indices = @transform_1, window_bounds = array<i64: 4, 400, 128>}, {transform_indices = @transform_2, window_bounds = array<i64: 400, 8>}, {pipeline_mode = #tpu.pipeline_mode<synchronous>, transform_indices = @transform_3, window_bounds = array<i64: 1, 512>}, {transform_indices = @transform_4, window_bounds = array<i64: 400, 512>}, {pipeline_mode = #tpu.pipeline_mode<synchronous>, transform_indices = @transform_5, window_bounds = array<i64: 8, 512>}, {pipeline_mode = #tpu.pipeline_mode<synchronous>, transform_indices = @transform_6, window_bounds = array<i64: 8, 512>}]} {
    %get3A = arith.constant 0 : index
    %get3A_0 = arith.constant 0 : index
    %get3A_1 = arith.constant 0 : index
    %get3A_2 = vector.load %arg1[%get3A, %get3A_0, %get3A_1] : memref<4x400x128xf32, #tpu.memory_space<vmem>>, vector<1x400x128xf32>
    %get3A_3 = vector.shape_cast %get3A_2 : vector<1x400x128xf32> to vector<400x128xf32>
    %get3A_4 = arith.constant 1 : index
    %get3A_5 = arith.constant 0 : index
    %get3A_6 = arith.constant 0 : index
    %get3A_7 = vector.load %arg1[%get3A_4, %get3A_5, %get3A_6] : memref<4x400x128xf32, #tpu.memory_space<vmem>>, vector<1x400x128xf32>
    %get3A_8 = vector.shape_cast %get3A_7 : vector<1x400x128xf32> to vector<400x128xf32>
    %get3A_9 = arith.constant 2 : index
    %get3A_10 = arith.constant 0 : index
    %get3A_11 = arith.constant 0 : index
    %get3A_12 = vector.load %arg1[%get3A_9, %get3A_10, %get3A_11] : memref<4x400x128xf32, #tpu.memory_space<vmem>>, vector<1x400x128xf32>
    %get3A_13 = vector.shape_cast %get3A_12 : vector<1x400x128xf32> to vector<400x128xf32>
    %get3A_14 = arith.constant 3 : index
    %get3A_15 = arith.constant 0 : index
    %get3A_16 = arith.constant 0 : index
    %get3A_17 = vector.load %arg1[%get3A_14, %get3A_15, %get3A_16] : memref<4x400x128xf32, #tpu.memory_space<vmem>>, vector<1x400x128xf32>
    %get3A_18 = vector.shape_cast %get3A_17 : vector<1x400x128xf32> to vector<400x128xf32>
    %concatenate3A = tpu.concatenate %get3A_3, %get3A_8, %get3A_13, %get3A_18 in 1 : vector<400x128xf32>, vector<400x128xf32>, vector<400x128xf32>, vector<400x128xf32> -> vector<400x512xf32>
    %get3A_19 = arith.constant 0 : index
    %get3A_20 = arith.constant 0 : index
    %get3A_21 = arith.constant 0 : index
    %get3A_22 = vector.load %arg2[%get3A_19, %get3A_20, %get3A_21] : memref<4x400x128xf32, #tpu.memory_space<vmem>>, vector<1x400x128xf32>
    %get3A_23 = vector.shape_cast %get3A_22 : vector<1x400x128xf32> to vector<400x128xf32>
    %get3A_24 = arith.constant 1 : index
    %get3A_25 = arith.constant 0 : index
    %get3A_26 = arith.constant 0 : index
    %get3A_27 = vector.load %arg2[%get3A_24, %get3A_25, %get3A_26] : memref<4x400x128xf32, #tpu.memory_space<vmem>>, vector<1x400x128xf32>
    %get3A_28 = vector.shape_cast %get3A_27 : vector<1x400x128xf32> to vector<400x128xf32>
    %get3A_29 = arith.constant 2 : index
    %get3A_30 = arith.constant 0 : index
    %get3A_31 = arith.constant 0 : index
    %get3A_32 = vector.load %arg2[%get3A_29, %get3A_30, %get3A_31] : memref<4x400x128xf32, #tpu.memory_space<vmem>>, vector<1x400x128xf32>
    %get3A_33 = vector.shape_cast %get3A_32 : vector<1x400x128xf32> to vector<400x128xf32>
    %get3A_34 = arith.constant 3 : index
    %get3A_35 = arith.constant 0 : index
    %get3A_36 = arith.constant 0 : index
    %get3A_37 = vector.load %arg2[%get3A_34, %get3A_35, %get3A_36] : memref<4x400x128xf32, #tpu.memory_space<vmem>>, vector<1x400x128xf32>
    %get3A_38 = vector.shape_cast %get3A_37 : vector<1x400x128xf32> to vector<400x128xf32>
    %concatenate3A_39 = tpu.concatenate %get3A_23, %get3A_28, %get3A_33, %get3A_38 in 1 : vector<400x128xf32>, vector<400x128xf32>, vector<400x128xf32>, vector<400x128xf32> -> vector<400x512xf32>
    %get3A_40 = arith.constant 0 : index
    %get3A_41 = arith.constant 0 : index
    %get3A_42 = vector.load %arg3[%get3A_40, %get3A_41] : memref<400x8xf32, #tpu.memory_space<vmem>>, vector<400x1xf32>
    %add3A = arith.addf %concatenate3A, %concatenate3A_39 : vector<400x512xf32>
    %mul3A = vector.broadcast %get3A_42 : vector<400x1xf32> to vector<400x512xf32>
    %mul3A_43 = arith.mulf %mul3A, %add3A : vector<400x512xf32>
    %get3A_44 = arith.constant 0 : index
    %get3A_45 = arith.constant 0 : index
    %get3A_46 = vector.load %arg4[%get3A_44, %get3A_45] : memref<1x512xf32, #tpu.memory_space<vmem>>, vector<1x512xf32>
    %add3A_47 = vector.broadcast %get3A_46 : vector<1x512xf32> to vector<400x512xf32>
    %add3A_48 = arith.addf %mul3A_43, %add3A_47 : vector<400x512xf32>
    %swap3A = arith.constant 0 : index
    %swap3A_49 = arith.constant 0 : index
    %swap3A_50 = vector.load %arg5[%swap3A, %swap3A_49] : memref<400x512xf32, #tpu.memory_space<vmem>>, vector<400x512xf32>
    tpu.vector_store %arg5[%swap3A, %swap3A_49], %add3A_48 {strides = array<i32>} : memref<400x512xf32, #tpu.memory_space<vmem>>, vector<400x512xf32>,
    %reshape3A = vector.shape_cast %add3A_48 : vector<400x512xf32> to vector<50x8x512xf32>
    %reduce_sum3A = arith.constant dense<0.000000e+00> : vector<8x512xf32>
    %reduce_sum3A_51 = vector.multi_reduction <add>, %reshape3A, %reduce_sum3A [0] : vector<50x8x512xf32> to vector<8x512xf32>
    %mul3A_52 = arith.mulf %add3A_48, %add3A_48 : vector<400x512xf32>
    %reshape3A_53 = vector.shape_cast %mul3A_52 : vector<400x512xf32> to vector<50x8x512xf32>
    %reduce_sum3A_54 = arith.constant dense<0.000000e+00> : vector<8x512xf32>
    %reduce_sum3A_55 = vector.multi_reduction <add>, %reshape3A_53, %reduce_sum3A_54 [0] : vector<50x8x512xf32> to vector<8x512xf32>
    %eq3A = arith.constant 0 : i32
    %eq3A_56 = arith.cmpi eq, %arg0, %eq3A : i32
    %convert_element_type3A = arith.extui %eq3A_56 : i1 to i32
    %cond3A = arith.constant 0 : i32
    %cond3A_57 = arith.cmpi ne, %convert_element_type3A, %cond3A : i32
    scf.if %cond3A_57 {
      %swap3A_67 = arith.constant 0 : index
      %swap3A_68 = arith.constant 0 : index
      %swap3A_69 = vector.load %arg8[%swap3A_67, %swap3A_68] : memref<8x512xf32, #tpu.memory_space<vmem>>, vector<8x512xf32>
      tpu.vector_store %arg8[%swap3A_67, %swap3A_68], %reduce_sum3A_51 {strides = array<i32>} : memref<8x512xf32, #tpu.memory_space<vmem>>, vector<8x512xf32>,
      %swap3A_70 = arith.constant 0 : index
      %swap3A_71 = arith.constant 0 : index
      %swap3A_72 = vector.load %arg9[%swap3A_70, %swap3A_71] : memref<8x512xf32, #tpu.memory_space<vmem>>, vector<8x512xf32>
      tpu.vector_store %arg9[%swap3A_70, %swap3A_71], %reduce_sum3A_55 {strides = array<i32>} : memref<8x512xf32, #tpu.memory_space<vmem>>, vector<8x512xf32>,
    } else {
    }
    %gt3A = arith.constant 0 : i32
    %gt3A_58 = arith.cmpi sgt, %arg0, %gt3A : i32
    %convert_element_type3A_59 = arith.extui %gt3A_58 : i1 to i32
    %cond3A_60 = arith.constant 0 : i32
    %cond3A_61 = arith.cmpi ne, %convert_element_type3A_59, %cond3A_60 : i32
    scf.if %cond3A_61 {
      %get3A_67 = arith.constant 0 : index
      %get3A_68 = arith.constant 0 : index
      %get3A_69 = vector.load %arg8[%get3A_67, %get3A_68] : memref<8x512xf32, #tpu.memory_space<vmem>>, vector<8x512xf32>
      %add3A_70 = arith.addf %get3A_69, %reduce_sum3A_51 : vector<8x512xf32>
      %swap3A_71 = arith.constant 0 : index
      %swap3A_72 = arith.constant 0 : index
      %swap3A_73 = vector.load %arg8[%swap3A_71, %swap3A_72] : memref<8x512xf32, #tpu.memory_space<vmem>>, vector<8x512xf32>
      tpu.vector_store %arg8[%swap3A_71, %swap3A_72], %add3A_70 {strides = array<i32>} : memref<8x512xf32, #tpu.memory_space<vmem>>, vector<8x512xf32>,
      %get3A_74 = arith.constant 0 : index
      %get3A_75 = arith.constant 0 : index
      %get3A_76 = vector.load %arg9[%get3A_74, %get3A_75] : memref<8x512xf32, #tpu.memory_space<vmem>>, vector<8x512xf32>
      %add3A_77 = arith.addf %get3A_76, %reduce_sum3A_55 : vector<8x512xf32>
      %swap3A_78 = arith.constant 0 : index
      %swap3A_79 = arith.constant 0 : index
      %swap3A_80 = vector.load %arg9[%swap3A_78, %swap3A_79] : memref<8x512xf32, #tpu.memory_space<vmem>>, vector<8x512xf32>
      tpu.vector_store %arg9[%swap3A_78, %swap3A_79], %add3A_77 {strides = array<i32>} : memref<8x512xf32, #tpu.memory_space<vmem>>, vector<8x512xf32>,
    } else {
    }
    %eq3A_62 = arith.constant 24 : i32
    %eq3A_63 = arith.cmpi eq, %arg0, %eq3A_62 : i32
    %convert_element_type3A_64 = arith.extui %eq3A_63 : i1 to i32
    %cond3A_65 = arith.constant 0 : i32
    %cond3A_66 = arith.cmpi ne, %convert_element_type3A_64, %cond3A_65 : i32
    scf.if %cond3A_66 {
      %get3A_67 = arith.constant 0 : index
      %get3A_68 = arith.constant 0 : index
      %get3A_69 = vector.load %arg8[%get3A_67, %get3A_68] : memref<8x512xf32, #tpu.memory_space<vmem>>, vector<8x512xf32>
      %reduce_sum3A_70 = arith.constant dense<0.000000e+00> : vector<512xf32>
      %reduce_sum3A_71 = vector.multi_reduction <add>, %get3A_69, %reduce_sum3A_70 [0] : vector<8x512xf32> to vector<512xf32>
      %broadcast_in_dim3A = vector.shape_cast %reduce_sum3A_71 : vector<512xf32> to vector<1x512xf32>
      %div3A = arith.constant 1.000000e+04 : f32
      %div3A_72 = vector.broadcast %div3A : f32 to vector<1x512xf32>
      %div3A_73 = arith.divf %broadcast_in_dim3A, %div3A_72 : vector<1x512xf32>
      %get3A_74 = arith.constant 0 : index
      %get3A_75 = arith.constant 0 : index
      %get3A_76 = vector.load %arg9[%get3A_74, %get3A_75] : memref<8x512xf32, #tpu.memory_space<vmem>>, vector<8x512xf32>
      %reduce_sum3A_77 = arith.constant dense<0.000000e+00> : vector<512xf32>
      %reduce_sum3A_78 = vector.multi_reduction <add>, %get3A_76, %reduce_sum3A_77 [0] : vector<8x512xf32> to vector<512xf32>
      %broadcast_in_dim3A_79 = vector.shape_cast %reduce_sum3A_78 : vector<512xf32> to vector<1x512xf32>
      %div3A_80 = arith.constant 1.000000e+04 : f32
      %div3A_81 = vector.broadcast %div3A_80 : f32 to vector<1x512xf32>
      %div3A_82 = arith.divf %broadcast_in_dim3A_79, %div3A_81 : vector<1x512xf32>
      %broadcast_in_dim3A_83 = vector.shape_cast %div3A_73 : vector<1x512xf32> to vector<1x512xf32>
      %broadcast_in_dim3A_84 = vector.broadcast %broadcast_in_dim3A_83 : vector<1x512xf32> to vector<8x512xf32>
      %swap3A_85 = arith.constant 0 : index
      %swap3A_86 = arith.constant 0 : index
      %swap3A_87 = vector.load %arg6[%swap3A_85, %swap3A_86] : memref<8x512xf32, #tpu.memory_space<vmem>>, vector<8x512xf32>
      tpu.vector_store %arg6[%swap3A_85, %swap3A_86], %broadcast_in_dim3A_84 {strides = array<i32>} : memref<8x512xf32, #tpu.memory_space<vmem>>, vector<8x512xf32>,
      %mul3A_88 = arith.mulf %div3A_73, %div3A_73 : vector<1x512xf32>
      %sub3A = arith.subf %div3A_82, %mul3A_88 : vector<1x512xf32>
      %broadcast_in_dim3A_89 = vector.shape_cast %sub3A : vector<1x512xf32> to vector<1x512xf32>
      %broadcast_in_dim3A_90 = vector.broadcast %broadcast_in_dim3A_89 : vector<1x512xf32> to vector<8x512xf32>
      %swap3A_91 = arith.constant 0 : index
      %swap3A_92 = arith.constant 0 : index
      %swap3A_93 = vector.load %arg7[%swap3A_91, %swap3A_92] : memref<8x512xf32, #tpu.memory_space<vmem>>, vector<8x512xf32>
      tpu.vector_store %arg7[%swap3A_91, %swap3A_92], %broadcast_in_dim3A_90 {strides = array<i32>} : memref<8x512xf32, #tpu.memory_space<vmem>>, vector<8x512xf32>,
    } else {
    }
    return
  }
  func.func @transform_0(%arg0: i32) -> (i32, i32, i32) {
    %c0_i32 = arith.constant 0 : i32
    %c0_i32_0 = arith.constant 0 : i32
    %c0_i32_1 = arith.constant 0 : i32
    return %c0_i32, %arg0, %c0_i32_0 : i32, i32, i32
  }
  func.func @transform_1(%arg0: i32) -> (i32, i32, i32) {
    %c0_i32 = arith.constant 0 : i32
    %c0_i32_0 = arith.constant 0 : i32
    %c0_i32_1 = arith.constant 0 : i32
    return %c0_i32, %arg0, %c0_i32_0 : i32, i32, i32
  }
  func.func @transform_2(%arg0: i32) -> (i32, i32) {
    %c0_i32 = arith.constant 0 : i32
    %c0_i32_0 = arith.constant 0 : i32
    return %arg0, %c0_i32 : i32, i32
  }
  func.func @transform_3(%arg0: i32) -> (i32, i32) {
    %c0_i32 = arith.constant 0 : i32
    %c0_i32_0 = arith.constant 0 : i32
    %c0_i32_1 = arith.constant 0 : i32
    return %c0_i32, %c0_i32_0 : i32, i32
  }
  func.func @transform_4(%arg0: i32) -> (i32, i32) {
    %c0_i32 = arith.constant 0 : i32
    %c0_i32_0 = arith.constant 0 : i32
    return %arg0, %c0_i32 : i32, i32
  }
  func.func @transform_5(%arg0: i32) -> (i32, i32) {
    %c0_i32 = arith.constant 0 : i32
    %c0_i32_0 = arith.constant 0 : i32
    %c0_i32_1 = arith.constant 0 : i32
    return %c0_i32, %c0_i32_0 : i32, i32
  }
  func.func @transform_6(%arg0: i32) -> (i32, i32) {
    %c0_i32 = arith.constant 0 : i32
    %c0_i32_0 = arith.constant 0 : i32
    %c0_i32_1 = arith.constant 0 : i32
    return %c0_i32, %c0_i32_0 : i32, i32
  }
}

module attributes {stable_mosaic.version = 14 : i64} {
  func.func @_head_body(%arg0: i32, %arg1: memref<400x512xf32, #tpu.memory_space<vmem>>, %arg2: memref<8x512xf32, #tpu.memory_space<vmem>>, %arg3: memref<8x512xf32, #tpu.memory_space<vmem>>, %arg4: memref<1x512xf32, #tpu.memory_space<vmem>>, %arg5: memref<1x512xf32, #tpu.memory_space<vmem>>, %arg6: memref<1x1x400xi32, #tpu.memory_space<vmem>>, %arg7: memref<512x256xf32, #tpu.memory_space<vmem>>, %arg8: memref<1x256xf32, #tpu.memory_space<vmem>>, %arg9: memref<256x1xf32, #tpu.memory_space<vmem>>, %arg10: memref<1x1xf32, #tpu.memory_space<vmem>>, %arg11: memref<64x8xf32, #tpu.memory_space<vmem>>, %arg12: memref<64x512xf32, #tpu.memory_space<vmem>>, %arg13: memref<64x128xf32, #tpu.memory_space<vmem>>) attributes {dimension_semantics = [#tpu.dimension_semantics<arbitrary>], iteration_bounds = array<i64: 25>, scalar_prefetch = 0 : i64, scratch_operands = 2 : i64, tpu.core_type = #tpu.core_type<tc>, window_params = [{transform_indices = @transform_0, window_bounds = array<i64: 400, 512>}, {pipeline_mode = #tpu.pipeline_mode<synchronous>, transform_indices = @transform_1, window_bounds = array<i64: 8, 512>}, {pipeline_mode = #tpu.pipeline_mode<synchronous>, transform_indices = @transform_2, window_bounds = array<i64: 8, 512>}, {pipeline_mode = #tpu.pipeline_mode<synchronous>, transform_indices = @transform_3, window_bounds = array<i64: 1, 512>}, {pipeline_mode = #tpu.pipeline_mode<synchronous>, transform_indices = @transform_4, window_bounds = array<i64: 1, 512>}, {transform_indices = @transform_5, window_bounds = array<i64: 1, 1, 400>}, {pipeline_mode = #tpu.pipeline_mode<synchronous>, transform_indices = @transform_6, window_bounds = array<i64: 512, 256>}, {pipeline_mode = #tpu.pipeline_mode<synchronous>, transform_indices = @transform_7, window_bounds = array<i64: 1, 256>}, {pipeline_mode = #tpu.pipeline_mode<synchronous>, transform_indices = @transform_8, window_bounds = array<i64: 256, 1>}, {pipeline_mode = #tpu.pipeline_mode<synchronous>, transform_indices = @transform_9, window_bounds = array<i64: 1, 1>}, {pipeline_mode = #tpu.pipeline_mode<synchronous>, transform_indices = @transform_10, window_bounds = array<i64: 64, 8>}]} {
    %get3A = arith.constant 0 : index
    %get3A_0 = arith.constant 0 : index
    %get3A_1 = vector.load %arg2[%get3A, %get3A_0] : memref<8x512xf32, #tpu.memory_space<vmem>>, vector<1x512xf32>
    %get3A_2 = arith.constant 0 : index
    %get3A_3 = arith.constant 0 : index
    %get3A_4 = vector.load %arg3[%get3A_2, %get3A_3] : memref<8x512xf32, #tpu.memory_space<vmem>>, vector<1x512xf32>
    %get3A_5 = arith.constant 0 : index
    %get3A_6 = arith.constant 0 : index
    %get3A_7 = vector.load %arg1[%get3A_5, %get3A_6] : memref<400x512xf32, #tpu.memory_space<vmem>>, vector<400x512xf32>
    %sub3A = vector.broadcast %get3A_1 : vector<1x512xf32> to vector<400x512xf32>
    %sub3A_8 = arith.subf %get3A_7, %sub3A : vector<400x512xf32>
    %add3A = arith.constant 9.99999974E-6 : f32
    %add3A_9 = vector.broadcast %add3A : f32 to vector<1x512xf32>
    %add3A_10 = arith.addf %get3A_4, %add3A_9 : vector<1x512xf32>
    %rsqrt3A = math.rsqrt %add3A_10 : vector<1x512xf32>
    %mul3A = vector.broadcast %rsqrt3A : vector<1x512xf32> to vector<400x512xf32>
    %mul3A_11 = arith.mulf %sub3A_8, %mul3A : vector<400x512xf32>
    %get3A_12 = arith.constant 0 : index
    %get3A_13 = arith.constant 0 : index
    %get3A_14 = vector.load %arg4[%get3A_12, %get3A_13] : memref<1x512xf32, #tpu.memory_space<vmem>>, vector<1x512xf32>
    %mul3A_15 = vector.broadcast %get3A_14 : vector<1x512xf32> to vector<400x512xf32>
    %mul3A_16 = arith.mulf %mul3A_11, %mul3A_15 : vector<400x512xf32>
    %get3A_17 = arith.constant 0 : index
    %get3A_18 = arith.constant 0 : index
    %get3A_19 = vector.load %arg5[%get3A_17, %get3A_18] : memref<1x512xf32, #tpu.memory_space<vmem>>, vector<1x512xf32>
    %add3A_20 = vector.broadcast %get3A_19 : vector<1x512xf32> to vector<400x512xf32>
    %add3A_21 = arith.addf %mul3A_16, %add3A_20 : vector<400x512xf32>
    %max3A = arith.constant 0.000000e+00 : f32
    %max3A_22 = vector.broadcast %max3A : f32 to vector<400x512xf32>
    %max3A_23 = arith.maximumf %add3A_21, %max3A_22 : vector<400x512xf32>
    %get3A_24 = arith.constant 0 : index
    %get3A_25 = arith.constant 0 : index
    %get3A_26 = arith.constant 0 : index
    %get3A_27 = vector.load %arg6[%get3A_24, %get3A_25, %get3A_26] : memref<1x1x400xi32, #tpu.memory_space<vmem>>, vector<1x1x400xi32>
    %get3A_28 = vector.shape_cast %get3A_27 : vector<1x1x400xi32> to vector<400xi32>
    %iota3A = tpu.iota {dimensions = array<i32: 0>} : vector<64x400xi32>
    %broadcast_in_dim3A = vector.shape_cast %get3A_28 : vector<400xi32> to vector<1x400xi32>
    %eq3A = vector.broadcast %broadcast_in_dim3A : vector<1x400xi32> to vector<64x400xi32>
    %eq3A_29 = arith.cmpi eq, %eq3A, %iota3A : vector<64x400xi32>
    %convert_element_type3A = arith.extui %eq3A_29 : vector<64x400xi1> to vector<64x400xi32>
    %convert_element_type3A_30 = arith.sitofp %convert_element_type3A : vector<64x400xi32> to vector<64x400xf32>
    %dot_general3A = arith.constant dense<0.000000e+00> : vector<64x512xf32>
    %dot_general3A_31 = tpu.matmul %convert_element_type3A_30, %max3A_23, %dot_general3A {dimension_numbers = #tpu.dot_dimension_numbers<[1], [0], [0], [1], [0, 0, 1, 1], [], []>, precision = #tpu.contract_precision<fp32>, transpose_lhs_hint = false} : vector<64x400xf32>, vector<400x512xf32>, vector<64x512xf32> -> vector<64x512xf32>
    %reduce_sum3A = arith.constant dense<0.000000e+00> : vector<64xf32>
    %reduce_sum3A_32 = vector.multi_reduction <add>, %convert_element_type3A_30, %reduce_sum3A [1] : vector<64x400xf32> to vector<64xf32>
    %broadcast_in_dim3A_33 = vector.shape_cast %reduce_sum3A_32 : vector<64xf32> to vector<64x1xf32>
    %eq3A_34 = arith.constant 0 : i32
    %eq3A_35 = arith.cmpi eq, %arg0, %eq3A_34 : i32
    %convert_element_type3A_36 = arith.extui %eq3A_35 : i1 to i32
    %cond3A = arith.constant 0 : i32
    %cond3A_37 = arith.cmpi ne, %convert_element_type3A_36, %cond3A : i32
    scf.if %cond3A_37 {
      %swap3A = arith.constant 0 : index
      %swap3A_47 = arith.constant 0 : index
      %swap3A_48 = vector.load %arg12[%swap3A, %swap3A_47] : memref<64x512xf32, #tpu.memory_space<vmem>>, vector<64x512xf32>
      tpu.vector_store %arg12[%swap3A, %swap3A_47], %dot_general3A_31 {strides = array<i32>} : memref<64x512xf32, #tpu.memory_space<vmem>>, vector<64x512xf32>,
      %broadcast_in_dim3A_49 = vector.shape_cast %broadcast_in_dim3A_33 : vector<64x1xf32> to vector<64x1xf32>
      %broadcast_in_dim3A_50 = vector.broadcast %broadcast_in_dim3A_49 : vector<64x1xf32> to vector<64x128xf32>
      %swap3A_51 = arith.constant 0 : index
      %swap3A_52 = arith.constant 0 : index
      %swap3A_53 = vector.load %arg13[%swap3A_51, %swap3A_52] : memref<64x128xf32, #tpu.memory_space<vmem>>, vector<64x128xf32>
      tpu.vector_store %arg13[%swap3A_51, %swap3A_52], %broadcast_in_dim3A_50 {strides = array<i32>} : memref<64x128xf32, #tpu.memory_space<vmem>>, vector<64x128xf32>,
    } else {
    }
    %gt3A = arith.constant 0 : i32
    %gt3A_38 = arith.cmpi sgt, %arg0, %gt3A : i32
    %convert_element_type3A_39 = arith.extui %gt3A_38 : i1 to i32
    %cond3A_40 = arith.constant 0 : i32
    %cond3A_41 = arith.cmpi ne, %convert_element_type3A_39, %cond3A_40 : i32
    scf.if %cond3A_41 {
      %get3A_47 = arith.constant 0 : index
      %get3A_48 = arith.constant 0 : index
      %get3A_49 = vector.load %arg12[%get3A_47, %get3A_48] : memref<64x512xf32, #tpu.memory_space<vmem>>, vector<64x512xf32>
      %add3A_50 = arith.addf %get3A_49, %dot_general3A_31 : vector<64x512xf32>
      %swap3A = arith.constant 0 : index
      %swap3A_51 = arith.constant 0 : index
      %swap3A_52 = vector.load %arg12[%swap3A, %swap3A_51] : memref<64x512xf32, #tpu.memory_space<vmem>>, vector<64x512xf32>
      tpu.vector_store %arg12[%swap3A, %swap3A_51], %add3A_50 {strides = array<i32>} : memref<64x512xf32, #tpu.memory_space<vmem>>, vector<64x512xf32>,
      %get3A_53 = arith.constant 0 : index
      %get3A_54 = arith.constant 0 : index
      %get3A_55 = vector.load %arg13[%get3A_53, %get3A_54] : memref<64x128xf32, #tpu.memory_space<vmem>>, vector<64x128xf32>
      %broadcast_in_dim3A_56 = vector.shape_cast %broadcast_in_dim3A_33 : vector<64x1xf32> to vector<64x1xf32>
      %broadcast_in_dim3A_57 = vector.broadcast %broadcast_in_dim3A_56 : vector<64x1xf32> to vector<64x128xf32>
      %add3A_58 = arith.addf %get3A_55, %broadcast_in_dim3A_57 : vector<64x128xf32>
      %swap3A_59 = arith.constant 0 : index
      %swap3A_60 = arith.constant 0 : index
      %swap3A_61 = vector.load %arg13[%swap3A_59, %swap3A_60] : memref<64x128xf32, #tpu.memory_space<vmem>>, vector<64x128xf32>
      tpu.vector_store %arg13[%swap3A_59, %swap3A_60], %add3A_58 {strides = array<i32>} : memref<64x128xf32, #tpu.memory_space<vmem>>, vector<64x128xf32>,
    } else {
    }
    %eq3A_42 = arith.constant 24 : i32
    %eq3A_43 = arith.cmpi eq, %arg0, %eq3A_42 : i32
    %convert_element_type3A_44 = arith.extui %eq3A_43 : i1 to i32
    %cond3A_45 = arith.constant 0 : i32
    %cond3A_46 = arith.cmpi ne, %convert_element_type3A_44, %cond3A_45 : i32
    scf.if %cond3A_46 {
      %get3A_47 = arith.constant 0 : index
      %get3A_48 = arith.constant 0 : index
      %get3A_49 = vector.load %arg13[%get3A_47, %get3A_48] : memref<64x128xf32, #tpu.memory_space<vmem>>, vector<64x1xf32>
      %max3A_50 = arith.constant 1.000000e+00 : f32
      %max3A_51 = vector.broadcast %max3A_50 : f32 to vector<64x1xf32>
      %max3A_52 = arith.maximumf %get3A_49, %max3A_51 : vector<64x1xf32>
      %get3A_53 = arith.constant 0 : index
      %get3A_54 = arith.constant 0 : index
      %get3A_55 = vector.load %arg12[%get3A_53, %get3A_54] : memref<64x512xf32, #tpu.memory_space<vmem>>, vector<64x512xf32>
      %div3A = vector.broadcast %max3A_52 : vector<64x1xf32> to vector<64x512xf32>
      %div3A_56 = arith.divf %get3A_55, %div3A : vector<64x512xf32>
      %convert_element_type3A_57 = arith.truncf %div3A_56 : vector<64x512xf32> to vector<64x512xbf16>
      %convert_element_type3A_58 = arith.extf %convert_element_type3A_57 : vector<64x512xbf16> to vector<64x512xf32>
      %get3A_59 = arith.constant 0 : index
      %get3A_60 = arith.constant 0 : index
      %get3A_61 = vector.load %arg7[%get3A_59, %get3A_60] : memref<512x256xf32, #tpu.memory_space<vmem>>, vector<512x256xf32>
      %convert_element_type3A_62 = arith.truncf %get3A_61 : vector<512x256xf32> to vector<512x256xbf16>
      %convert_element_type3A_63 = arith.extf %convert_element_type3A_62 : vector<512x256xbf16> to vector<512x256xf32>
      %dot_general3A_64 = arith.constant dense<0.000000e+00> : vector<64x256xf32>
      %dot_general3A_65 = tpu.matmul %convert_element_type3A_58, %convert_element_type3A_63, %dot_general3A_64 {dimension_numbers = #tpu.dot_dimension_numbers<[1], [0], [0], [1], [0, 0, 1, 1], [], []>, precision = #tpu.contract_precision<fp32>, transpose_lhs_hint = false} : vector<64x512xf32>, vector<512x256xf32>, vector<64x256xf32> -> vector<64x256xf32>
      %get3A_66 = arith.constant 0 : index
      %get3A_67 = arith.constant 0 : index
      %get3A_68 = vector.load %arg8[%get3A_66, %get3A_67] : memref<1x256xf32, #tpu.memory_space<vmem>>, vector<1x256xf32>
      %add3A_69 = vector.broadcast %get3A_68 : vector<1x256xf32> to vector<64x256xf32>
      %add3A_70 = arith.addf %dot_general3A_65, %add3A_69 : vector<64x256xf32>
      %max3A_71 = arith.constant 0.000000e+00 : f32
      %max3A_72 = vector.broadcast %max3A_71 : f32 to vector<64x256xf32>
      %max3A_73 = arith.maximumf %add3A_70, %max3A_72 : vector<64x256xf32>
      %convert_element_type3A_74 = arith.truncf %max3A_73 : vector<64x256xf32> to vector<64x256xbf16>
      %convert_element_type3A_75 = arith.extf %convert_element_type3A_74 : vector<64x256xbf16> to vector<64x256xf32>
      %get3A_76 = arith.constant 0 : index
      %get3A_77 = arith.constant 0 : index
      %get3A_78 = vector.load %arg9[%get3A_76, %get3A_77] : memref<256x1xf32, #tpu.memory_space<vmem>>, vector<256x1xf32>
      %convert_element_type3A_79 = arith.truncf %get3A_78 : vector<256x1xf32> to vector<256x1xbf16>
      %convert_element_type3A_80 = arith.extf %convert_element_type3A_79 : vector<256x1xbf16> to vector<256x1xf32>
      %dot_general3A_81 = arith.constant dense<0.000000e+00> : vector<64x1xf32>
      %dot_general3A_82 = tpu.matmul %convert_element_type3A_75, %convert_element_type3A_80, %dot_general3A_81 {dimension_numbers = #tpu.dot_dimension_numbers<[1], [0], [0], [1], [0, 0, 1, 1], [], []>, precision = #tpu.contract_precision<fp32>, transpose_lhs_hint = false} : vector<64x256xf32>, vector<256x1xf32>, vector<64x1xf32> -> vector<64x1xf32>
      %get3A_83 = arith.constant 0 : index
      %get3A_84 = arith.constant 0 : index
      %get3A_85 = vector.load %arg10[%get3A_83, %get3A_84] : memref<1x1xf32, #tpu.memory_space<vmem>>, vector<1x1xf32>
      %add3A_86 = vector.broadcast %get3A_85 : vector<1x1xf32> to vector<64x1xf32>
      %add3A_87 = arith.addf %dot_general3A_82, %add3A_86 : vector<64x1xf32>
      %broadcast_in_dim3A_88 = vector.shape_cast %add3A_87 : vector<64x1xf32> to vector<64x1xf32>
      %broadcast_in_dim3A_89 = vector.broadcast %broadcast_in_dim3A_88 : vector<64x1xf32> to vector<64x8xf32>
      %swap3A = arith.constant 0 : index
      %swap3A_90 = arith.constant 0 : index
      %swap3A_91 = vector.load %arg11[%swap3A, %swap3A_90] : memref<64x8xf32, #tpu.memory_space<vmem>>, vector<64x8xf32>
      tpu.vector_store %arg11[%swap3A, %swap3A_90], %broadcast_in_dim3A_89 {strides = array<i32>} : memref<64x8xf32, #tpu.memory_space<vmem>>, vector<64x8xf32>,
    } else {
    }
    return
  }
  func.func @transform_0(%arg0: i32) -> (i32, i32) {
    %c0_i32 = arith.constant 0 : i32
    %c0_i32_0 = arith.constant 0 : i32
    return %arg0, %c0_i32 : i32, i32
  }
  func.func @transform_1(%arg0: i32) -> (i32, i32) {
    %c0_i32 = arith.constant 0 : i32
    %c0_i32_0 = arith.constant 0 : i32
    %c0_i32_1 = arith.constant 0 : i32
    return %c0_i32, %c0_i32_0 : i32, i32
  }
  func.func @transform_2(%arg0: i32) -> (i32, i32) {
    %c0_i32 = arith.constant 0 : i32
    %c0_i32_0 = arith.constant 0 : i32
    %c0_i32_1 = arith.constant 0 : i32
    return %c0_i32, %c0_i32_0 : i32, i32
  }
  func.func @transform_3(%arg0: i32) -> (i32, i32) {
    %c0_i32 = arith.constant 0 : i32
    %c0_i32_0 = arith.constant 0 : i32
    %c0_i32_1 = arith.constant 0 : i32
    return %c0_i32, %c0_i32_0 : i32, i32
  }
  func.func @transform_4(%arg0: i32) -> (i32, i32) {
    %c0_i32 = arith.constant 0 : i32
    %c0_i32_0 = arith.constant 0 : i32
    %c0_i32_1 = arith.constant 0 : i32
    return %c0_i32, %c0_i32_0 : i32, i32
  }
  func.func @transform_5(%arg0: i32) -> (i32, i32, i32) {
    %c0_i32 = arith.constant 0 : i32
    %c0_i32_0 = arith.constant 0 : i32
    %c0_i32_1 = arith.constant 0 : i32
    return %arg0, %c0_i32, %c0_i32_0 : i32, i32, i32
  }
  func.func @transform_6(%arg0: i32) -> (i32, i32) {
    %c0_i32 = arith.constant 0 : i32
    %c0_i32_0 = arith.constant 0 : i32
    %c0_i32_1 = arith.constant 0 : i32
    return %c0_i32, %c0_i32_0 : i32, i32
  }
  func.func @transform_7(%arg0: i32) -> (i32, i32) {
    %c0_i32 = arith.constant 0 : i32
    %c0_i32_0 = arith.constant 0 : i32
    %c0_i32_1 = arith.constant 0 : i32
    return %c0_i32, %c0_i32_0 : i32, i32
  }
  func.func @transform_8(%arg0: i32) -> (i32, i32) {
    %c0_i32 = arith.constant 0 : i32
    %c0_i32_0 = arith.constant 0 : i32
    %c0_i32_1 = arith.constant 0 : i32
    return %c0_i32, %c0_i32_0 : i32, i32
  }
  func.func @transform_9(%arg0: i32) -> (i32, i32) {
    %c0_i32 = arith.constant 0 : i32
    %c0_i32_0 = arith.constant 0 : i32
    %c0_i32_1 = arith.constant 0 : i32
    return %c0_i32, %c0_i32_0 : i32, i32
  }
  func.func @transform_10(%arg0: i32) -> (i32, i32) {
    %c0_i32 = arith.constant 0 : i32
    %c0_i32_0 = arith.constant 0 : i32
    %c0_i32_1 = arith.constant 0 : i32
    return %c0_i32, %c0_i32_0 : i32, i32
  }
}

</mosaic_0001>

<sc_bundles>
// kernel: kernel.11.cloned.1.call-start
scs
__scs_entry_jumppad:
0x0: {  	(pc) =	sbr.rel $0x88, $3  }
0x1: {  	(tag) =	ssettag $0x0;
	lr =	simm.s32 $0x1  }
0x2: {  	[smem:$0x3F92] =	sst lr;
	_ =	strace $0xD0000000  }
0x3: {  	_ = 	snop  }
0x4: {  	_ = 	snop  }
0x5: {  	_ = 	snop  }
0x6: {  	_ = 	snop  }
0x7: {  	_ = 	snop  }
__scs_overlays_trampoline_lowered:
0x8: {  	[smem:$0x3FA1] =	sst s0  }
0x9: {  	[smem:$0x3FA2] =	sst s1  }
0xa: {  	[smem:$0x3FA3] =	sst s2  }
0xb: {  	[smem:$0x3FA4] =	sst s3  }
0xc: {  	[smem:$0x3FA5] =	sst s4  }
0xd: {  	[smem:$0x3FA6] =	sst s5  }
0xe: {  	[smem:$0x3FA7] =	sst s6  }
0xf: {  	[smem:$0x3FA8] =	sst s7  }
0x10: {  	[smem:$0x3FA9] =	sst s8  }
0x11: {  	[smem:$0x3FAA] =	sst s9;
	s0 =	simm.s32 @!p0 $0x0  }
0x12: {  	s1 =	sld [smem:$0x3F90];
	s0 =	simm.s32 @p0 $0x1  }
0x13: {  	[smem:$0x3FAB] =	sst s0;
	s0 =	simm.s32 @!p1 $0x0  }
0x14: {  	s2 =	sld [smem:$0x3F8F];
	s0 =	simm.s32 @p1 $0x1  }
0x15: {  	[smem:$0x3FAC] =	sst s0;
	s0 =	simm.s32 @!p2 $0x0  }
0x16: {  	s3 =	sld [smem:$0x3FDB];
	s0 =	simm.s32 @p2 $0x1  }
0x17: {  	s4 =	simm.s32 $0x1BF5;
	[smem:$0x3FAE] =	sst s0  }
0x18: {  	s0 =	sld [smem:$0x3F91];
	_ =	swait.ge [sflag:s4], $0x0  }
0x19: {  	s7 =	sld [smem:$0x3F92]  }
0x1a: {  	s8 =	sadd.s32 $0xFFFFE003, lr  }
0x1b: {  	s9 =	sadd.s32 $0xFFFFFEF7, lr;
	s5 =	simm.s32 $0xFFFFFFFF;
	p2 =	slt.u32 s8, $0xFFFFF086  }
0x1c: {  	p1 =	slt.u32 s9, $0xF7A;
	s5 =	simm.s32 @!p2 $0x0  }
0x1d: {  	s5 =	simm.s32 @p1 $0x1;
	p0 =	seq.s32 s7, s2  }
0x1e: {  	s7 =	smul.u32 @!p0 $0xF7A, s2;
	p2 =	seq.s32 @!p0 s5, $0x0  }
0x1f: {  	s9 =	smul.u32 $0xF7A, s1;
	s8 =	simm.s32 @!p0 $0x1BF5;
	p2 =	por !p2, p0  }
0x20: {  	[sflag:s8] =	ssyncset.s32 @!p0 $0xFFFFF086;
	s6 =	sadd.s32 @!p0 s3, s7;
	s7 =	simm.s32 @!p0 $0x108  }
0x21: {  	s3 =	sadd.s32 s3, s9;
	s6 =	sadd.s32 @!p0 $0x88, s6;
	s7 =	simm.s32 @p2 $0x1082  }
0x22: {  	[simem:s7], [sflag:s8] =	dma.local @!p0 [hbm:s6], $0xF7A  }
0x23: {  	s9 =	sor.u32 $0xD0000000, s2;
	s6 =	simm.s32 $0x108;
	_ =	swait.ge @!p0 [sflag:s8], $0x0  }
0x24: {  	s3 =	sadd.s32 $0x88, s3;
	s6 =	simm.s32 @!p1 $0x1082;
	[sflag:s4] =	ssyncset.s32 $0xFFFFF086  }
0x25: {  	[simem:s6], [sflag:s4] =	dma.local [hbm:s3], $0xF7A  }
0x26: {  	[smem:$0x3F92] =	sst s1;
	(tag) =	ssettag s2;
	_ =	strace s9  }
0x27: {  	s1 =	sld [smem:$0x3FA2]  }
0x28: {  	s2 =	sld [smem:$0x3FA3]  }
0x29: {  	s4 =	sld [smem:$0x3FA5]  }
0x2a: {  	p0 =	seq.s32 s5, $0x0;
	s5 =	sld [smem:$0x3FA6]  }
0x2b: {  	s6 =	sld [smem:$0x3FA7]  }
0x2c: {  	s7 =	sld [smem:$0x3FA8]  }
0x2d: {  	s3 =	simm.s32 $0x108;
	s8 =	sld [smem:$0x3FA9]  }
0x2e: {  	s3 =	simm.s32 @!p0 $0x1082;
	s9 =	sld [smem:$0x3FAA]  }
0x2f: {  	lr =	sadd.s32 s0, s3;
	s0 =	sld [smem:$0x3FA1]  }
0x30: {  	s3 =	sld [smem:$0x3FA4]  }
0x31: {  	[smem:$0x3FAD] =	sst s10  }
0x32: {  	s10 =	sld [smem:$0x3FAB];
	_ =	sdelay $0x3  }
0x33: {  	p0 =	seq.s32 s10, $0x1;
	s10 =	sld [smem:$0x3FAD];
	_ =	sdelay $0x3  }
0x34: {  	[smem:$0x3FAD] =	sst s10  }
0x35: {  	s10 =	sld [smem:$0x3FAC];
	_ =	sdelay $0x3  }
0x36: {  	p1 =	seq.s32 s10, $0x1;
	s10 =	sld [smem:$0x3FAD];
	_ =	sdelay $0x3  }
0x37: {  	[smem:$0x3FAD] =	sst s10  }
0x38: {  	s10 =	sld [smem:$0x3FAE]  }
0x39: {  	_ = 	snop;
	(pc) =	sbr.ind lr, $3  }
0x3a: {  	_ = 	snop  }
0x3b: {  	_ = 	snop  }
0x3c: {  	p2 =	seq.s32 s10, $0x1;
	s10 =	sld [smem:$0x3FAD]  }
0x3d: {  	_ =	shalt  }
0x3e: {  	_ =	shalt  }
0x3f: {  	_ =	shalt  }
0x40: {  	_ =	shalt  }
0x41: {  	_ =	shalt  }
0x42: {  	_ =	shalt  }
0x43: {  	_ =	shalt  }
0x44: {  	_ =	shalt  }
0x45: {  	_ =	shalt  }
0x46: {  	_ =	shalt  }
0x47: {  	_ =	shalt  }
0x48: {  	_ =	shalt  }
0x49: {  	_ =	shalt  }
0x4a: {  	_ =	shalt  }
0x4b: {  	_ =	shalt  }
0x4c: {  	_ =	shalt  }
0x4d: {  	_ =	shalt  }
0x4e: {  	_ =	shalt  }
0x4f: {  	_ =	shalt  }
0x50: {  	_ =	shalt  }
0x51: {  	_ =	shalt  }
0x52: {  	_ =	shalt  }
0x53: {  	_ =	shalt  }
0x54: {  	_ =	shalt  }
0x55: {  	_ =	shalt  }
0x56: {  	_ =	shalt  }
0x57: {  	_ =	shalt  }
0x58: {  	_ =	shalt  }
0x59: {  	_ =	shalt  }
0x5a: {  	_ =	shalt  }
0x5b: {  	_ =	shalt  }
0x5c: {  	_ =	shalt  }
0x5d: {  	_ =	shalt  }
0x5e: {  	_ =	shalt  }
0x5f: {  	_ =	shalt  }
0x60: {  	_ =	shalt  }
0x61: {  	_ =	shalt  }
0x62: {  	_ =	shalt  }
0x63: {  	_ =	shalt  }
0x64: {  	_ =	shalt  }
0x65: {  	_ =	shalt  }
0x66: {  	_ =	shalt  }
0x67: {  	_ =	shalt  }
0x68: {  	_ =	shalt  }
0x69: {  	_ =	shalt  }
0x6a: {  	_ =	shalt  }
0x6b: {  	_ =	shalt  }
0x6c: {  	_ =	shalt  }
0x6d: {  	_ =	shalt  }
0x6e: {  	_ =	shalt  }
0x6f: {  	_ =	shalt  }
0x70: {  	_ =	shalt  }
0x71: {  	_ =	shalt  }
0x72: {  	_ =	shalt  }
0x73: {  	_ =	shalt  }
0x74: {  	_ =	shalt  }
0x75: {  	_ =	shalt  }
0x76: {  	_ =	shalt  }
0x77: {  	_ =	shalt  }
0x78: {  	_ =	shalt  }
0x79: {  	_ =	shalt  }
0x7a: {  	_ =	shalt  }
0x7b: {  	_ =	shalt  }
0x7c: {  	_ =	shalt  }
0x7d: {  	_ =	shalt  }
0x7e: {  	_ =	shalt  }
0x7f: {  	_ =	shalt  }
0x80: {  	_ =	shalt  }
0x81: {  	_ =	shalt  }
0x82: {  	_ =	shalt  }
0x83: {  	_ =	shalt  }
0x84: {  	_ =	shalt  }
0x85: {  	_ =	shalt  }
0x86: {  	_ =	shalt  }
0x87: {  	_ =	shalt  }
.Lfunc_end0:
.L_simem_size_0:
called_computation_lowered:
.L_overlay_start_0:
0x88: {  	s2 =	sld [smem:$0x3FD9]  }
0x89: {  	s3 =	sld [smem:$0x3FFE];
	_ =	sdelay $0x1  }
0x8a: {  	s1 =	srdreg.scid  }
0x8b: {  	s0 =	sand.u32 $0x1, s1  }
0x8c: {  	s17 =	sshll.u32 s0, $0xA;
	s2 =	sadd.s32 s3, s2  }
0x8d: {  	s2 =	sadd.s32 s2, s17  }
0x8e: {  	[smem:$0x3FB9] =	sst s2  }
0x8f: {  	_ = 	snop  }
0x90: {  	s2 =	sld [smem:$0x3FD0];
	(tm) =	ssettm $0x1  }
0x91: {  	s18 =	sld [smem:$0x3FFB];
	_ =	sdelay $0x3  }
0x92: {  	_ =	strace s18  }
0x93: {  	s3 =	sld [smem:$0x3FFC];
	_ =	sdelay $0x3  }
0x94: {  	_ =	strace s3  }
0x95: {  	s3 =	sld [smem:$0x3FFD];
	_ =	sdelay $0x3  }
0x96: {  	_ =	strace s3  }
0x97: {  	_ =	strace $0x8FFFFFFF  }
0x98: {  	s19 =	sld [smem:$0x3FDB];
	_ =	sdelay $0x1  }
0x99: {  	s4 =	simm.s32 $_scs_section_size  }
0x9a: {  	s5 =	simm.s32 $_size__tile_overlayer_lowered;
	s6 =	simm.s32 $_tile_overlayer_lowered  }
0x9b: {  	s22 =	simm.s32 $0x1BFF;
	s21 =	sshll.u32 s6, $0x1;
	s3 =	sadd.s32 s4, s19  }
0x9c: {  	s7 =	simm.s32 $0x0;
	s20 =	sshll.u32 s5, $0x1;
	s5 =	sadd.s32 s21, s3  }
0x9d: {  	[timem:s7], [sflag:s22] =	dma.local [hbm:s5], s20  }
0x9e: {  	_ =	swait.ge [sflag:s22], s20  }
0x9f: {  	s4 =	ssub.s32 $0x0, s20;
	[sflag:s22] =	ssyncset.done $0x0  }
0xa0: {  	[sflag:s22] =	ssyncadd.s32 s4;
	_ =	sdelay $0x1  }
0xa1: {  	s23 =	simm.s32 $0x1B8B  }
0xa2: {  	_ =	swait.ge [sflag:s23], $0x1  }
0xa3: {  	[sflag:s23] =	ssyncset.done $0x0  }
0xa4: {  	s25 =	simm.s32 $0x1B8E;
	s24 =	sld [smem:$0x3FFE];
	[sflag:s23] =	ssyncadd.s32 $0xFFFFFFFF  }
0xa5: {  	s26 =	simm.s32 $execute0_lowered;
	[smem:$0x3FD2] =	sst s25  }
0xa6: {  	s5 =	sshll.u32 s26, $0x1;
	_ =	strace $0x80000046;
	[dreg:$0x1] =	wrdreg $0xFFFFFFFF  }
0xa7: {  	s28 =	simm.s32 $_size_execute0_lowered;
	s3 =	sadd.s32 s3, s5;
	[dreg:$0x0] =	wrdreg $0x0  }
0xa8: {  	s5 =	sshll.u32 s28, $0x1;
	[dreg:$0x2] =	wrdreg s3  }
0xa9: {  	[dreg:$0x3] =	wrdreg s5  }
0xaa: {  	[dreg:$0x4] =	wrdreg $0xC0  }
0xab: {  	_ =	task [dreg:s7], $0x5FFFF  }
0xac: {  	[dreg:$0x1] =	wrdreg $0xFFFFFFFF  }
0xad: {  	[dreg:$0x0] =	wrdreg $0x60  }
0xae: {  	[dreg:$0x2] =	wrdreg s24  }
0xaf: {  	[dreg:$0x3] =	wrdreg s2  }
0xb0: {  	[dreg:$0x4] =	wrdreg $0x14800  }
0xb1: {  	[dreg:$0x5] =	wrdreg $0x9  }
0xb2: {  	_ =	task.clear_ibuf [dreg:s7], $0x6FFFF;
	_ =	strace $0x90000046  }
0xb3: {  	s29 =	simm.s32 $0x9;
	_ =	strace $0x80000048  }
0xb4: {  	_ =	swait.ge [sflag:s29], $0x1  }
0xb5: {  	[sflag:s29] =	ssyncadd.s32 $0xFFFFFFFF  }
0xb6: {  	_ =	strace $0x90000048  }
0xb7: {  	_ =	sfence  }
0xb8: {  	s30 =	sld [smem:$0x0];
	_ =	sdelay $0x2  }
0xb9: {  	s31 =	sshll.u32 s1, $0xD;
	s1 =	sshrl.u32 s1, $0x2  }
0xba: {  	s3 =	sand.u32 $0x4000, s31;
	s1 =	sadd.s32 s1, s30  }
0xbb: {  	s0 =	sor.u32 s3, s0;
	s1 =	sshll.u32 s1, $0x11  }
0xbc: {  	s0 =	sor.u32 s1, s0  }
0xbd: {  	s0 =	sadd.s32 $0x8F2B, s0  }
0xbe: {  	[sflag:s0] =	ssyncadd.remote.s32 $0x1  }
0xbf: {  	_ =	sfence.sel $0xFFFF  }
0xc0: {  	[dreg:$0x0] =	wrdreg $0xFFFFFFFF;
	(pc) =	sbr.abs _section_cstart, $3  }
0xc1: {  	[dreg:$0x1] =	wrdreg $0xFFFFFFFF  }
0xc2: {  	_ =	task.clear_ibuf [dreg:s7], $0x2FFFF;
	_ =	strace $0x9FFFFFFF  }
0xc3: {  	(tm) =	ssettm $0x7FFFFFFF  }
tec
execute0_lowered:
.L_overlay_start_1:
0x0: {  	(tag) =	ssettag $0x1  }
0x1: {  	s6 =	rddreg [dreg:$0x0]  }
0x2: {  	s0 =	srdreg.scid;
	s2 =	rddreg [dreg:$0x1]  }
0x3: {  	s3 =	rddreg [dreg:$0x2];
	s4 =	simm.s32 $0x0;
	s13 =	simm.s32 $0x80  }
0x4: {  	s14 =	simm.s32 $0x0;
	s5 =	sand.u32 $0x1, s0;
	s0 =	stileid.u32  }
0x5: {  	[smem:$0x7FF] =	sst s4;
	s1 =	sshll.u32 s5, $0x4;
	s8 =	smul.u32 $0x280, s0  }
0x6: {  	s9 =	smul.u32 $0x2800, s5;
	s5 =	ssub.s32 $0x2, s5;
	s1 =	sor.u32 s0, s1  }
0x7: {  	s31 =	sshll.u32 s0, $0x6;
	s11 =	sshrl.u32 s5, $0x1;
	s7 =	smul.u32 $0x280, s1  }
0x8: {  	s1 =	rddreg [dreg:$0x3];
	_ =	strace $0x80000047;
	s9 =	sadd.s32 s8, s9  }
0x9: {  	s10 =	sshrl.u32 s8, $0x3;
	s11 =	ssub.s32 s5, s11;
	s12 =	sadd.s32 s8, s3  }
0xa: {  	s9 =	sshrl.u32 s9, $0x3;
	s10 =	sadd.s32 s10, s6;
	s8 =	smax.u32 s11, $0x1  }
0xb: {  	s11 =	sor.u32 $0x1C01, s31;
	s12 =	sshrl.u32 s12, $0x3;
	s7 =	sadd.s32 s7, s6  }
0xc: {  	s9 =	sadd.s32 s9, s6;
	s6 =	sadd.s32 $0x7000, s10;
	s10 =	simm.s32 $0x1400  }
0xd: {  	s5 =	sadd.s32 $0x2000, s7;
	s7 =	sadd.s32 $0x7600, s9;
	s9 =	simm.s32 $0x1  }
.LBB2_1:
0xe: {  	[tilespmem:s4], [sflag:$0x1] =	stream.linear.gather [hbm4b:s5+s4], $0x1400, $0x38;
	[tilespmem:$0x1700] =	vst v63  }
0xf: {  	_ =	swait.ge [sflag:s9], $0x1400  }
0x10: {  	[sflag:s9] =	ssyncset.done $0x0  }
0x11: {  	[sflag:s9] =	ssyncadd.s32 $0xFFFFEC00  }
0x12: {  	[tilespmem:s10], [sflag:$0x1] =	stream.linear.gather [hbm4b:s2+s4], $0x80, $0x38;
	[tilespmem:$0x1700] =	vst v63  }
0x13: {  	_ =	swait.ge [sflag:s9], $0x80  }
0x14: {  	[sflag:s9] =	ssyncset.done $0x0  }
0x15: {  	[sflag:s9] =	ssyncadd.s32 $0xFFFFFF80  }
0x16: {  	[spmem:s12], [sflag:s11] =	dma.local [hbm:s6], $0x50  }
0x17: {  	_ =	swait.ge [sflag:s9], $0x50  }
0x18: {  	[sflag:s9] =	ssyncset.done $0x0  }
0x19: {  	[sflag:s9] =	ssyncadd.s32 $0xFFFFFFB0  }
0x1a: {  	s15 =	simm.s32 $0x0;
	[bflag:$0x0] =	sbarrier.arrive $0xFFFF  }
0x1b: {  	[spmem:s3] =	stream.indirect.scatter.add.f32 [tilespmem:s10], [sflag:$0x1], $0x1, s15, s13, $0xb8;
	[tilespmem:$0x1700] =	vst v63  }
0x1c: {  	_ =	swait.ge [sflag:s9], $0x80  }
0x1d: {  	s15 =	simm.s32 $0x200;
	[sflag:s9] =	ssyncset.done $0x0  }
.LBB2_2:
0x1e: {  	s16 =	sshra.s32 s15, $0x2;
	[sflag:s9] =	ssyncadd.s32 $0xFFFFFF80;
	p0 =	sne.s32 s15, $0x4E00  }
0x1f: {  	[spmem:s3] =	stream.indirect.scatter.add.f32 [tilespmem:s10], [sflag:$0x1], $0x1, s16, s13, $0xb8;
	[tilespmem:$0x1700] =	vst v63  }
.Ltmp0:
0x20: {  	_ = 	snop;
	(pc) =	sbr.rel @p0 .LBB2_2-.Ltmp0, $4  }
0x21: {  	_ = 	snop  }
0x22: {  	s15 =	sadd.s32 $0x200, s15  }
0x23: {  	_ =	swait.ge [sflag:s9], $0x80  }
0x24: {  	[sflag:s9] =	ssyncset.done $0x0  }
0x25: {  	s14 =	sadd.s32 $0x1, s14  }
0x26: {  	[sflag:s9] =	ssyncadd.s32 $0xFFFFFF80;
	p0 =	sne.s32 s14, s8  }
.Ltmp1:
0x27: {  	[bflag:$0x0] =	sbarrier.arrive $0xFFFF;
	(pc) =	sbr.rel @p0 .LBB2_1-.Ltmp1, $4  }
0x28: {  	[hbm:s7], [sflag:s11] =	dma.local [spmem:s12], $0x50  }
0x29: {  	_ =	swait.ge [sflag:s9], $0x50  }
0x2a: {  	[sflag:s9] =	ssyncset.done $0x0  }
0x2b: {  	[sflag:s9] =	ssyncadd.s32 $0xFFFFFFB0  }
0x2c: {  	_ =	sfence.sel $0x180000  }
0x2d: {  	[bflag:$0x0] =	sbarrier.arrive $0xFFFF  }
0x2e: {  	p0 =	sne.s32 s0, $0x0;
	_ =	strace $0x90000047  }
0x2f: {  	s0 =	sadd.s32 @!p0 $0x100000, s1;
	[bflag:$0x2] =	sbarrier.arrive $0xFFFF  }
0x30: {  	[sflag:s0] =	ssyncadd.tile.s32 @!p0 $0x1;
	_ =	shalt  }
.Lfunc_end2:
_tile_overlayer_lowered:
.L_overlay_start_2:
0x31: {  	(tag) =	ssettag $0x2  }
0x32: {  	s0 =	rddreg [dreg:$0x0];
	s2 =	stileid.u32  }
0x33: {  	s1 =	rddreg [dreg:$0x1];
	p0 =	sne.s32 s2, $0x0  }
0x34: {  	s3 =	rddreg [dreg:$0x2];
	[bflag:$0x3] =	sbarrier.arrive $0xFFFF;
	s2 =	simm.s32 @!p0 $0x1C01  }
0x35: {  	[timem:s3], [sflag:s2] =	dma.local @!p0 [hbm:s0], s1  }
0x36: {  	s0 =	simm.s32 @!p0 $0x1  }
0x37: {  	_ =	swait.ge @!p0 [sflag:s0], s1  }
0x38: {  	s1 =	ssub.s32 @!p0 $0x0, s1;
	[sflag:s0] =	ssyncset.done @!p0 $0x0  }
0x39: {  	[sflag:s0] =	ssyncadd.s32 @!p0 s1  }
0x3a: {  	[bflag:$0x3] =	sbarrier.arrive $0xFFFF  }
0x3b: {  	_ =	shalt  }

// kernel: kernel.14.cloned.1.call-start
scs
__scs_entry_jumppad:
0x0: {  	(pc) =	sbr.rel $0x88, $3  }
0x1: {  	(tag) =	ssettag $0x0;
	lr =	simm.s32 $0x1  }
0x2: {  	[smem:$0x3F92] =	sst lr;
	_ =	strace $0xD0000000  }
0x3: {  	_ = 	snop  }
0x4: {  	_ = 	snop  }
0x5: {  	_ = 	snop  }
0x6: {  	_ = 	snop  }
0x7: {  	_ = 	snop  }
__scs_overlays_trampoline_lowered:
0x8: {  	[smem:$0x3FA1] =	sst s0  }
0x9: {  	[smem:$0x3FA2] =	sst s1  }
0xa: {  	[smem:$0x3FA3] =	sst s2  }
0xb: {  	[smem:$0x3FA4] =	sst s3  }
0xc: {  	[smem:$0x3FA5] =	sst s4  }
0xd: {  	[smem:$0x3FA6] =	sst s5  }
0xe: {  	[smem:$0x3FA7] =	sst s6  }
0xf: {  	[smem:$0x3FA8] =	sst s7  }
0x10: {  	[smem:$0x3FA9] =	sst s8  }
0x11: {  	[smem:$0x3FAA] =	sst s9;
	s0 =	simm.s32 @!p0 $0x0  }
0x12: {  	s1 =	sld [smem:$0x3F90];
	s0 =	simm.s32 @p0 $0x1  }
0x13: {  	[smem:$0x3FAB] =	sst s0;
	s0 =	simm.s32 @!p1 $0x0  }
0x14: {  	s2 =	sld [smem:$0x3F8F];
	s0 =	simm.s32 @p1 $0x1  }
0x15: {  	[smem:$0x3FAC] =	sst s0;
	s0 =	simm.s32 @!p2 $0x0  }
0x16: {  	s3 =	sld [smem:$0x3FDB];
	s0 =	simm.s32 @p2 $0x1  }
0x17: {  	s4 =	simm.s32 $0x1BF5;
	[smem:$0x3FAE] =	sst s0  }
0x18: {  	s0 =	sld [smem:$0x3F91];
	_ =	swait.ge [sflag:s4], $0x0  }
0x19: {  	s7 =	sld [smem:$0x3F92]  }
0x1a: {  	s8 =	sadd.s32 $0xFFFFE003, lr  }
0x1b: {  	s9 =	sadd.s32 $0xFFFFFEF7, lr;
	s5 =	simm.s32 $0xFFFFFFFF;
	p2 =	slt.u32 s8, $0xFFFFF086  }
0x1c: {  	p1 =	slt.u32 s9, $0xF7A;
	s5 =	simm.s32 @!p2 $0x0  }
0x1d: {  	s5 =	simm.s32 @p1 $0x1;
	p0 =	seq.s32 s7, s2  }
0x1e: {  	s7 =	smul.u32 @!p0 $0xF7A, s2;
	p2 =	seq.s32 @!p0 s5, $0x0  }
0x1f: {  	s9 =	smul.u32 $0xF7A, s1;
	s8 =	simm.s32 @!p0 $0x1BF5;
	p2 =	por !p2, p0  }
0x20: {  	[sflag:s8] =	ssyncset.s32 @!p0 $0xFFFFF086;
	s6 =	sadd.s32 @!p0 s3, s7;
	s7 =	simm.s32 @!p0 $0x108  }
0x21: {  	s3 =	sadd.s32 s3, s9;
	s6 =	sadd.s32 @!p0 $0x88, s6;
	s7 =	simm.s32 @p2 $0x1082  }
0x22: {  	[simem:s7], [sflag:s8] =	dma.local @!p0 [hbm:s6], $0xF7A  }
0x23: {  	s9 =	sor.u32 $0xD0000000, s2;
	s6 =	simm.s32 $0x108;
	_ =	swait.ge @!p0 [sflag:s8], $0x0  }
0x24: {  	s3 =	sadd.s32 $0x88, s3;
	s6 =	simm.s32 @!p1 $0x1082;
	[sflag:s4] =	ssyncset.s32 $0xFFFFF086  }
0x25: {  	[simem:s6], [sflag:s4] =	dma.local [hbm:s3], $0xF7A  }
0x26: {  	[smem:$0x3F92] =	sst s1;
	(tag) =	ssettag s2;
	_ =	strace s9  }
0x27: {  	s1 =	sld [smem:$0x3FA2]  }
0x28: {  	s2 =	sld [smem:$0x3FA3]  }
0x29: {  	s4 =	sld [smem:$0x3FA5]  }
0x2a: {  	p0 =	seq.s32 s5, $0x0;
	s5 =	sld [smem:$0x3FA6]  }
0x2b: {  	s6 =	sld [smem:$0x3FA7]  }
0x2c: {  	s7 =	sld [smem:$0x3FA8]  }
0x2d: {  	s3 =	simm.s32 $0x108;
	s8 =	sld [smem:$0x3FA9]  }
0x2e: {  	s3 =	simm.s32 @!p0 $0x1082;
	s9 =	sld [smem:$0x3FAA]  }
0x2f: {  	lr =	sadd.s32 s0, s3;
	s0 =	sld [smem:$0x3FA1]  }
0x30: {  	s3 =	sld [smem:$0x3FA4]  }
0x31: {  	[smem:$0x3FAD] =	sst s10  }
0x32: {  	s10 =	sld [smem:$0x3FAB];
	_ =	sdelay $0x3  }
0x33: {  	p0 =	seq.s32 s10, $0x1;
	s10 =	sld [smem:$0x3FAD];
	_ =	sdelay $0x3  }
0x34: {  	[smem:$0x3FAD] =	sst s10  }
0x35: {  	s10 =	sld [smem:$0x3FAC];
	_ =	sdelay $0x3  }
0x36: {  	p1 =	seq.s32 s10, $0x1;
	s10 =	sld [smem:$0x3FAD];
	_ =	sdelay $0x3  }
0x37: {  	[smem:$0x3FAD] =	sst s10  }
0x38: {  	s10 =	sld [smem:$0x3FAE]  }
0x39: {  	_ = 	snop;
	(pc) =	sbr.ind lr, $3  }
0x3a: {  	_ = 	snop  }
0x3b: {  	_ = 	snop  }
0x3c: {  	p2 =	seq.s32 s10, $0x1;
	s10 =	sld [smem:$0x3FAD]  }
0x3d: {  	_ =	shalt  }
0x3e: {  	_ =	shalt  }
0x3f: {  	_ =	shalt  }
0x40: {  	_ =	shalt  }
0x41: {  	_ =	shalt  }
0x42: {  	_ =	shalt  }
0x43: {  	_ =	shalt  }
0x44: {  	_ =	shalt  }
0x45: {  	_ =	shalt  }
0x46: {  	_ =	shalt  }
0x47: {  	_ =	shalt  }
0x48: {  	_ =	shalt  }
0x49: {  	_ =	shalt  }
0x4a: {  	_ =	shalt  }
0x4b: {  	_ =	shalt  }
0x4c: {  	_ =	shalt  }
0x4d: {  	_ =	shalt  }
0x4e: {  	_ =	shalt  }
0x4f: {  	_ =	shalt  }
0x50: {  	_ =	shalt  }
0x51: {  	_ =	shalt  }
0x52: {  	_ =	shalt  }
0x53: {  	_ =	shalt  }
0x54: {  	_ =	shalt  }
0x55: {  	_ =	shalt  }
0x56: {  	_ =	shalt  }
0x57: {  	_ =	shalt  }
0x58: {  	_ =	shalt  }
0x59: {  	_ =	shalt  }
0x5a: {  	_ =	shalt  }
0x5b: {  	_ =	shalt  }
0x5c: {  	_ =	shalt  }
0x5d: {  	_ =	shalt  }
0x5e: {  	_ =	shalt  }
0x5f: {  	_ =	shalt  }
0x60: {  	_ =	shalt  }
0x61: {  	_ =	shalt  }
0x62: {  	_ =	shalt  }
0x63: {  	_ =	shalt  }
0x64: {  	_ =	shalt  }
0x65: {  	_ =	shalt  }
0x66: {  	_ =	shalt  }
0x67: {  	_ =	shalt  }
0x68: {  	_ =	shalt  }
0x69: {  	_ =	shalt  }
0x6a: {  	_ =	shalt  }
0x6b: {  	_ =	shalt  }
0x6c: {  	_ =	shalt  }
0x6d: {  	_ =	shalt  }
0x6e: {  	_ =	shalt  }
0x6f: {  	_ =	shalt  }
0x70: {  	_ =	shalt  }
0x71: {  	_ =	shalt  }
0x72: {  	_ =	shalt  }
0x73: {  	_ =	shalt  }
0x74: {  	_ =	shalt  }
0x75: {  	_ =	shalt  }
0x76: {  	_ =	shalt  }
0x77: {  	_ =	shalt  }
0x78: {  	_ =	shalt  }
0x79: {  	_ =	shalt  }
0x7a: {  	_ =	shalt  }
0x7b: {  	_ =	shalt  }
0x7c: {  	_ =	shalt  }
0x7d: {  	_ =	shalt  }
0x7e: {  	_ =	shalt  }
0x7f: {  	_ =	shalt  }
0x80: {  	_ =	shalt  }
0x81: {  	_ =	shalt  }
0x82: {  	_ =	shalt  }
0x83: {  	_ =	shalt  }
0x84: {  	_ =	shalt  }
0x85: {  	_ =	shalt  }
0x86: {  	_ =	shalt  }
0x87: {  	_ =	shalt  }
.Lfunc_end0:
.L_simem_size_0:
called_computation.1_lowered:
.L_overlay_start_0:
0x88: {  	s2 =	sld [smem:$0x3FD9]  }
0x89: {  	s3 =	sld [smem:$0x3FFE];
	_ =	sdelay $0x1  }
0x8a: {  	s1 =	srdreg.scid  }
0x8b: {  	s0 =	sand.u32 $0x1, s1  }
0x8c: {  	s16 =	sshll.u32 s0, $0xA;
	s2 =	sadd.s32 s3, s2  }
0x8d: {  	s2 =	sadd.s32 s2, s16  }
0x8e: {  	[smem:$0x3FB9] =	sst s2  }
0x8f: {  	_ = 	snop  }
0x90: {  	(tm) =	ssettm $0x1  }
0x91: {  	s17 =	sld [smem:$0x3FFB];
	_ =	sdelay $0x3  }
0x92: {  	_ =	strace s17  }
0x93: {  	s2 =	sld [smem:$0x3FFC];
	_ =	sdelay $0x3  }
0x94: {  	_ =	strace s2  }
0x95: {  	s2 =	sld [smem:$0x3FFD];
	_ =	sdelay $0x3  }
0x96: {  	_ =	strace s2  }
0x97: {  	_ =	strace $0x8FFFFFFF  }
0x98: {  	s18 =	sld [smem:$0x3FDB];
	_ =	sdelay $0x1  }
0x99: {  	s19 =	simm.s32 $_scs_section_size  }
0x9a: {  	s4 =	simm.s32 $_size__tile_overlayer_lowered;
	s5 =	simm.s32 $_tile_overlayer_lowered  }
0x9b: {  	s22 =	simm.s32 $0x1BFF;
	s21 =	sshll.u32 s5, $0x1;
	s2 =	sadd.s32 s19, s18  }
0x9c: {  	s6 =	simm.s32 $0x0;
	s20 =	sshll.u32 s4, $0x1;
	s4 =	sadd.s32 s21, s2  }
0x9d: {  	[timem:s6], [sflag:s22] =	dma.local [hbm:s4], s20  }
0x9e: {  	_ =	swait.ge [sflag:s22], s20  }
0x9f: {  	s3 =	ssub.s32 $0x0, s20;
	[sflag:s22] =	ssyncset.done $0x0  }
0xa0: {  	[sflag:s22] =	ssyncadd.s32 s3;
	_ =	sdelay $0x1  }
0xa1: {  	s23 =	simm.s32 $0x1B8B  }
0xa2: {  	_ =	swait.ge [sflag:s23], $0x1  }
0xa3: {  	[sflag:s23] =	ssyncset.done $0x0  }
0xa4: {  	s25 =	simm.s32 $0x1B8E;
	s24 =	sld [smem:$0x3FFE];
	[sflag:s23] =	ssyncadd.s32 $0xFFFFFFFF  }
0xa5: {  	s26 =	simm.s32 $execute0_lowered;
	[smem:$0x3FD2] =	sst s25  }
0xa6: {  	s4 =	sshll.u32 s26, $0x1;
	_ =	strace $0x80000049;
	[dreg:$0x1] =	wrdreg $0xFFFFFFFF  }
0xa7: {  	s28 =	simm.s32 $_size_execute0_lowered;
	s2 =	sadd.s32 s2, s4;
	[dreg:$0x0] =	wrdreg $0x0  }
0xa8: {  	s4 =	sshll.u32 s28, $0x1;
	[dreg:$0x2] =	wrdreg s2  }
0xa9: {  	[dreg:$0x3] =	wrdreg s4  }
0xaa: {  	[dreg:$0x4] =	wrdreg $0xC0  }
0xab: {  	_ =	task [dreg:s6], $0x5FFFF  }
0xac: {  	[dreg:$0x1] =	wrdreg $0xFFFFFFFF  }
0xad: {  	[dreg:$0x0] =	wrdreg $0x60  }
0xae: {  	[dreg:$0x2] =	wrdreg s24  }
0xaf: {  	[dreg:$0x3] =	wrdreg $0xAC000  }
0xb0: {  	[dreg:$0x4] =	wrdreg $0x9  }
0xb1: {  	_ =	task.clear_ibuf [dreg:s6], $0x5FFFF;
	_ =	strace $0x90000049  }
0xb2: {  	s29 =	simm.s32 $0x9;
	_ =	strace $0x8000004B  }
0xb3: {  	_ =	swait.ge [sflag:s29], $0x1  }
0xb4: {  	[sflag:s29] =	ssyncadd.s32 $0xFFFFFFFF  }
0xb5: {  	_ =	strace $0x9000004B  }
0xb6: {  	_ =	sfence  }
0xb7: {  	s30 =	sld [smem:$0x0];
	_ =	sdelay $0x2  }
0xb8: {  	s31 =	sshll.u32 s1, $0xD;
	s1 =	sshrl.u32 s1, $0x2  }
0xb9: {  	s3 =	sand.u32 $0x4000, s31;
	s1 =	sadd.s32 s1, s30  }
0xba: {  	s0 =	sor.u32 s3, s0;
	s1 =	sshll.u32 s1, $0x11  }
0xbb: {  	s0 =	sor.u32 s1, s0  }
0xbc: {  	s0 =	sadd.s32 $0x8F2B, s0  }
0xbd: {  	[sflag:s0] =	ssyncadd.remote.s32 $0x1  }
0xbe: {  	_ =	sfence.sel $0xFFFF  }
0xbf: {  	[dreg:$0x0] =	wrdreg $0xFFFFFFFF;
	(pc) =	sbr.abs _section_cstart, $3  }
0xc0: {  	[dreg:$0x1] =	wrdreg $0xFFFFFFFF  }
0xc1: {  	_ =	task.clear_ibuf [dreg:s6], $0x2FFFF;
	_ =	strace $0x9FFFFFFF  }
0xc2: {  	(tm) =	ssettm $0x7FFFFFFF  }
0xc3: {  	_ =	shalt  }
tec
execute0_lowered:
.L_overlay_start_1:
0x0: {  	(tag) =	ssettag $0x1  }
0x1: {  	s5 =	rddreg [dreg:$0x0]  }
0x2: {  	s0 =	srdreg.scid;
	s1 =	stileid.u32  }
0x3: {  	s2 =	rddreg [dreg:$0x1];
	s7 =	smul.u32 $0x580, s1  }
0x4: {  	s3 =	simm.s32 $0x0;
	s14 =	simm.s32 $0x2C00;
	s8 =	smul.u32 $0x500, s1  }
0x5: {  	s15 =	simm.s32 $0x6C00;
	s16 =	simm.s32 $0x1;
	s11 =	smul.u32 $0x4F000, s1  }
0x6: {  	s6 =	sand.u32 $0x1, s0;
	s0 =	rddreg [dreg:$0x2];
	s21 =	smul.u32 $0x2780, s1  }
0x7: {  	s17 =	simm.s32 $0x2;
	[smem:$0x7FF] =	sst s3;
	s4 =	smul.u32 $0x27100, s6  }
0x8: {  	s12 =	sshll.u32 s1, $0x6;
	_ =	strace $0x8000004A;
	s10 =	smul.u32 $0x27800, s6  }
0x9: {  	s31 =	ssub.s32 $0x2, s6;
	s7 =	sadd.s32 s7, s5;
	s8 =	sadd.s32 s8, s5  }
0xa: {  	s6 =	sshrl.u32 s31, $0x1;
	s11 =	sshrl.u32 s11, $0x2;
	s9 =	sadd.s32 s4, s5  }
0xb: {  	s4 =	sadd.s32 $0x5BA00, s5;
	s10 =	sadd.s32 s10, s5;
	s13 =	ssub.s32 s31, s6  }
0xc: {  	s11 =	sadd.s32 s11, s2;
	s5 =	sor.u32 $0x1C03, s12;
	s6 =	sadd.s32 $0x8000, s7  }
0xd: {  	s7 =	sadd.s32 $0x2000, s8;
	s12 =	simm.s32 $0x1800;
	s8 =	sadd.s32 $0xD800, s9  }
0xe: {  	s20 =	sadd.s32 $0x5E200, s10;
	s9 =	smax.u32 s13, $0x1;
	s10 =	sshrl.u32 s11, $0x3  }
0xf: {  	s11 =	simm.s32 $0x3;
	s13 =	simm.s32 $0x80;
	s18 =	sadd.s32 $0x280, s6  }
0x10: {  	s19 =	sadd.s32 $0x280, s7;
	s20 =	sadd.s32 s21, s20;
	s21 =	simm.s32 $0x0  }
.LBB2_1:
0x11: {  	[spmem:s10], [sflag:s5] =	dma.local [hbm:s4], $0x2780  }
0x12: {  	_ =	swait.ge [sflag:s11], $0x2780  }
0x13: {  	[sflag:s11] =	ssyncset.done $0x0  }
0x14: {  	[sflag:s11] =	ssyncadd.s32 $0xFFFFD880  }
0x15: {  	[bflag:$0x0] =	sbarrier.arrive $0xFFFF  }
0x16: {  	[tilespmem:s3], [sflag:$0x3] =	stream.linear.gather [hbm4b:s6+s3], $0x1800, $0x38;
	[tilespmem:$0x1E800] =	vst v63  }
0x17: {  	_ =	swait.ge [sflag:s11], $0x1800  }
0x18: {  	[sflag:s11] =	ssyncset.done $0x0  }
0x19: {  	[sflag:s11] =	ssyncadd.s32 $0xFFFFE800  }
0x1a: {  	[tilespmem:s12], [sflag:$0x3] =	stream.linear.gather [hbm4b:s7+s3], $0x1400, $0x38;
	[tilespmem:$0x1E800] =	vst v63  }
0x1b: {  	_ =	swait.ge [sflag:s11], $0x1400  }
0x1c: {  	[sflag:s11] =	ssyncset.done $0x0  }
0x1d: {  	[sflag:s11] =	ssyncadd.s32 $0xFFFFEC00  }
0x1e: {  	[tilespmem:s14], [sflag:$0x1] =	stream.indirect.gather [hbm4b:s8+s13], $0x80, s3, s13, $0xb8;
	[tilespmem:$0x1E800] =	vst v63  }
0x1f: {  	s22 =	simm.s32 $0x80  }
0x20: {  	[tilespmem:s15], [sflag:$0x2] =	stream.indirect.gather [hbm4b:s8+s13], $0x80, s22, s13, $0xb8;
	[tilespmem:$0x1E800] =	vst v63  }
0x21: {  	_ =	swait.ge [sflag:s16], $0x4000  }
0x22: {  	[sflag:s16] =	ssyncset.done $0x0  }
0x23: {  	s29 =	simm.s32 $0x1800;
	[sflag:s16] =	ssyncadd.s32 $0xFFFFC000  }
0x24: {  	[spmem:s2] =	stream.indirect.scatter.add.f32 [tilespmem:s14], [sflag:$0x3], $0x80, s29, s13, $0xb8;
	[tilespmem:$0x1E800] =	vst v63  }
0x25: {  	_ =	swait.ge [sflag:s11], $0x4000  }
0x26: {  	[sflag:s11] =	ssyncset.done $0x0  }
0x27: {  	s30 =	simm.s32 $0x100;
	[sflag:s11] =	ssyncadd.s32 $0xFFFFC000  }
0x28: {  	[tilespmem:s14], [sflag:$0x1] =	stream.indirect.gather [hbm4b:s8+s13], $0x80, s30, s13, $0xb8;
	[tilespmem:$0x1E800] =	vst v63  }
0x29: {  	_ =	swait.ge [sflag:s17], $0x4000  }
0x2a: {  	[sflag:s17] =	ssyncset.done $0x0  }
0x2b: {  	s31 =	simm.s32 $0x1880;
	[sflag:s17] =	ssyncadd.s32 $0xFFFFC000  }
0x2c: {  	[spmem:s2] =	stream.indirect.scatter.add.f32 [tilespmem:s15], [sflag:$0x3], $0x80, s31, s13, $0xb8;
	[tilespmem:$0x1E800] =	vst v63  }
0x2d: {  	_ =	swait.ge [sflag:s11], $0x4000  }
0x2e: {  	s23 =	simm.s32 $0x800;
	s22 =	simm.s32 $0x100;
	[sflag:s11] =	ssyncset.done $0x0  }
.LBB2_2:
0x2f: {  	s24 =	sadd.s32 $0x80, s22  }
0x30: {  	[sflag:s11] =	ssyncadd.s32 $0xFFFFC000;
	s25 =	smov.u32 s23;
	s26 =	sadd.s32 $0x400, s23  }
0x31: {  	[tilespmem:s15], [sflag:$0x2] =	stream.indirect.gather [hbm4b:s8+s13], $0x80, s24, s13, $0xb8;
	[tilespmem:$0x1E800] =	vst v63  }
0x32: {  	p0 =	sne.s32 s23, $0x4C00;
	_ =	swait.ge [sflag:s16], $0x4000  }
0x33: {  	[sflag:s16] =	ssyncset.done $0x0  }
0x34: {  	s23 =	sadd.s32 $0x1800, s22;
	[sflag:s16] =	ssyncadd.s32 $0xFFFFC000  }
0x35: {  	[spmem:s2] =	stream.indirect.scatter.add.f32 [tilespmem:s14], [sflag:$0x3], $0x80, s23, s13, $0xb8;
	[tilespmem:$0x1E800] =	vst v63  }
0x36: {  	_ =	swait.ge [sflag:s11], $0x4000  }
0x37: {  	[sflag:s11] =	ssyncset.done $0x0  }
0x38: {  	s23 =	sadd.s32 $0x100, s22;
	[sflag:s11] =	ssyncadd.s32 $0xFFFFC000  }
0x39: {  	[tilespmem:s14], [sflag:$0x1] =	stream.indirect.gather [hbm4b:s8+s13], $0x80, s23, s13, $0xb8;
	[tilespmem:$0x1E800] =	vst v63  }
0x3a: {  	_ =	swait.ge [sflag:s17], $0x4000  }
.Ltmp0:
0x3b: {  	[sflag:s17] =	ssyncset.done $0x0;
	(pc) =	sbr.rel @p0 .LBB2_2-.Ltmp0, $4  }
0x3c: {  	s22 =	sadd.s32 $0x1880, s22;
	[sflag:s17] =	ssyncadd.s32 $0xFFFFC000  }
0x3d: {  	[spmem:s2] =	stream.indirect.scatter.add.f32 [tilespmem:s15], [sflag:$0x3], $0x80, s22, s13, $0xb8;
	[tilespmem:$0x1E800] =	vst v63  }
0x3e: {  	_ =	swait.ge [sflag:s11], $0x4000  }
0x3f: {  	s23 =	smov.u32 s26;
	s22 =	sshra.s32 s25, $0x2;
	[sflag:s11] =	ssyncset.done $0x0  }
0x40: {  	s23 =	sadd.s32 $0x80, s22;
	[sflag:s11] =	ssyncadd.s32 $0xFFFFC000  }
0x41: {  	[tilespmem:s15], [sflag:$0x2] =	stream.indirect.gather [hbm4b:s8+s13], $0x80, s23, s13, $0xb8;
	[tilespmem:$0x1E800] =	vst v63  }
0x42: {  	_ =	swait.ge [sflag:s16], $0x4000  }
0x43: {  	[sflag:s16] =	ssyncset.done $0x0  }
0x44: {  	s31 =	sadd.s32 $0x1800, s22;
	[sflag:s16] =	ssyncadd.s32 $0xFFFFC000  }
0x45: {  	[spmem:s2] =	stream.indirect.scatter.add.f32 [tilespmem:s14], [sflag:$0x3], $0x80, s31, s13, $0xb8;
	[tilespmem:$0x1E800] =	vst v63  }
0x46: {  	_ =	swait.ge [sflag:s11], $0x4000  }
0x47: {  	[sflag:s11] =	ssyncset.done $0x0  }
0x48: {  	s24 =	sadd.s32 $0x100, s22;
	[sflag:s11] =	ssyncadd.s32 $0xFFFFC000  }
0x49: {  	[tilespmem:s14], [sflag:$0x1] =	stream.indirect.gather [hbm4b:s8+s13], $0x80, s24, s13, $0xb8;
	[tilespmem:$0x1E800] =	vst v63  }
0x4a: {  	_ =	swait.ge [sflag:s17], $0x4000  }
0x4b: {  	[sflag:s17] =	ssyncset.done $0x0  }
0x4c: {  	s25 =	sadd.s32 $0x1880, s22;
	[sflag:s17] =	ssyncadd.s32 $0xFFFFC000  }
0x4d: {  	[spmem:s2] =	stream.indirect.scatter.add.f32 [tilespmem:s15], [sflag:$0x3], $0x80, s25, s13, $0xb8;
	[tilespmem:$0x1E800] =	vst v63  }
0x4e: {  	_ =	swait.ge [sflag:s11], $0x4000  }
0x4f: {  	[sflag:s11] =	ssyncset.done $0x0  }
0x50: {  	[sflag:s11] =	ssyncadd.s32 $0xFFFFC000  }
0x51: {  	_ =	swait.ge [sflag:s16], $0x4000  }
0x52: {  	[sflag:s16] =	ssyncset.done $0x0  }
0x53: {  	s26 =	simm.s32 $0x0;
	[sflag:s16] =	ssyncadd.s32 $0xFFFFC000  }
0x54: {  	[tilespmem:s26], [sflag:$0x3] =	stream.linear.gather [hbm4b:s18+s26], $0x1800, $0x38;
	[tilespmem:$0x1E800] =	vst v63  }
0x55: {  	_ =	swait.ge [sflag:s11], $0x1800  }
0x56: {  	[sflag:s11] =	ssyncset.done $0x0  }
0x57: {  	[sflag:s11] =	ssyncadd.s32 $0xFFFFE800  }
0x58: {  	[tilespmem:s12], [sflag:$0x3] =	stream.linear.gather [hbm4b:s19+s26], $0x1400, $0x38;
	[tilespmem:$0x1E800] =	vst v63  }
0x59: {  	_ =	swait.ge [sflag:s11], $0x1400  }
0x5a: {  	[sflag:s11] =	ssyncset.done $0x0  }
0x5b: {  	[sflag:s11] =	ssyncadd.s32 $0xFFFFEC00  }
0x5c: {  	[tilespmem:s14], [sflag:$0x1] =	stream.indirect.gather [hbm4b:s8+s13], $0x80, s26, s13, $0xb8;
	[tilespmem:$0x1E800] =	vst v63  }
0x5d: {  	s28 =	simm.s32 $0x80  }
0x5e: {  	[tilespmem:s15], [sflag:$0x2] =	stream.indirect.gather [hbm4b:s8+s13], $0x80, s28, s13, $0xb8;
	[tilespmem:$0x1E800] =	vst v63  }
0x5f: {  	_ =	swait.ge [sflag:s16], $0x4000  }
0x60: {  	[sflag:s16] =	ssyncset.done $0x0  }
0x61: {  	s29 =	simm.s32 $0x1800;
	[sflag:s16] =	ssyncadd.s32 $0xFFFFC000  }
0x62: {  	[spmem:s2] =	stream.indirect.scatter.add.f32 [tilespmem:s14], [sflag:$0x3], $0x80, s29, s13, $0xb8;
	[tilespmem:$0x1E800] =	vst v63  }
0x63: {  	_ =	swait.ge [sflag:s11], $0x4000  }
0x64: {  	[sflag:s11] =	ssyncset.done $0x0  }
0x65: {  	s30 =	simm.s32 $0x100;
	[sflag:s11] =	ssyncadd.s32 $0xFFFFC000  }
0x66: {  	[tilespmem:s14], [sflag:$0x1] =	stream.indirect.gather [hbm4b:s8+s13], $0x80, s30, s13, $0xb8;
	[tilespmem:$0x1E800] =	vst v63  }
0x67: {  	_ =	swait.ge [sflag:s17], $0x4000  }
0x68: {  	[sflag:s17] =	ssyncset.done $0x0  }
0x69: {  	s31 =	simm.s32 $0x1880;
	[sflag:s17] =	ssyncadd.s32 $0xFFFFC000  }
0x6a: {  	[spmem:s2] =	stream.indirect.scatter.add.f32 [tilespmem:s15], [sflag:$0x3], $0x80, s31, s13, $0xb8;
	[tilespmem:$0x1E800] =	vst v63  }
0x6b: {  	_ =	swait.ge [sflag:s11], $0x4000  }
0x6c: {  	s22 =	simm.s32 $0x100;
	s23 =	simm.s32 $0x800;
	[sflag:s11] =	ssyncset.done $0x0  }
.LBB2_4:
0x6d: {  	s24 =	sadd.s32 $0x80, s22  }
0x6e: {  	[sflag:s11] =	ssyncadd.s32 $0xFFFFC000;
	s25 =	smov.u32 s23;
	s26 =	sadd.s32 $0x400, s23  }
0x6f: {  	[tilespmem:s15], [sflag:$0x2] =	stream.indirect.gather [hbm4b:s8+s13], $0x80, s24, s13, $0xb8;
	[tilespmem:$0x1E800] =	vst v63  }
0x70: {  	p0 =	sne.s32 s23, $0x4C00;
	_ =	swait.ge [sflag:s16], $0x4000  }
0x71: {  	[sflag:s16] =	ssyncset.done $0x0  }
0x72: {  	s23 =	sadd.s32 $0x1800, s22;
	[sflag:s16] =	ssyncadd.s32 $0xFFFFC000  }
0x73: {  	[spmem:s2] =	stream.indirect.scatter.add.f32 [tilespmem:s14], [sflag:$0x3], $0x80, s23, s13, $0xb8;
	[tilespmem:$0x1E800] =	vst v63  }
0x74: {  	_ =	swait.ge [sflag:s11], $0x4000  }
0x75: {  	[sflag:s11] =	ssyncset.done $0x0  }
0x76: {  	s23 =	sadd.s32 $0x100, s22;
	[sflag:s11] =	ssyncadd.s32 $0xFFFFC000  }
0x77: {  	[tilespmem:s14], [sflag:$0x1] =	stream.indirect.gather [hbm4b:s8+s13], $0x80, s23, s13, $0xb8;
	[tilespmem:$0x1E800] =	vst v63  }
0x78: {  	_ =	swait.ge [sflag:s17], $0x4000  }
.Ltmp1:
0x79: {  	[sflag:s17] =	ssyncset.done $0x0;
	(pc) =	sbr.rel @p0 .LBB2_4-.Ltmp1, $4  }
0x7a: {  	s22 =	sadd.s32 $0x1880, s22;
	[sflag:s17] =	ssyncadd.s32 $0xFFFFC000  }
0x7b: {  	[spmem:s2] =	stream.indirect.scatter.add.f32 [tilespmem:s15], [sflag:$0x3], $0x80, s22, s13, $0xb8;
	[tilespmem:$0x1E800] =	vst v63  }
0x7c: {  	_ =	swait.ge [sflag:s11], $0x4000  }
0x7d: {  	s23 =	smov.u32 s26;
	s22 =	sshra.s32 s25, $0x2;
	[sflag:s11] =	ssyncset.done $0x0  }
0x7e: {  	s23 =	sadd.s32 $0x80, s22;
	[sflag:s11] =	ssyncadd.s32 $0xFFFFC000  }
0x7f: {  	[tilespmem:s15], [sflag:$0x2] =	stream.indirect.gather [hbm4b:s8+s13], $0x80, s23, s13, $0xb8;
	[tilespmem:$0x1E800] =	vst v63  }
0x80: {  	_ =	swait.ge [sflag:s16], $0x4000  }
0x81: {  	[sflag:s16] =	ssyncset.done $0x0  }
0x82: {  	s29 =	sadd.s32 $0x1800, s22;
	[sflag:s16] =	ssyncadd.s32 $0xFFFFC000  }
0x83: {  	[spmem:s2] =	stream.indirect.scatter.add.f32 [tilespmem:s14], [sflag:$0x3], $0x80, s29, s13, $0xb8;
	[tilespmem:$0x1E800] =	vst v63  }
0x84: {  	_ =	swait.ge [sflag:s11], $0x4000  }
0x85: {  	[sflag:s11] =	ssyncset.done $0x0  }
0x86: {  	s30 =	sadd.s32 $0x100, s22;
	[sflag:s11] =	ssyncadd.s32 $0xFFFFC000  }
0x87: {  	[tilespmem:s14], [sflag:$0x1] =	stream.indirect.gather [hbm4b:s8+s13], $0x80, s30, s13, $0xb8;
	[tilespmem:$0x1E800] =	vst v63  }
0x88: {  	_ =	swait.ge [sflag:s17], $0x4000  }
0x89: {  	[sflag:s17] =	ssyncset.done $0x0  }
0x8a: {  	s31 =	sadd.s32 $0x1880, s22;
	[sflag:s17] =	ssyncadd.s32 $0xFFFFC000  }
0x8b: {  	[spmem:s2] =	stream.indirect.scatter.add.f32 [tilespmem:s15], [sflag:$0x3], $0x80, s31, s13, $0xb8;
	[tilespmem:$0x1E800] =	vst v63  }
0x8c: {  	_ =	swait.ge [sflag:s11], $0x4000  }
0x8d: {  	[sflag:s11] =	ssyncset.done $0x0  }
0x8e: {  	[sflag:s11] =	ssyncadd.s32 $0xFFFFC000  }
0x8f: {  	_ =	swait.ge [sflag:s16], $0x4000  }
0x90: {  	s21 =	sadd.s32 $0x1, s21;
	[sflag:s16] =	ssyncset.done $0x0  }
0x91: {  	p0 =	sne.s32 s21, s9;
	[sflag:s16] =	ssyncadd.s32 $0xFFFFC000  }
.Ltmp2:
0x92: {  	[bflag:$0x0] =	sbarrier.arrive $0xFFFF;
	(pc) =	sbr.rel @p0 .LBB2_1-.Ltmp2, $4  }
0x93: {  	[hbm:s20], [sflag:s5] =	dma.local [spmem:s10], $0x2780  }
0x94: {  	_ =	swait.ge [sflag:s11], $0x2780  }
0x95: {  	[sflag:s11] =	ssyncset.done $0x0  }
0x96: {  	[sflag:s11] =	ssyncadd.s32 $0xFFFFD880  }
0x97: {  	_ =	sfence.sel $0x180000  }
0x98: {  	[bflag:$0x0] =	sbarrier.arrive $0xFFFF  }
0x99: {  	p0 =	sne.s32 s1, $0x0;
	_ =	strace $0x9000004A  }
0x9a: {  	s0 =	sadd.s32 @!p0 $0x100000, s0;
	[bflag:$0x2] =	sbarrier.arrive $0xFFFF  }
0x9b: {  	[sflag:s0] =	ssyncadd.tile.s32 @!p0 $0x1;
	_ =	shalt  }
.Lfunc_end2:
_tile_overlayer_lowered:
.L_overlay_start_2:
0x9c: {  	(tag) =	ssettag $0x2  }
0x9d: {  	s0 =	rddreg [dreg:$0x0];
	s2 =	stileid.u32  }
0x9e: {  	s1 =	rddreg [dreg:$0x1];
	p0 =	sne.s32 s2, $0x0  }
0x9f: {  	s3 =	rddreg [dreg:$0x2];
	[bflag:$0x3] =	sbarrier.arrive $0xFFFF;
	s2 =	simm.s32 @!p0 $0x1C03  }
0xa0: {  	[timem:s3], [sflag:s2] =	dma.local @!p0 [hbm:s0], s1  }
0xa1: {  	s0 =	simm.s32 @!p0 $0x3  }
0xa2: {  	_ =	swait.ge @!p0 [sflag:s0], s1  }
0xa3: {  	s1 =	ssub.s32 @!p0 $0x0, s1;
	[sflag:s0] =	ssyncset.done @!p0 $0x0  }
0xa4: {  	[sflag:s0] =	ssyncadd.s32 @!p0 s1  }
0xa5: {  	[bflag:$0x3] =	sbarrier.arrive $0xFFFF  }
0xa6: {  	_ =	shalt  }

// kernel: kernel.17.cloned.1.call-start
scs
__scs_entry_jumppad:
0x0: {  	(pc) =	sbr.rel $0x88, $3  }
0x1: {  	(tag) =	ssettag $0x0;
	lr =	simm.s32 $0x1  }
0x2: {  	[smem:$0x3F92] =	sst lr;
	_ =	strace $0xD0000000  }
0x3: {  	_ = 	snop  }
0x4: {  	_ = 	snop  }
0x5: {  	_ = 	snop  }
0x6: {  	_ = 	snop  }
0x7: {  	_ = 	snop  }
__scs_overlays_trampoline_lowered:
0x8: {  	[smem:$0x3FA1] =	sst s0  }
0x9: {  	[smem:$0x3FA2] =	sst s1  }
0xa: {  	[smem:$0x3FA3] =	sst s2  }
0xb: {  	[smem:$0x3FA4] =	sst s3  }
0xc: {  	[smem:$0x3FA5] =	sst s4  }
0xd: {  	[smem:$0x3FA6] =	sst s5  }
0xe: {  	[smem:$0x3FA7] =	sst s6  }
0xf: {  	[smem:$0x3FA8] =	sst s7  }
0x10: {  	[smem:$0x3FA9] =	sst s8  }
0x11: {  	[smem:$0x3FAA] =	sst s9;
	s0 =	simm.s32 @!p0 $0x0  }
0x12: {  	s1 =	sld [smem:$0x3F90];
	s0 =	simm.s32 @p0 $0x1  }
0x13: {  	[smem:$0x3FAB] =	sst s0;
	s0 =	simm.s32 @!p1 $0x0  }
0x14: {  	s2 =	sld [smem:$0x3F8F];
	s0 =	simm.s32 @p1 $0x1  }
0x15: {  	[smem:$0x3FAC] =	sst s0;
	s0 =	simm.s32 @!p2 $0x0  }
0x16: {  	s3 =	sld [smem:$0x3FDB];
	s0 =	simm.s32 @p2 $0x1  }
0x17: {  	s4 =	simm.s32 $0x1BF5;
	[smem:$0x3FAE] =	sst s0  }
0x18: {  	s0 =	sld [smem:$0x3F91];
	_ =	swait.ge [sflag:s4], $0x0  }
0x19: {  	s7 =	sld [smem:$0x3F92]  }
0x1a: {  	s8 =	sadd.s32 $0xFFFFE003, lr  }
0x1b: {  	s9 =	sadd.s32 $0xFFFFFEF7, lr;
	s5 =	simm.s32 $0xFFFFFFFF;
	p2 =	slt.u32 s8, $0xFFFFF086  }
0x1c: {  	p1 =	slt.u32 s9, $0xF7A;
	s5 =	simm.s32 @!p2 $0x0  }
0x1d: {  	s5 =	simm.s32 @p1 $0x1;
	p0 =	seq.s32 s7, s2  }
0x1e: {  	s7 =	smul.u32 @!p0 $0xF7A, s2;
	p2 =	seq.s32 @!p0 s5, $0x0  }
0x1f: {  	s9 =	smul.u32 $0xF7A, s1;
	s8 =	simm.s32 @!p0 $0x1BF5;
	p2 =	por !p2, p0  }
0x20: {  	[sflag:s8] =	ssyncset.s32 @!p0 $0xFFFFF086;
	s6 =	sadd.s32 @!p0 s3, s7;
	s7 =	simm.s32 @!p0 $0x108  }
0x21: {  	s3 =	sadd.s32 s3, s9;
	s6 =	sadd.s32 @!p0 $0x88, s6;
	s7 =	simm.s32 @p2 $0x1082  }
0x22: {  	[simem:s7], [sflag:s8] =	dma.local @!p0 [hbm:s6], $0xF7A  }
0x23: {  	s9 =	sor.u32 $0xD0000000, s2;
	s6 =	simm.s32 $0x108;
	_ =	swait.ge @!p0 [sflag:s8], $0x0  }
0x24: {  	s3 =	sadd.s32 $0x88, s3;
	s6 =	simm.s32 @!p1 $0x1082;
	[sflag:s4] =	ssyncset.s32 $0xFFFFF086  }
0x25: {  	[simem:s6], [sflag:s4] =	dma.local [hbm:s3], $0xF7A  }
0x26: {  	[smem:$0x3F92] =	sst s1;
	(tag) =	ssettag s2;
	_ =	strace s9  }
0x27: {  	s1 =	sld [smem:$0x3FA2]  }
0x28: {  	s2 =	sld [smem:$0x3FA3]  }
0x29: {  	s4 =	sld [smem:$0x3FA5]  }
0x2a: {  	p0 =	seq.s32 s5, $0x0;
	s5 =	sld [smem:$0x3FA6]  }
0x2b: {  	s6 =	sld [smem:$0x3FA7]  }
0x2c: {  	s7 =	sld [smem:$0x3FA8]  }
0x2d: {  	s3 =	simm.s32 $0x108;
	s8 =	sld [smem:$0x3FA9]  }
0x2e: {  	s3 =	simm.s32 @!p0 $0x1082;
	s9 =	sld [smem:$0x3FAA]  }
0x2f: {  	lr =	sadd.s32 s0, s3;
	s0 =	sld [smem:$0x3FA1]  }
0x30: {  	s3 =	sld [smem:$0x3FA4]  }
0x31: {  	[smem:$0x3FAD] =	sst s10  }
0x32: {  	s10 =	sld [smem:$0x3FAB];
	_ =	sdelay $0x3  }
0x33: {  	p0 =	seq.s32 s10, $0x1;
	s10 =	sld [smem:$0x3FAD];
	_ =	sdelay $0x3  }
0x34: {  	[smem:$0x3FAD] =	sst s10  }
0x35: {  	s10 =	sld [smem:$0x3FAC];
	_ =	sdelay $0x3  }
0x36: {  	p1 =	seq.s32 s10, $0x1;
	s10 =	sld [smem:$0x3FAD];
	_ =	sdelay $0x3  }
0x37: {  	[smem:$0x3FAD] =	sst s10  }
0x38: {  	s10 =	sld [smem:$0x3FAE]  }
0x39: {  	_ = 	snop;
	(pc) =	sbr.ind lr, $3  }
0x3a: {  	_ = 	snop  }
0x3b: {  	_ = 	snop  }
0x3c: {  	p2 =	seq.s32 s10, $0x1;
	s10 =	sld [smem:$0x3FAD]  }
0x3d: {  	_ =	shalt  }
0x3e: {  	_ =	shalt  }
0x3f: {  	_ =	shalt  }
0x40: {  	_ =	shalt  }
0x41: {  	_ =	shalt  }
0x42: {  	_ =	shalt  }
0x43: {  	_ =	shalt  }
0x44: {  	_ =	shalt  }
0x45: {  	_ =	shalt  }
0x46: {  	_ =	shalt  }
0x47: {  	_ =	shalt  }
0x48: {  	_ =	shalt  }
0x49: {  	_ =	shalt  }
0x4a: {  	_ =	shalt  }
0x4b: {  	_ =	shalt  }
0x4c: {  	_ =	shalt  }
0x4d: {  	_ =	shalt  }
0x4e: {  	_ =	shalt  }
0x4f: {  	_ =	shalt  }
0x50: {  	_ =	shalt  }
0x51: {  	_ =	shalt  }
0x52: {  	_ =	shalt  }
0x53: {  	_ =	shalt  }
0x54: {  	_ =	shalt  }
0x55: {  	_ =	shalt  }
0x56: {  	_ =	shalt  }
0x57: {  	_ =	shalt  }
0x58: {  	_ =	shalt  }
0x59: {  	_ =	shalt  }
0x5a: {  	_ =	shalt  }
0x5b: {  	_ =	shalt  }
0x5c: {  	_ =	shalt  }
0x5d: {  	_ =	shalt  }
0x5e: {  	_ =	shalt  }
0x5f: {  	_ =	shalt  }
0x60: {  	_ =	shalt  }
0x61: {  	_ =	shalt  }
0x62: {  	_ =	shalt  }
0x63: {  	_ =	shalt  }
0x64: {  	_ =	shalt  }
0x65: {  	_ =	shalt  }
0x66: {  	_ =	shalt  }
0x67: {  	_ =	shalt  }
0x68: {  	_ =	shalt  }
0x69: {  	_ =	shalt  }
0x6a: {  	_ =	shalt  }
0x6b: {  	_ =	shalt  }
0x6c: {  	_ =	shalt  }
0x6d: {  	_ =	shalt  }
0x6e: {  	_ =	shalt  }
0x6f: {  	_ =	shalt  }
0x70: {  	_ =	shalt  }
0x71: {  	_ =	shalt  }
0x72: {  	_ =	shalt  }
0x73: {  	_ =	shalt  }
0x74: {  	_ =	shalt  }
0x75: {  	_ =	shalt  }
0x76: {  	_ =	shalt  }
0x77: {  	_ =	shalt  }
0x78: {  	_ =	shalt  }
0x79: {  	_ =	shalt  }
0x7a: {  	_ =	shalt  }
0x7b: {  	_ =	shalt  }
0x7c: {  	_ =	shalt  }
0x7d: {  	_ =	shalt  }
0x7e: {  	_ =	shalt  }
0x7f: {  	_ =	shalt  }
0x80: {  	_ =	shalt  }
0x81: {  	_ =	shalt  }
0x82: {  	_ =	shalt  }
0x83: {  	_ =	shalt  }
0x84: {  	_ =	shalt  }
0x85: {  	_ =	shalt  }
0x86: {  	_ =	shalt  }
0x87: {  	_ =	shalt  }
.Lfunc_end0:
.L_simem_size_0:
called_computation.2_lowered:
.L_overlay_start_0:
0x88: {  	s2 =	sld [smem:$0x3FD9]  }
0x89: {  	s3 =	sld [smem:$0x3FFE];
	_ =	sdelay $0x1  }
0x8a: {  	s1 =	srdreg.scid  }
0x8b: {  	s0 =	sand.u32 $0x1, s1  }
0x8c: {  	s16 =	sshll.u32 s0, $0xA;
	s2 =	sadd.s32 s3, s2  }
0x8d: {  	s2 =	sadd.s32 s2, s16  }
0x8e: {  	[smem:$0x3FB9] =	sst s2  }
0x8f: {  	_ = 	snop  }
0x90: {  	(tm) =	ssettm $0x1  }
0x91: {  	s17 =	sld [smem:$0x3FFB];
	_ =	sdelay $0x3  }
0x92: {  	_ =	strace s17  }
0x93: {  	s2 =	sld [smem:$0x3FFC];
	_ =	sdelay $0x3  }
0x94: {  	_ =	strace s2  }
0x95: {  	s2 =	sld [smem:$0x3FFD];
	_ =	sdelay $0x3  }
0x96: {  	_ =	strace s2  }
0x97: {  	_ =	strace $0x8FFFFFFF  }
0x98: {  	s18 =	sld [smem:$0x3FDB];
	_ =	sdelay $0x1  }
0x99: {  	s19 =	simm.s32 $_scs_section_size  }
0x9a: {  	s4 =	simm.s32 $_size__tile_overlayer_lowered;
	s5 =	simm.s32 $_tile_overlayer_lowered  }
0x9b: {  	s22 =	simm.s32 $0x1BFF;
	s21 =	sshll.u32 s5, $0x1;
	s2 =	sadd.s32 s19, s18  }
0x9c: {  	s6 =	simm.s32 $0x0;
	s20 =	sshll.u32 s4, $0x1;
	s4 =	sadd.s32 s21, s2  }
0x9d: {  	[timem:s6], [sflag:s22] =	dma.local [hbm:s4], s20  }
0x9e: {  	_ =	swait.ge [sflag:s22], s20  }
0x9f: {  	s3 =	ssub.s32 $0x0, s20;
	[sflag:s22] =	ssyncset.done $0x0  }
0xa0: {  	[sflag:s22] =	ssyncadd.s32 s3;
	_ =	sdelay $0x1  }
0xa1: {  	s23 =	simm.s32 $0x1B8B  }
0xa2: {  	_ =	swait.ge [sflag:s23], $0x1  }
0xa3: {  	[sflag:s23] =	ssyncset.done $0x0  }
0xa4: {  	s25 =	simm.s32 $0x1B8E;
	s24 =	sld [smem:$0x3FFE];
	[sflag:s23] =	ssyncadd.s32 $0xFFFFFFFF  }
0xa5: {  	s26 =	simm.s32 $execute0_lowered;
	[smem:$0x3FD2] =	sst s25  }
0xa6: {  	s4 =	sshll.u32 s26, $0x1;
	_ =	strace $0x8000004C;
	[dreg:$0x1] =	wrdreg $0xFFFFFFFF  }
0xa7: {  	s28 =	simm.s32 $_size_execute0_lowered;
	s2 =	sadd.s32 s2, s4;
	[dreg:$0x0] =	wrdreg $0x0  }
0xa8: {  	s4 =	sshll.u32 s28, $0x1;
	[dreg:$0x2] =	wrdreg s2  }
0xa9: {  	[dreg:$0x3] =	wrdreg s4  }
0xaa: {  	[dreg:$0x4] =	wrdreg $0xC0  }
0xab: {  	_ =	task [dreg:s6], $0x5FFFF  }
0xac: {  	[dreg:$0x1] =	wrdreg $0xFFFFFFFF  }
0xad: {  	[dreg:$0x0] =	wrdreg $0x60  }
0xae: {  	[dreg:$0x2] =	wrdreg s24  }
0xaf: {  	[dreg:$0x3] =	wrdreg $0xAC000  }
0xb0: {  	[dreg:$0x4] =	wrdreg $0x9  }
0xb1: {  	_ =	task.clear_ibuf [dreg:s6], $0x5FFFF;
	_ =	strace $0x9000004C  }
0xb2: {  	s29 =	simm.s32 $0x9;
	_ =	strace $0x8000004E  }
0xb3: {  	_ =	swait.ge [sflag:s29], $0x1  }
0xb4: {  	[sflag:s29] =	ssyncadd.s32 $0xFFFFFFFF  }
0xb5: {  	_ =	strace $0x9000004E  }
0xb6: {  	_ =	sfence  }
0xb7: {  	s30 =	sld [smem:$0x0];
	_ =	sdelay $0x2  }
0xb8: {  	s31 =	sshll.u32 s1, $0xD;
	s1 =	sshrl.u32 s1, $0x2  }
0xb9: {  	s3 =	sand.u32 $0x4000, s31;
	s1 =	sadd.s32 s1, s30  }
0xba: {  	s0 =	sor.u32 s3, s0;
	s1 =	sshll.u32 s1, $0x11  }
0xbb: {  	s0 =	sor.u32 s1, s0  }
0xbc: {  	s0 =	sadd.s32 $0x8F2B, s0  }
0xbd: {  	[sflag:s0] =	ssyncadd.remote.s32 $0x1  }
0xbe: {  	_ =	sfence.sel $0xFFFF  }
0xbf: {  	[dreg:$0x0] =	wrdreg $0xFFFFFFFF;
	(pc) =	sbr.abs _section_cstart, $3  }
0xc0: {  	[dreg:$0x1] =	wrdreg $0xFFFFFFFF  }
0xc1: {  	_ =	task.clear_ibuf [dreg:s6], $0x2FFFF;
	_ =	strace $0x9FFFFFFF  }
0xc2: {  	(tm) =	ssettm $0x7FFFFFFF  }
0xc3: {  	_ =	shalt  }
tec
execute0_lowered:
.L_overlay_start_1:
0x0: {  	(tag) =	ssettag $0x1  }
0x1: {  	s5 =	rddreg [dreg:$0x0]  }
0x2: {  	s2 =	rddreg [dreg:$0x1]  }
0x3: {  	s0 =	rddreg [dreg:$0x2];
	s1 =	stileid.u32  }
0x4: {  	s3 =	simm.s32 $0x0;
	s7 =	srdreg.scid;
	s4 =	smul.u32 $0x580, s1  }
0x5: {  	s18 =	simm.s32 $0x2;
	[smem:$0x7FF] =	sst s3;
	s6 =	smul.u32 $0x500, s1  }
0x6: {  	s9 =	sadd.s32 $0x149600, s5;
	s7 =	sand.u32 $0x1, s7;
	s11 =	smul.u32 $0x4F000, s1  }
0x7: {  	s12 =	sadd.s32 $0x5E200, s5;
	s30 =	sshll.u32 s1, $0x6;
	s21 =	smul.u32 $0x2780, s1  }
0x8: {  	_ =	strace $0x8000004D;
	s25 =	ssub.s32 $0x2, s7;
	s29 =	smul.u32 $0x4E200, s7  }
0x9: {  	s14 =	smul.u32 $0x4F000, s7;
	s15 =	sshllo.u32 s7, $0x1;
	s8 =	sadd.s32 s4, s5  }
0xa: {  	s10 =	sadd.s32 s6, s5;
	s4 =	sadd.s32 $0x5BA00, s5;
	s26 =	sshrl.u32 s25, $0x1  }
0xb: {  	s28 =	sshrl.u32 s11, $0x2;
	s5 =	sor.u32 $0x1C03, s30;
	s17 =	smul.u32 $0x27100, s15  }
0xc: {  	s31 =	smul.u32 $0x27800, s15;
	s15 =	simm.s32 $0x2C00;
	s13 =	ssub.s32 s25, s26  }
0xd: {  	s16 =	sadd.s32 s28, s2;
	s6 =	sadd.s32 $0x8000, s8;
	s7 =	sadd.s32 $0x2000, s10  }
0xe: {  	s8 =	sadd.s32 s9, s29;
	s20 =	sadd.s32 s12, s14;
	s14 =	simm.s32 $0x80  }
0xf: {  	s9 =	sadd.s32 s9, s17;
	s22 =	sadd.s32 s12, s31;
	s10 =	smax.u32 s13, $0x1  }
0x10: {  	s11 =	sshrl.u32 s16, $0x3;
	s12 =	simm.s32 $0x3;
	s13 =	simm.s32 $0x1800  }
0x11: {  	s16 =	simm.s32 $0x6C00;
	s17 =	simm.s32 $0x1;
	s19 =	sadd.s32 $0x280, s6  }
0x12: {  	s20 =	sadd.s32 s21, s20;
	s21 =	sadd.s32 s21, s22;
	s22 =	simm.s32 $0x0  }
.LBB2_1:
0x13: {  	[spmem:s11], [sflag:s5] =	dma.local [hbm:s4], $0x2780  }
0x14: {  	_ =	swait.ge [sflag:s12], $0x2780  }
0x15: {  	[sflag:s12] =	ssyncset.done $0x0  }
0x16: {  	[sflag:s12] =	ssyncadd.s32 $0xFFFFD880  }
0x17: {  	[bflag:$0x0] =	sbarrier.arrive $0xFFFF  }
0x18: {  	[tilespmem:s3], [sflag:$0x3] =	stream.linear.gather [hbm4b:s6+s3], $0x1800, $0x38;
	[tilespmem:$0x1E800] =	vst v63  }
0x19: {  	_ =	swait.ge [sflag:s12], $0x1800  }
0x1a: {  	[sflag:s12] =	ssyncset.done $0x0  }
0x1b: {  	[sflag:s12] =	ssyncadd.s32 $0xFFFFE800  }
0x1c: {  	[tilespmem:s13], [sflag:$0x3] =	stream.linear.gather [hbm4b:s7+s3], $0x1400, $0x38;
	[tilespmem:$0x1E800] =	vst v63  }
0x1d: {  	_ =	swait.ge [sflag:s12], $0x1400  }
0x1e: {  	[sflag:s12] =	ssyncset.done $0x0  }
0x1f: {  	[sflag:s12] =	ssyncadd.s32 $0xFFFFEC00  }
0x20: {  	[tilespmem:s15], [sflag:$0x1] =	stream.indirect.gather [hbm4b:s8+s14], $0x80, s3, s14, $0xb8;
	[tilespmem:$0x1E800] =	vst v63  }
0x21: {  	s23 =	simm.s32 $0x80  }
0x22: {  	[tilespmem:s16], [sflag:$0x2] =	stream.indirect.gather [hbm4b:s8+s14], $0x80, s23, s14, $0xb8;
	[tilespmem:$0x1E800] =	vst v63  }
0x23: {  	_ =	swait.ge [sflag:s17], $0x4000  }
0x24: {  	[sflag:s17] =	ssyncset.done $0x0  }
0x25: {  	s29 =	simm.s32 $0x1800;
	[sflag:s17] =	ssyncadd.s32 $0xFFFFC000  }
0x26: {  	[spmem:s2] =	stream.indirect.scatter.add.f32 [tilespmem:s15], [sflag:$0x3], $0x80, s29, s14, $0xb8;
	[tilespmem:$0x1E800] =	vst v63  }
0x27: {  	_ =	swait.ge [sflag:s12], $0x4000  }
0x28: {  	[sflag:s12] =	ssyncset.done $0x0  }
0x29: {  	s30 =	simm.s32 $0x100;
	[sflag:s12] =	ssyncadd.s32 $0xFFFFC000  }
0x2a: {  	[tilespmem:s15], [sflag:$0x1] =	stream.indirect.gather [hbm4b:s8+s14], $0x80, s30, s14, $0xb8;
	[tilespmem:$0x1E800] =	vst v63  }
0x2b: {  	_ =	swait.ge [sflag:s18], $0x4000  }
0x2c: {  	[sflag:s18] =	ssyncset.done $0x0  }
0x2d: {  	s31 =	simm.s32 $0x1880;
	[sflag:s18] =	ssyncadd.s32 $0xFFFFC000  }
0x2e: {  	[spmem:s2] =	stream.indirect.scatter.add.f32 [tilespmem:s16], [sflag:$0x3], $0x80, s31, s14, $0xb8;
	[tilespmem:$0x1E800] =	vst v63  }
0x2f: {  	_ =	swait.ge [sflag:s12], $0x4000  }
0x30: {  	s24 =	simm.s32 $0x800;
	s23 =	simm.s32 $0x100;
	[sflag:s12] =	ssyncset.done $0x0  }
.LBB2_2:
0x31: {  	s25 =	sadd.s32 $0x80, s23  }
0x32: {  	[sflag:s12] =	ssyncadd.s32 $0xFFFFC000;
	s26 =	smov.u32 s24;
	s28 =	sadd.s32 $0x400, s24  }
0x33: {  	[tilespmem:s16], [sflag:$0x2] =	stream.indirect.gather [hbm4b:s8+s14], $0x80, s25, s14, $0xb8;
	[tilespmem:$0x1E800] =	vst v63  }
0x34: {  	p0 =	sne.s32 s24, $0x4C00;
	_ =	swait.ge [sflag:s17], $0x4000  }
0x35: {  	[sflag:s17] =	ssyncset.done $0x0  }
0x36: {  	s24 =	sadd.s32 $0x1800, s23;
	[sflag:s17] =	ssyncadd.s32 $0xFFFFC000  }
0x37: {  	[spmem:s2] =	stream.indirect.scatter.add.f32 [tilespmem:s15], [sflag:$0x3], $0x80, s24, s14, $0xb8;
	[tilespmem:$0x1E800] =	vst v63  }
0x38: {  	_ =	swait.ge [sflag:s12], $0x4000  }
0x39: {  	[sflag:s12] =	ssyncset.done $0x0  }
0x3a: {  	s24 =	sadd.s32 $0x100, s23;
	[sflag:s12] =	ssyncadd.s32 $0xFFFFC000  }
0x3b: {  	[tilespmem:s15], [sflag:$0x1] =	stream.indirect.gather [hbm4b:s8+s14], $0x80, s24, s14, $0xb8;
	[tilespmem:$0x1E800] =	vst v63  }
0x3c: {  	_ =	swait.ge [sflag:s18], $0x4000  }
.Ltmp0:
0x3d: {  	[sflag:s18] =	ssyncset.done $0x0;
	(pc) =	sbr.rel @p0 .LBB2_2-.Ltmp0, $4  }
0x3e: {  	s23 =	sadd.s32 $0x1880, s23;
	[sflag:s18] =	ssyncadd.s32 $0xFFFFC000  }
0x3f: {  	[spmem:s2] =	stream.indirect.scatter.add.f32 [tilespmem:s16], [sflag:$0x3], $0x80, s23, s14, $0xb8;
	[tilespmem:$0x1E800] =	vst v63  }
0x40: {  	_ =	swait.ge [sflag:s12], $0x4000  }
0x41: {  	s24 =	smov.u32 s28;
	s23 =	sshra.s32 s26, $0x2;
	[sflag:s12] =	ssyncset.done $0x0  }
0x42: {  	s24 =	sadd.s32 $0x80, s23;
	[sflag:s12] =	ssyncadd.s32 $0xFFFFC000  }
0x43: {  	[tilespmem:s16], [sflag:$0x2] =	stream.indirect.gather [hbm4b:s8+s14], $0x80, s24, s14, $0xb8;
	[tilespmem:$0x1E800] =	vst v63  }
0x44: {  	_ =	swait.ge [sflag:s17], $0x4000  }
0x45: {  	[sflag:s17] =	ssyncset.done $0x0  }
0x46: {  	s30 =	sadd.s32 $0x1800, s23;
	[sflag:s17] =	ssyncadd.s32 $0xFFFFC000  }
0x47: {  	[spmem:s2] =	stream.indirect.scatter.add.f32 [tilespmem:s15], [sflag:$0x3], $0x80, s30, s14, $0xb8;
	[tilespmem:$0x1E800] =	vst v63  }
0x48: {  	_ =	swait.ge [sflag:s12], $0x4000  }
0x49: {  	[sflag:s12] =	ssyncset.done $0x0  }
0x4a: {  	s31 =	sadd.s32 $0x100, s23;
	[sflag:s12] =	ssyncadd.s32 $0xFFFFC000  }
0x4b: {  	[tilespmem:s15], [sflag:$0x1] =	stream.indirect.gather [hbm4b:s8+s14], $0x80, s31, s14, $0xb8;
	[tilespmem:$0x1E800] =	vst v63  }
0x4c: {  	_ =	swait.ge [sflag:s18], $0x4000  }
0x4d: {  	[sflag:s18] =	ssyncset.done $0x0  }
0x4e: {  	s25 =	sadd.s32 $0x1880, s23;
	[sflag:s18] =	ssyncadd.s32 $0xFFFFC000  }
0x4f: {  	[spmem:s2] =	stream.indirect.scatter.add.f32 [tilespmem:s16], [sflag:$0x3], $0x80, s25, s14, $0xb8;
	[tilespmem:$0x1E800] =	vst v63  }
0x50: {  	_ =	swait.ge [sflag:s12], $0x4000  }
0x51: {  	[sflag:s12] =	ssyncset.done $0x0  }
0x52: {  	[sflag:s12] =	ssyncadd.s32 $0xFFFFC000  }
0x53: {  	_ =	swait.ge [sflag:s17], $0x4000  }
0x54: {  	[sflag:s17] =	ssyncset.done $0x0  }
0x55: {  	s26 =	simm.s32 $0x0;
	[sflag:s17] =	ssyncadd.s32 $0xFFFFC000  }
0x56: {  	[tilespmem:s26], [sflag:$0x3] =	stream.linear.gather [hbm4b:s19+s26], $0x1800, $0x38;
	[tilespmem:$0x1E800] =	vst v63  }
0x57: {  	_ =	swait.ge [sflag:s12], $0x1800  }
0x58: {  	[sflag:s12] =	ssyncset.done $0x0  }
0x59: {  	s23 =	sadd.s32 $0x280, s7;
	[sflag:s12] =	ssyncadd.s32 $0xFFFFE800  }
0x5a: {  	[tilespmem:s13], [sflag:$0x3] =	stream.linear.gather [hbm4b:s23+s26], $0x1400, $0x38;
	[tilespmem:$0x1E800] =	vst v63  }
0x5b: {  	_ =	swait.ge [sflag:s12], $0x1400  }
0x5c: {  	[sflag:s12] =	ssyncset.done $0x0  }
0x5d: {  	[sflag:s12] =	ssyncadd.s32 $0xFFFFEC00  }
0x5e: {  	[tilespmem:s15], [sflag:$0x1] =	stream.indirect.gather [hbm4b:s8+s14], $0x80, s26, s14, $0xb8;
	[tilespmem:$0x1E800] =	vst v63  }
0x5f: {  	s28 =	simm.s32 $0x80  }
0x60: {  	[tilespmem:s16], [sflag:$0x2] =	stream.indirect.gather [hbm4b:s8+s14], $0x80, s28, s14, $0xb8;
	[tilespmem:$0x1E800] =	vst v63  }
0x61: {  	_ =	swait.ge [sflag:s17], $0x4000  }
0x62: {  	[sflag:s17] =	ssyncset.done $0x0  }
0x63: {  	s29 =	simm.s32 $0x1800;
	[sflag:s17] =	ssyncadd.s32 $0xFFFFC000  }
0x64: {  	[spmem:s2] =	stream.indirect.scatter.add.f32 [tilespmem:s15], [sflag:$0x3], $0x80, s29, s14, $0xb8;
	[tilespmem:$0x1E800] =	vst v63  }
0x65: {  	_ =	swait.ge [sflag:s12], $0x4000  }
0x66: {  	[sflag:s12] =	ssyncset.done $0x0  }
0x67: {  	s30 =	simm.s32 $0x100;
	[sflag:s12] =	ssyncadd.s32 $0xFFFFC000  }
0x68: {  	[tilespmem:s15], [sflag:$0x1] =	stream.indirect.gather [hbm4b:s8+s14], $0x80, s30, s14, $0xb8;
	[tilespmem:$0x1E800] =	vst v63  }
0x69: {  	_ =	swait.ge [sflag:s18], $0x4000  }
0x6a: {  	[sflag:s18] =	ssyncset.done $0x0  }
0x6b: {  	s31 =	simm.s32 $0x1880;
	[sflag:s18] =	ssyncadd.s32 $0xFFFFC000  }
0x6c: {  	[spmem:s2] =	stream.indirect.scatter.add.f32 [tilespmem:s16], [sflag:$0x3], $0x80, s31, s14, $0xb8;
	[tilespmem:$0x1E800] =	vst v63  }
0x6d: {  	_ =	swait.ge [sflag:s12], $0x4000  }
0x6e: {  	s24 =	simm.s32 $0x100;
	s25 =	simm.s32 $0x800;
	[sflag:s12] =	ssyncset.done $0x0  }
.LBB2_4:
0x6f: {  	s26 =	sadd.s32 $0x80, s24  }
0x70: {  	[sflag:s12] =	ssyncadd.s32 $0xFFFFC000;
	s28 =	smov.u32 s25;
	s29 =	sadd.s32 $0x400, s25  }
0x71: {  	[tilespmem:s16], [sflag:$0x2] =	stream.indirect.gather [hbm4b:s8+s14], $0x80, s26, s14, $0xb8;
	[tilespmem:$0x1E800] =	vst v63  }
0x72: {  	p0 =	sne.s32 s25, $0x4C00;
	_ =	swait.ge [sflag:s17], $0x4000  }
0x73: {  	[sflag:s17] =	ssyncset.done $0x0  }
0x74: {  	s25 =	sadd.s32 $0x1800, s24;
	[sflag:s17] =	ssyncadd.s32 $0xFFFFC000  }
0x75: {  	[spmem:s2] =	stream.indirect.scatter.add.f32 [tilespmem:s15], [sflag:$0x3], $0x80, s25, s14, $0xb8;
	[tilespmem:$0x1E800] =	vst v63  }
0x76: {  	_ =	swait.ge [sflag:s12], $0x4000  }
0x77: {  	[sflag:s12] =	ssyncset.done $0x0  }
0x78: {  	s25 =	sadd.s32 $0x100, s24;
	[sflag:s12] =	ssyncadd.s32 $0xFFFFC000  }
0x79: {  	[tilespmem:s15], [sflag:$0x1] =	stream.indirect.gather [hbm4b:s8+s14], $0x80, s25, s14, $0xb8;
	[tilespmem:$0x1E800] =	vst v63  }
0x7a: {  	_ =	swait.ge [sflag:s18], $0x4000  }
.Ltmp1:
0x7b: {  	[sflag:s18] =	ssyncset.done $0x0;
	(pc) =	sbr.rel @p0 .LBB2_4-.Ltmp1, $4  }
0x7c: {  	s24 =	sadd.s32 $0x1880, s24;
	[sflag:s18] =	ssyncadd.s32 $0xFFFFC000  }
0x7d: {  	[spmem:s2] =	stream.indirect.scatter.add.f32 [tilespmem:s16], [sflag:$0x3], $0x80, s24, s14, $0xb8;
	[tilespmem:$0x1E800] =	vst v63  }
0x7e: {  	_ =	swait.ge [sflag:s12], $0x4000  }
0x7f: {  	s25 =	smov.u32 s29;
	s24 =	sshra.s32 s28, $0x2;
	[sflag:s12] =	ssyncset.done $0x0  }
0x80: {  	s25 =	sadd.s32 $0x80, s24;
	[sflag:s12] =	ssyncadd.s32 $0xFFFFC000  }
0x81: {  	[tilespmem:s16], [sflag:$0x2] =	stream.indirect.gather [hbm4b:s8+s14], $0x80, s25, s14, $0xb8;
	[tilespmem:$0x1E800] =	vst v63  }
0x82: {  	_ =	swait.ge [sflag:s17], $0x4000  }
0x83: {  	[sflag:s17] =	ssyncset.done $0x0  }
0x84: {  	s30 =	sadd.s32 $0x1800, s24;
	[sflag:s17] =	ssyncadd.s32 $0xFFFFC000  }
0x85: {  	[spmem:s2] =	stream.indirect.scatter.add.f32 [tilespmem:s15], [sflag:$0x3], $0x80, s30, s14, $0xb8;
	[tilespmem:$0x1E800] =	vst v63  }
0x86: {  	_ =	swait.ge [sflag:s12], $0x4000  }
0x87: {  	[sflag:s12] =	ssyncset.done $0x0  }
0x88: {  	s31 =	sadd.s32 $0x100, s24;
	[sflag:s12] =	ssyncadd.s32 $0xFFFFC000  }
0x89: {  	[tilespmem:s15], [sflag:$0x1] =	stream.indirect.gather [hbm4b:s8+s14], $0x80, s31, s14, $0xb8;
	[tilespmem:$0x1E800] =	vst v63  }
0x8a: {  	_ =	swait.ge [sflag:s18], $0x4000  }
0x8b: {  	[sflag:s18] =	ssyncset.done $0x0  }
0x8c: {  	s25 =	sadd.s32 $0x1880, s24;
	[sflag:s18] =	ssyncadd.s32 $0xFFFFC000  }
0x8d: {  	[spmem:s2] =	stream.indirect.scatter.add.f32 [tilespmem:s16], [sflag:$0x3], $0x80, s25, s14, $0xb8;
	[tilespmem:$0x1E800] =	vst v63  }
0x8e: {  	_ =	swait.ge [sflag:s12], $0x4000  }
0x8f: {  	[sflag:s12] =	ssyncset.done $0x0  }
0x90: {  	[sflag:s12] =	ssyncadd.s32 $0xFFFFC000  }
0x91: {  	_ =	swait.ge [sflag:s17], $0x4000  }
0x92: {  	[sflag:s17] =	ssyncset.done $0x0  }
0x93: {  	[sflag:s17] =	ssyncadd.s32 $0xFFFFC000  }
0x94: {  	[bflag:$0x0] =	sbarrier.arrive $0xFFFF  }
0x95: {  	[hbm:s20], [sflag:s5] =	dma.local [spmem:s11], $0x2780  }
0x96: {  	_ =	swait.ge [sflag:s12], $0x2780  }
0x97: {  	[sflag:s12] =	ssyncset.done $0x0  }
0x98: {  	[sflag:s12] =	ssyncadd.s32 $0xFFFFD880  }
0x99: {  	[spmem:s11], [sflag:s5] =	dma.local [hbm:s4], $0x2780  }
0x9a: {  	_ =	swait.ge [sflag:s12], $0x2780  }
0x9b: {  	[sflag:s12] =	ssyncset.done $0x0  }
0x9c: {  	[sflag:s12] =	ssyncadd.s32 $0xFFFFD880  }
0x9d: {  	s26 =	simm.s32 $0x0;
	[bflag:$0x0] =	sbarrier.arrive $0xFFFF  }
0x9e: {  	[tilespmem:s26], [sflag:$0x3] =	stream.linear.gather [hbm4b:s6+s26], $0x1800, $0x38;
	[tilespmem:$0x1E800] =	vst v63  }
0x9f: {  	_ =	swait.ge [sflag:s12], $0x1800  }
0xa0: {  	[sflag:s12] =	ssyncset.done $0x0  }
0xa1: {  	[sflag:s12] =	ssyncadd.s32 $0xFFFFE800  }
0xa2: {  	[tilespmem:s13], [sflag:$0x3] =	stream.linear.gather [hbm4b:s7+s26], $0x1400, $0x38;
	[tilespmem:$0x1E800] =	vst v63  }
0xa3: {  	_ =	swait.ge [sflag:s12], $0x1400  }
0xa4: {  	[sflag:s12] =	ssyncset.done $0x0  }
0xa5: {  	[sflag:s12] =	ssyncadd.s32 $0xFFFFEC00  }
0xa6: {  	[tilespmem:s15], [sflag:$0x1] =	stream.indirect.gather [hbm4b:s9+s14], $0x80, s26, s14, $0xb8;
	[tilespmem:$0x1E800] =	vst v63  }
0xa7: {  	s28 =	simm.s32 $0x80  }
0xa8: {  	[tilespmem:s16], [sflag:$0x2] =	stream.indirect.gather [hbm4b:s9+s14], $0x80, s28, s14, $0xb8;
	[tilespmem:$0x1E800] =	vst v63  }
0xa9: {  	_ =	swait.ge [sflag:s17], $0x4000  }
0xaa: {  	[sflag:s17] =	ssyncset.done $0x0  }
0xab: {  	s29 =	simm.s32 $0x1800;
	[sflag:s17] =	ssyncadd.s32 $0xFFFFC000  }
0xac: {  	[spmem:s2] =	stream.indirect.scatter.add.f32 [tilespmem:s15], [sflag:$0x3], $0x80, s29, s14, $0xb8;
	[tilespmem:$0x1E800] =	vst v63  }
0xad: {  	_ =	swait.ge [sflag:s12], $0x4000  }
0xae: {  	[sflag:s12] =	ssyncset.done $0x0  }
0xaf: {  	s30 =	simm.s32 $0x100;
	[sflag:s12] =	ssyncadd.s32 $0xFFFFC000  }
0xb0: {  	[tilespmem:s15], [sflag:$0x1] =	stream.indirect.gather [hbm4b:s9+s14], $0x80, s30, s14, $0xb8;
	[tilespmem:$0x1E800] =	vst v63  }
0xb1: {  	_ =	swait.ge [sflag:s18], $0x4000  }
0xb2: {  	[sflag:s18] =	ssyncset.done $0x0  }
0xb3: {  	s31 =	simm.s32 $0x1880;
	[sflag:s18] =	ssyncadd.s32 $0xFFFFC000  }
0xb4: {  	[spmem:s2] =	stream.indirect.scatter.add.f32 [tilespmem:s16], [sflag:$0x3], $0x80, s31, s14, $0xb8;
	[tilespmem:$0x1E800] =	vst v63  }
0xb5: {  	_ =	swait.ge [sflag:s12], $0x4000  }
0xb6: {  	s24 =	simm.s32 $0x100;
	s25 =	simm.s32 $0x800;
	[sflag:s12] =	ssyncset.done $0x0  }
.LBB2_6:
0xb7: {  	s26 =	sadd.s32 $0x80, s24  }
0xb8: {  	[sflag:s12] =	ssyncadd.s32 $0xFFFFC000;
	s28 =	smov.u32 s25;
	s29 =	sadd.s32 $0x400, s25  }
0xb9: {  	[tilespmem:s16], [sflag:$0x2] =	stream.indirect.gather [hbm4b:s9+s14], $0x80, s26, s14, $0xb8;
	[tilespmem:$0x1E800] =	vst v63  }
0xba: {  	p0 =	sne.s32 s25, $0x4C00;
	_ =	swait.ge [sflag:s17], $0x4000  }
0xbb: {  	[sflag:s17] =	ssyncset.done $0x0  }
0xbc: {  	s25 =	sadd.s32 $0x1800, s24;
	[sflag:s17] =	ssyncadd.s32 $0xFFFFC000  }
0xbd: {  	[spmem:s2] =	stream.indirect.scatter.add.f32 [tilespmem:s15], [sflag:$0x3], $0x80, s25, s14, $0xb8;
	[tilespmem:$0x1E800] =	vst v63  }
0xbe: {  	_ =	swait.ge [sflag:s12], $0x4000  }
0xbf: {  	[sflag:s12] =	ssyncset.done $0x0  }
0xc0: {  	s25 =	sadd.s32 $0x100, s24;
	[sflag:s12] =	ssyncadd.s32 $0xFFFFC000  }
0xc1: {  	[tilespmem:s15], [sflag:$0x1] =	stream.indirect.gather [hbm4b:s9+s14], $0x80, s25, s14, $0xb8;
	[tilespmem:$0x1E800] =	vst v63  }
0xc2: {  	_ =	swait.ge [sflag:s18], $0x4000  }
.Ltmp2:
0xc3: {  	[sflag:s18] =	ssyncset.done $0x0;
	(pc) =	sbr.rel @p0 .LBB2_6-.Ltmp2, $4  }
0xc4: {  	s24 =	sadd.s32 $0x1880, s24;
	[sflag:s18] =	ssyncadd.s32 $0xFFFFC000  }
0xc5: {  	[spmem:s2] =	stream.indirect.scatter.add.f32 [tilespmem:s16], [sflag:$0x3], $0x80, s24, s14, $0xb8;
	[tilespmem:$0x1E800] =	vst v63  }
0xc6: {  	_ =	swait.ge [sflag:s12], $0x4000  }
0xc7: {  	s25 =	smov.u32 s29;
	s24 =	sshra.s32 s28, $0x2;
	[sflag:s12] =	ssyncset.done $0x0  }
0xc8: {  	s25 =	sadd.s32 $0x80, s24;
	[sflag:s12] =	ssyncadd.s32 $0xFFFFC000  }
0xc9: {  	[tilespmem:s16], [sflag:$0x2] =	stream.indirect.gather [hbm4b:s9+s14], $0x80, s25, s14, $0xb8;
	[tilespmem:$0x1E800] =	vst v63  }
0xca: {  	_ =	swait.ge [sflag:s17], $0x4000  }
0xcb: {  	[sflag:s17] =	ssyncset.done $0x0  }
0xcc: {  	s30 =	sadd.s32 $0x1800, s24;
	[sflag:s17] =	ssyncadd.s32 $0xFFFFC000  }
0xcd: {  	[spmem:s2] =	stream.indirect.scatter.add.f32 [tilespmem:s15], [sflag:$0x3], $0x80, s30, s14, $0xb8;
	[tilespmem:$0x1E800] =	vst v63  }
0xce: {  	_ =	swait.ge [sflag:s12], $0x4000  }
0xcf: {  	[sflag:s12] =	ssyncset.done $0x0  }
0xd0: {  	s31 =	sadd.s32 $0x100, s24;
	[sflag:s12] =	ssyncadd.s32 $0xFFFFC000  }
0xd1: {  	[tilespmem:s15], [sflag:$0x1] =	stream.indirect.gather [hbm4b:s9+s14], $0x80, s31, s14, $0xb8;
	[tilespmem:$0x1E800] =	vst v63  }
0xd2: {  	_ =	swait.ge [sflag:s18], $0x4000  }
0xd3: {  	[sflag:s18] =	ssyncset.done $0x0  }
0xd4: {  	s25 =	sadd.s32 $0x1880, s24;
	[sflag:s18] =	ssyncadd.s32 $0xFFFFC000  }
0xd5: {  	[spmem:s2] =	stream.indirect.scatter.add.f32 [tilespmem:s16], [sflag:$0x3], $0x80, s25, s14, $0xb8;
	[tilespmem:$0x1E800] =	vst v63  }
0xd6: {  	_ =	swait.ge [sflag:s12], $0x4000  }
0xd7: {  	[sflag:s12] =	ssyncset.done $0x0  }
0xd8: {  	[sflag:s12] =	ssyncadd.s32 $0xFFFFC000  }
0xd9: {  	_ =	swait.ge [sflag:s17], $0x4000  }
0xda: {  	[sflag:s17] =	ssyncset.done $0x0  }
0xdb: {  	s26 =	simm.s32 $0x0;
	[sflag:s17] =	ssyncadd.s32 $0xFFFFC000  }
0xdc: {  	[tilespmem:s26], [sflag:$0x3] =	stream.linear.gather [hbm4b:s19+s26], $0x1800, $0x38;
	[tilespmem:$0x1E800] =	vst v63  }
0xdd: {  	_ =	swait.ge [sflag:s12], $0x1800  }
0xde: {  	[sflag:s12] =	ssyncset.done $0x0  }
0xdf: {  	[sflag:s12] =	ssyncadd.s32 $0xFFFFE800  }
0xe0: {  	[tilespmem:s13], [sflag:$0x3] =	stream.linear.gather [hbm4b:s23+s26], $0x1400, $0x38;
	[tilespmem:$0x1E800] =	vst v63  }
0xe1: {  	_ =	swait.ge [sflag:s12], $0x1400  }
0xe2: {  	[sflag:s12] =	ssyncset.done $0x0  }
0xe3: {  	[sflag:s12] =	ssyncadd.s32 $0xFFFFEC00  }
0xe4: {  	[tilespmem:s15], [sflag:$0x1] =	stream.indirect.gather [hbm4b:s9+s14], $0x80, s26, s14, $0xb8;
	[tilespmem:$0x1E800] =	vst v63  }
0xe5: {  	s28 =	simm.s32 $0x80  }
0xe6: {  	[tilespmem:s16], [sflag:$0x2] =	stream.indirect.gather [hbm4b:s9+s14], $0x80, s28, s14, $0xb8;
	[tilespmem:$0x1E800] =	vst v63  }
0xe7: {  	_ =	swait.ge [sflag:s17], $0x4000  }
0xe8: {  	[sflag:s17] =	ssyncset.done $0x0  }
0xe9: {  	s29 =	simm.s32 $0x1800;
	[sflag:s17] =	ssyncadd.s32 $0xFFFFC000  }
0xea: {  	[spmem:s2] =	stream.indirect.scatter.add.f32 [tilespmem:s15], [sflag:$0x3], $0x80, s29, s14, $0xb8;
	[tilespmem:$0x1E800] =	vst v63  }
0xeb: {  	_ =	swait.ge [sflag:s12], $0x4000  }
0xec: {  	[sflag:s12] =	ssyncset.done $0x0  }
0xed: {  	s30 =	simm.s32 $0x100;
	[sflag:s12] =	ssyncadd.s32 $0xFFFFC000  }
0xee: {  	[tilespmem:s15], [sflag:$0x1] =	stream.indirect.gather [hbm4b:s9+s14], $0x80, s30, s14, $0xb8;
	[tilespmem:$0x1E800] =	vst v63  }
0xef: {  	_ =	swait.ge [sflag:s18], $0x4000  }
0xf0: {  	[sflag:s18] =	ssyncset.done $0x0  }
0xf1: {  	s31 =	simm.s32 $0x1880;
	[sflag:s18] =	ssyncadd.s32 $0xFFFFC000  }
0xf2: {  	[spmem:s2] =	stream.indirect.scatter.add.f32 [tilespmem:s16], [sflag:$0x3], $0x80, s31, s14, $0xb8;
	[tilespmem:$0x1E800] =	vst v63  }
0xf3: {  	_ =	swait.ge [sflag:s12], $0x4000  }
0xf4: {  	s24 =	simm.s32 $0x800;
	s23 =	simm.s32 $0x100;
	[sflag:s12] =	ssyncset.done $0x0  }
.LBB2_8:
0xf5: {  	s25 =	sadd.s32 $0x80, s23  }
0xf6: {  	[sflag:s12] =	ssyncadd.s32 $0xFFFFC000;
	s26 =	smov.u32 s24;
	s28 =	sadd.s32 $0x400, s24  }
0xf7: {  	[tilespmem:s16], [sflag:$0x2] =	stream.indirect.gather [hbm4b:s9+s14], $0x80, s25, s14, $0xb8;
	[tilespmem:$0x1E800] =	vst v63  }
0xf8: {  	p0 =	sne.s32 s24, $0x4C00;
	_ =	swait.ge [sflag:s17], $0x4000  }
0xf9: {  	[sflag:s17] =	ssyncset.done $0x0  }
0xfa: {  	s24 =	sadd.s32 $0x1800, s23;
	[sflag:s17] =	ssyncadd.s32 $0xFFFFC000  }
0xfb: {  	[spmem:s2] =	stream.indirect.scatter.add.f32 [tilespmem:s15], [sflag:$0x3], $0x80, s24, s14, $0xb8;
	[tilespmem:$0x1E800] =	vst v63  }
0xfc: {  	_ =	swait.ge [sflag:s12], $0x4000  }
0xfd: {  	[sflag:s12] =	ssyncset.done $0x0  }
0xfe: {  	s24 =	sadd.s32 $0x100, s23;
	[sflag:s12] =	ssyncadd.s32 $0xFFFFC000  }
0xff: {  	[tilespmem:s15], [sflag:$0x1] =	stream.indirect.gather [hbm4b:s9+s14], $0x80, s24, s14, $0xb8;
	[tilespmem:$0x1E800] =	vst v63  }
0x100: {  	_ =	swait.ge [sflag:s18], $0x4000  }
.Ltmp3:
0x101: {  	[sflag:s18] =	ssyncset.done $0x0;
	(pc) =	sbr.rel @p0 .LBB2_8-.Ltmp3, $4  }
0x102: {  	s23 =	sadd.s32 $0x1880, s23;
	[sflag:s18] =	ssyncadd.s32 $0xFFFFC000  }
0x103: {  	[spmem:s2] =	stream.indirect.scatter.add.f32 [tilespmem:s16], [sflag:$0x3], $0x80, s23, s14, $0xb8;
	[tilespmem:$0x1E800] =	vst v63  }
0x104: {  	_ =	swait.ge [sflag:s12], $0x4000  }
0x105: {  	s24 =	smov.u32 s28;
	s23 =	sshra.s32 s26, $0x2;
	[sflag:s12] =	ssyncset.done $0x0  }
0x106: {  	s24 =	sadd.s32 $0x80, s23;
	[sflag:s12] =	ssyncadd.s32 $0xFFFFC000  }
0x107: {  	[tilespmem:s16], [sflag:$0x2] =	stream.indirect.gather [hbm4b:s9+s14], $0x80, s24, s14, $0xb8;
	[tilespmem:$0x1E800] =	vst v63  }
0x108: {  	_ =	swait.ge [sflag:s17], $0x4000  }
0x109: {  	[sflag:s17] =	ssyncset.done $0x0  }
0x10a: {  	s29 =	sadd.s32 $0x1800, s23;
	[sflag:s17] =	ssyncadd.s32 $0xFFFFC000  }
0x10b: {  	[spmem:s2] =	stream.indirect.scatter.add.f32 [tilespmem:s15], [sflag:$0x3], $0x80, s29, s14, $0xb8;
	[tilespmem:$0x1E800] =	vst v63  }
0x10c: {  	_ =	swait.ge [sflag:s12], $0x4000  }
0x10d: {  	[sflag:s12] =	ssyncset.done $0x0  }
0x10e: {  	s30 =	sadd.s32 $0x100, s23;
	[sflag:s12] =	ssyncadd.s32 $0xFFFFC000  }
0x10f: {  	[tilespmem:s15], [sflag:$0x1] =	stream.indirect.gather [hbm4b:s9+s14], $0x80, s30, s14, $0xb8;
	[tilespmem:$0x1E800] =	vst v63  }
0x110: {  	_ =	swait.ge [sflag:s18], $0x4000  }
0x111: {  	[sflag:s18] =	ssyncset.done $0x0  }
0x112: {  	s31 =	sadd.s32 $0x1880, s23;
	[sflag:s18] =	ssyncadd.s32 $0xFFFFC000  }
0x113: {  	[spmem:s2] =	stream.indirect.scatter.add.f32 [tilespmem:s16], [sflag:$0x3], $0x80, s31, s14, $0xb8;
	[tilespmem:$0x1E800] =	vst v63  }
0x114: {  	_ =	swait.ge [sflag:s12], $0x4000  }
0x115: {  	[sflag:s12] =	ssyncset.done $0x0  }
0x116: {  	[sflag:s12] =	ssyncadd.s32 $0xFFFFC000  }
0x117: {  	_ =	swait.ge [sflag:s17], $0x4000  }
0x118: {  	s22 =	sadd.s32 $0x1, s22;
	[sflag:s17] =	ssyncset.done $0x0  }
0x119: {  	p0 =	sne.s32 s22, s10;
	[sflag:s17] =	ssyncadd.s32 $0xFFFFC000  }
.Ltmp4:
0x11a: {  	[bflag:$0x0] =	sbarrier.arrive $0xFFFF;
	(pc) =	sbr.rel @p0 .LBB2_1-.Ltmp4, $4  }
0x11b: {  	[hbm:s21], [sflag:s5] =	dma.local [spmem:s11], $0x2780  }
0x11c: {  	_ =	swait.ge [sflag:s12], $0x2780  }
0x11d: {  	[sflag:s12] =	ssyncset.done $0x0  }
0x11e: {  	[sflag:s12] =	ssyncadd.s32 $0xFFFFD880  }
0x11f: {  	_ =	sfence.sel $0x180000  }
0x120: {  	[bflag:$0x0] =	sbarrier.arrive $0xFFFF  }
0x121: {  	p0 =	sne.s32 s1, $0x0;
	_ =	strace $0x9000004D  }
0x122: {  	s0 =	sadd.s32 @!p0 $0x100000, s0;
	[bflag:$0x2] =	sbarrier.arrive $0xFFFF  }
0x123: {  	[sflag:s0] =	ssyncadd.tile.s32 @!p0 $0x1;
	_ =	shalt  }
.Lfunc_end2:
_tile_overlayer_lowered:
.L_overlay_start_2:
0x124: {  	(tag) =	ssettag $0x2  }
0x125: {  	s0 =	rddreg [dreg:$0x0];
	s2 =	stileid.u32  }
0x126: {  	s1 =	rddreg [dreg:$0x1];
	p0 =	sne.s32 s2, $0x0  }
0x127: {  	s3 =	rddreg [dreg:$0x2];
	[bflag:$0x3] =	sbarrier.arrive $0xFFFF;
	s2 =	simm.s32 @!p0 $0x1C03  }
0x128: {  	[timem:s3], [sflag:s2] =	dma.local @!p0 [hbm:s0], s1  }
0x129: {  	s0 =	simm.s32 @!p0 $0x3  }
0x12a: {  	_ =	swait.ge @!p0 [sflag:s0], s1  }
0x12b: {  	s1 =	ssub.s32 @!p0 $0x0, s1;
	[sflag:s0] =	ssyncset.done @!p0 $0x0  }
0x12c: {  	[sflag:s0] =	ssyncadd.s32 @!p0 s1  }
0x12d: {  	[bflag:$0x3] =	sbarrier.arrive $0xFFFF  }
0x12e: {  	_ =	shalt  }

</sc_bundles>
